<compile_context>
chip_gen: v7x
topology: tpu7x:2x2x1
jax: 0.10.2.dev20260603
libtpu: 0.0.44.dev20260713+nightly
codegen_flags: <defaults>
</compile_context>

<pallas_src>
import functools
import jax
import jax.numpy as jnp
from jax import lax
from jax.experimental import pallas as pl
from jax.experimental.pallas import tpu as pltpu
from jax.experimental.pallas import tpu_sc as plsc

_BATCH = 16384
_D = 128
_S = 50
_P = 16
_TILE = 2048

_SC_ROWS = 2048
_TC_ROWS = _BATCH - _SC_ROWS
_NW = 32
_RPT = _SC_ROWS // _NW
_CHUNKS = _D // 16


def _coef_kernel(program_ref, step_emb_ref, lib_W_ref, lib_b_ref,
                 w_ref, c_ref, w2_ref, c2_ref):
    p = jax.nn.softmax(program_ref[:], axis=-1)
    w = jnp.dot(p, lib_W_ref[:], preferred_element_type=jnp.float32)
    b = jnp.dot(p, lib_b_ref[:], preferred_element_type=jnp.float32)
    c = step_emb_ref[:] * w + b
    w_ref[:] = w
    c_ref[:] = c
    w2_ref[:] = 2.0 * w
    c2_ref[:] = 2.0 * c


def _coefs(program, step_emb, lib_W, lib_b):
    out = jax.ShapeDtypeStruct((_S, _D), jnp.float32)
    return pl.pallas_call(
        _coef_kernel,
        out_shape=(out, out, out, out),
    )(program, step_emb, lib_W, lib_b)


def _tc_kernel(w_ref, c_ref, state_ref, out_ref):
    x = state_ref[:]
    for i in range(_S):
        x = jnp.tanh(x * w_ref[i] + c_ref[i])
    out_ref[:] = x


def _tc_run(state_tc, w, c):
    grid = (_TC_ROWS // _TILE,)
    return pl.pallas_call(
        _tc_kernel,
        grid=grid,
        in_specs=[
            pl.BlockSpec((_S, _D), lambda i: (0, 0)),
            pl.BlockSpec((_S, _D), lambda i: (0, 0)),
            pl.BlockSpec((_TILE, _D), lambda i: (i, 0)),
        ],
        out_specs=pl.BlockSpec((_TILE, _D), lambda i: (i, 0)),
        out_shape=jax.ShapeDtypeStruct((_TC_ROWS, _D), jnp.float32),
    )(w, c, state_tc)


def _sc_run(state_sc, w2, c2):
    mesh = plsc.VectorSubcoreMesh(core_axis_name="c", subcore_axis_name="s",
                                  num_cores=2, num_subcores=16)

    @functools.partial(
        pl.kernel,
        mesh=mesh,
        out_type=jax.ShapeDtypeStruct((_SC_ROWS, _D), jnp.float32),
        scratch_types=[
            pltpu.VMEM((_S, _D), jnp.float32),
            pltpu.VMEM((_S, _D), jnp.float32),
            pltpu.VMEM((_RPT, _D), jnp.float32),
        ],
    )
    def sc_k(state_hbm, w2_hbm, c2_hbm, out_hbm, w2_v, c2_v, x_v):
        wid = lax.axis_index("s") * 2 + lax.axis_index("c")
        base = wid * _RPT
        pltpu.sync_copy(w2_hbm, w2_v)
        pltpu.sync_copy(c2_hbm, c2_v)
        pltpu.sync_copy(state_hbm.at[pl.ds(base, _RPT)], x_v)

        def step_body(s, carry):
            for k in range(_CHUNKS):
                wv = w2_v[s, pl.ds(k * 16, 16)]
                cv = c2_v[s, pl.ds(k * 16, 16)]

                def row_body(r, _, k=k, wv=wv, cv=cv):
                    x = x_v[r, pl.ds(k * 16, 16)]
                    e = jnp.exp(x * wv + cv)
                    x_v[r, pl.ds(k * 16, 16)] = 1.0 - 2.0 / (1.0 + e)
                    return 0

                lax.fori_loop(0, _RPT, row_body, 0, unroll=8)
            return carry

        lax.fori_loop(0, _S, step_body, 0)
        pltpu.sync_copy(x_v, out_hbm.at[pl.ds(base, _RPT)])

    return sc_k(state_sc, w2, c2)


def kernel(state, program, step_emb, lib_W, lib_b):
    w, c, w2, c2 = _coefs(program, step_emb, lib_W, lib_b)
    final_sc = _sc_run(state[_TC_ROWS:], w2, c2)
    final_tc = _tc_run(state[:_TC_ROWS], w, c)
    final = jnp.concatenate([final_tc, final_sc], axis=0)
    return (final, program)

# --- scband reference (transcript-rebuilt; emitter-appended) ---
"""Pipeline reference for scband-program-executor-36524401885471 (READ-ONLY COPY).

The authoritative reference and input builder live on the scoring server;
editing this copy changes nothing except your own understanding.
"""

import jax, jax.numpy as jnp
import numpy as np

BATCH = 16384
STATE_DIM = 128
NUM_STEPS = 50
NUM_PRIMS = 16


def setup_inputs(seed: int = 0) -> dict:
    key = jax.random.key(seed)
    k1, k2, k3, k4, k5 = jax.random.split(key, 5)
    state = jax.random.normal(k1, (BATCH, STATE_DIM), dtype=jnp.float32)
    # program: per-step soft selection logits over library primitives
    program = jax.random.normal(k2, (NUM_STEPS, NUM_PRIMS), dtype=jnp.float32)
    # learned parameters: nn.Embedding(num_steps, state_dim) table
    step_emb = jax.random.normal(k3, (NUM_STEPS, STATE_DIM), dtype=jnp.float32) * 0.02
    # library of primitives: per-primitive elementwise affine (scale, shift)
    lib_W = jax.random.normal(k4, (NUM_PRIMS, STATE_DIM), dtype=jnp.float32)
    lib_b = jax.random.normal(k5, (NUM_PRIMS, STATE_DIM), dtype=jnp.float32) * 0.1
    return {"state": state, "program": program, "step_emb": step_emb, "lib_W": lib_W, "lib_b": lib_b}


def reference(state, program, step_emb, lib_W, lib_b):
    # Faithful translation: for each step, look up step embedding (gather from
    # embedding table), add to state, then lib.apply_soft(sel, .) mixes the
    # library primitives with softmax(sel) weights (soft program execution).
    steps = jnp.arange(NUM_STEPS)
    embs = jnp.take(step_emb, steps, axis=0)  # embedding lookup [NUM_STEPS, D]

    def body(carry, xs):
        emb, sel = xs
        p = jax.nn.softmax(sel)            # [P]
        w = p @ lib_W                      # [D]
        b = p @ lib_b                      # [D]
        new = jnp.tanh((carry + emb[None, :]) * w[None, :] + b[None, :])
        return new, jax.lax.stop_gradient(sel)

    final, trace = jax.lax.scan(body, state, (embs, program))
    return (final, trace)

if __name__ == "__main__":
    import jax
    _d = setup_inputs()
    print(jax.jit(kernel)(*tuple(_d.values())))

</pallas_src>

<mosaic_0001>
#map = affine_map<(d0, d1) -> (0, 0)>
module attributes {stable_mosaic.version = 14 : i64} {
  func.func @sc_k(%arg0: i32, %arg1: i32, %arg2: memref<2048x128xf32, #tpu.memory_space<hbm>>, %arg3: memref<50x128xf32, #tpu.memory_space<hbm>>, %arg4: memref<50x128xf32, #tpu.memory_space<hbm>>, %arg5: memref<2048x128xf32, #tpu.memory_space<hbm>>, %arg6: memref<50x128xf32, #tpu.memory_space<vmem>>, %arg7: memref<50x128xf32, #tpu.memory_space<vmem>>, %arg8: memref<64x128xf32, #tpu.memory_space<vmem>>) attributes {dimension_semantics = [#tpu.dimension_semantics<core_parallel>, #tpu.dimension_semantics<subcore_parallel>], iteration_bounds = array<i64: 2, 16>, scalar_prefetch = 0 : i64, scratch_operands = 3 : i64, tpu.core_type = #tpu.core_type<sc_vector_subcore>, window_params = [{transform_indices = #map}, {transform_indices = #map}, {transform_indices = #map}, {transform_indices = #map}]} {
    %mul3A = arith.constant 2 : i32
    %mul3A_0 = arith.muli %arg1, %mul3A : i32
    %add3A = arith.addi %mul3A_0, %arg0 : i32
    %mul3A_1 = arith.constant 64 : i32
    %mul3A_2 = arith.muli %add3A, %mul3A_1 : i32
    "tpu.region"() ({
      %run_scoped3A = tpu.sem_alloc : memref<!tpu.dma_semaphore, #tpu.memory_space<semaphore_mem>>
      tpu.enqueue_dma source(%arg3 : memref<50x128xf32, #tpu.memory_space<hbm>>) target(%arg6 : memref<50x128xf32, #tpu.memory_space<vmem>>) target_semaphore(%run_scoped3A : memref<!tpu.dma_semaphore, #tpu.memory_space<semaphore_mem>>)
      tpu.wait_dma2 semaphore(%run_scoped3A : memref<!tpu.dma_semaphore, #tpu.memory_space<semaphore_mem>>) src(%arg3 : memref<50x128xf32, #tpu.memory_space<hbm>>) dst(%arg6 : memref<50x128xf32, #tpu.memory_space<vmem>>)
      tpu.yield
    }) : () -> ()
    "tpu.region"() ({
      %run_scoped3A = tpu.sem_alloc : memref<!tpu.dma_semaphore, #tpu.memory_space<semaphore_mem>>
      tpu.enqueue_dma source(%arg4 : memref<50x128xf32, #tpu.memory_space<hbm>>) target(%arg7 : memref<50x128xf32, #tpu.memory_space<vmem>>) target_semaphore(%run_scoped3A : memref<!tpu.dma_semaphore, #tpu.memory_space<semaphore_mem>>)
      tpu.wait_dma2 semaphore(%run_scoped3A : memref<!tpu.dma_semaphore, #tpu.memory_space<semaphore_mem>>) src(%arg4 : memref<50x128xf32, #tpu.memory_space<hbm>>) dst(%arg7 : memref<50x128xf32, #tpu.memory_space<vmem>>)
      tpu.yield
    }) : () -> ()
    "tpu.region"() ({
      %run_scoped3A = tpu.sem_alloc : memref<!tpu.dma_semaphore, #tpu.memory_space<semaphore_mem>>
      %dma_start3A = arith.constant 0 : i32
      %dma_start3A_8 = tpu.memref_slice %arg2[%mul3A_2, %dma_start3A] : memref<2048x128xf32, #tpu.memory_space<hbm>> -> memref<64x128xf32, #tpu.memory_space<hbm>>
      %dma_start3A_9 = arith.constant 0 : i32
      %dma_start3A_10 = tpu.memref_slice %arg2[%mul3A_2, %dma_start3A_9] : memref<2048x128xf32, #tpu.memory_space<hbm>> -> memref<64x128xf32, #tpu.memory_space<hbm>>
      tpu.enqueue_dma source(%dma_start3A_10 : memref<64x128xf32, #tpu.memory_space<hbm>>) target(%arg8 : memref<64x128xf32, #tpu.memory_space<vmem>>) target_semaphore(%run_scoped3A : memref<!tpu.dma_semaphore, #tpu.memory_space<semaphore_mem>>)
      %dma_wait3A = arith.constant 0 : i32
      %dma_wait3A_11 = tpu.memref_slice %arg2[%mul3A_2, %dma_wait3A] : memref<2048x128xf32, #tpu.memory_space<hbm>> -> memref<64x128xf32, #tpu.memory_space<hbm>>
      %dma_wait3A_12 = arith.constant 0 : i32
      %dma_wait3A_13 = tpu.memref_slice %arg2[%mul3A_2, %dma_wait3A_12] : memref<2048x128xf32, #tpu.memory_space<hbm>> -> memref<64x128xf32, #tpu.memory_space<hbm>>
      tpu.wait_dma2 semaphore(%run_scoped3A : memref<!tpu.dma_semaphore, #tpu.memory_space<semaphore_mem>>) src(%dma_wait3A_13 : memref<64x128xf32, #tpu.memory_space<hbm>>) dst(%arg8 : memref<64x128xf32, #tpu.memory_space<vmem>>)
      tpu.yield
    }) : () -> ()
    %scan3A = arith.constant 0 : i32
    %scan3A_3 = arith.constant 0 : i32
    %scan3A_4 = arith.constant 50 : i32
    %scan3A_5 = arith.addi %scan3A_3, %scan3A_4 : i32
    %scan3A_6 = arith.constant 1 : i32
    scf.for %scan3A_8 = %scan3A_3 to %scan3A_5 step %scan3A_6  : i32 {
      %get3A = arith.index_cast %scan3A_8 : i32 to index
      %get3A_9 = arith.constant 0 : index
      %get3A_10 = tpu.vector_load %arg6[%get3A, %get3A_9] {strides = array<i32>} : memref<50x128xf32, #tpu.memory_space<vmem>>, vector<1x16xf32>,
      %get3A_11 = vector.shape_cast %get3A_10 : vector<1x16xf32> to vector<16xf32>
      %get3A_12 = arith.index_cast %scan3A_8 : i32 to index
      %get3A_13 = arith.constant 0 : index
      %get3A_14 = tpu.vector_load %arg7[%get3A_12, %get3A_13] {strides = array<i32>} : memref<50x128xf32, #tpu.memory_space<vmem>>, vector<1x16xf32>,
      %get3A_15 = vector.shape_cast %get3A_14 : vector<1x16xf32> to vector<16xf32>
      %scan3A_16 = arith.constant 0 : i32
      %scan3A_17 = arith.constant 0 : i32
      %scan3A_18 = arith.constant 64 : i32
      %scan3A_19 = arith.addi %scan3A_17, %scan3A_18 : i32
      %scan3A_20 = arith.constant 8 : i32
      %scan3A_21 = scf.for %scan3A_128 = %scan3A_17 to %scan3A_19 step %scan3A_20 iter_args(%scan3A_129 = %scan3A_16) -> (i32)  : i32 {
        %get3A_130 = arith.index_cast %scan3A_128 : i32 to index
        %get3A_131 = arith.constant 0 : index
        %get3A_132 = tpu.vector_load %arg8[%get3A_130, %get3A_131] {strides = array<i32>} : memref<64x128xf32, #tpu.memory_space<vmem>>, vector<1x16xf32>,
        %get3A_133 = vector.shape_cast %get3A_132 : vector<1x16xf32> to vector<16xf32>
        %mul3A_134 = arith.mulf %get3A_133, %get3A_11 : vector<16xf32>
        %add3A_135 = arith.addf %mul3A_134, %get3A_15 : vector<16xf32>
        %exp3A = math.exp %add3A_135 : vector<16xf32>
        %add3A_136 = arith.constant 1.000000e+00 : f32
        %add3A_137 = vector.broadcast %add3A_136 : f32 to vector<16xf32>
        %add3A_138 = arith.addf %add3A_137, %exp3A : vector<16xf32>
        %div3A = arith.constant 2.000000e+00 : f32
        %div3A_139 = vector.broadcast %div3A : f32 to vector<16xf32>
        %div3A_140 = arith.divf %div3A_139, %add3A_138 : vector<16xf32>
        %sub3A = arith.constant 1.000000e+00 : f32
        %sub3A_141 = vector.broadcast %sub3A : f32 to vector<16xf32>
        %sub3A_142 = arith.subf %sub3A_141, %div3A_140 : vector<16xf32>
        %swap3A = arith.index_cast %scan3A_128 : i32 to index
        %swap3A_143 = arith.constant 0 : index
        %swap3A_144 = tpu.vector_load %arg8[%swap3A, %swap3A_143] {strides = array<i32>} : memref<64x128xf32, #tpu.memory_space<vmem>>, vector<1x16xf32>,
        %swap3A_145 = vector.shape_cast %swap3A_144 : vector<1x16xf32> to vector<16xf32>
        %swap3A_146 = vector.shape_cast %sub3A_142 : vector<16xf32> to vector<1x16xf32>
        tpu.vector_store %arg8[%swap3A, %swap3A_143], %swap3A_146 {strides = array<i32>} : memref<64x128xf32, #tpu.memory_space<vmem>>, vector<1x16xf32>,
        %scan3A_147 = arith.constant 0 : i32
        %scan3A_148 = arith.constant 1 : i32
        %scan3A_149 = arith.addi %scan3A_128, %scan3A_148 : i32
        %get3A_150 = arith.index_cast %scan3A_149 : i32 to index
        %get3A_151 = arith.constant 0 : index
        %get3A_152 = tpu.vector_load %arg8[%get3A_150, %get3A_151] {strides = array<i32>} : memref<64x128xf32, #tpu.memory_space<vmem>>, vector<1x16xf32>,
        %get3A_153 = vector.shape_cast %get3A_152 : vector<1x16xf32> to vector<16xf32>
        %mul3A_154 = arith.mulf %get3A_153, %get3A_11 : vector<16xf32>
        %add3A_155 = arith.addf %mul3A_154, %get3A_15 : vector<16xf32>
        %exp3A_156 = math.exp %add3A_155 : vector<16xf32>
        %add3A_157 = arith.constant 1.000000e+00 : f32
        %add3A_158 = vector.broadcast %add3A_157 : f32 to vector<16xf32>
        %add3A_159 = arith.addf %add3A_158, %exp3A_156 : vector<16xf32>
        %div3A_160 = arith.constant 2.000000e+00 : f32
        %div3A_161 = vector.broadcast %div3A_160 : f32 to vector<16xf32>
        %div3A_162 = arith.divf %div3A_161, %add3A_159 : vector<16xf32>
        %sub3A_163 = arith.constant 1.000000e+00 : f32
        %sub3A_164 = vector.broadcast %sub3A_163 : f32 to vector<16xf32>
        %sub3A_165 = arith.subf %sub3A_164, %div3A_162 : vector<16xf32>
        %swap3A_166 = arith.index_cast %scan3A_149 : i32 to index
        %swap3A_167 = arith.constant 0 : index
        %swap3A_168 = tpu.vector_load %arg8[%swap3A_166, %swap3A_167] {strides = array<i32>} : memref<64x128xf32, #tpu.memory_space<vmem>>, vector<1x16xf32>,
        %swap3A_169 = vector.shape_cast %swap3A_168 : vector<1x16xf32> to vector<16xf32>
        %swap3A_170 = vector.shape_cast %sub3A_165 : vector<16xf32> to vector<1x16xf32>
        tpu.vector_store %arg8[%swap3A_166, %swap3A_167], %swap3A_170 {strides = array<i32>} : memref<64x128xf32, #tpu.memory_space<vmem>>, vector<1x16xf32>,
        %scan3A_171 = arith.constant 0 : i32
        %scan3A_172 = arith.constant 2 : i32
        %scan3A_173 = arith.addi %scan3A_128, %scan3A_172 : i32
        %get3A_174 = arith.index_cast %scan3A_173 : i32 to index
        %get3A_175 = arith.constant 0 : index
        %get3A_176 = tpu.vector_load %arg8[%get3A_174, %get3A_175] {strides = array<i32>} : memref<64x128xf32, #tpu.memory_space<vmem>>, vector<1x16xf32>,
        %get3A_177 = vector.shape_cast %get3A_176 : vector<1x16xf32> to vector<16xf32>
        %mul3A_178 = arith.mulf %get3A_177, %get3A_11 : vector<16xf32>
        %add3A_179 = arith.addf %mul3A_178, %get3A_15 : vector<16xf32>
        %exp3A_180 = math.exp %add3A_179 : vector<16xf32>
        %add3A_181 = arith.constant 1.000000e+00 : f32
        %add3A_182 = vector.broadcast %add3A_181 : f32 to vector<16xf32>
        %add3A_183 = arith.addf %add3A_182, %exp3A_180 : vector<16xf32>
        %div3A_184 = arith.constant 2.000000e+00 : f32
        %div3A_185 = vector.broadcast %div3A_184 : f32 to vector<16xf32>
        %div3A_186 = arith.divf %div3A_185, %add3A_183 : vector<16xf32>
        %sub3A_187 = arith.constant 1.000000e+00 : f32
        %sub3A_188 = vector.broadcast %sub3A_187 : f32 to vector<16xf32>
        %sub3A_189 = arith.subf %sub3A_188, %div3A_186 : vector<16xf32>
        %swap3A_190 = arith.index_cast %scan3A_173 : i32 to index
        %swap3A_191 = arith.constant 0 : index
        %swap3A_192 = tpu.vector_load %arg8[%swap3A_190, %swap3A_191] {strides = array<i32>} : memref<64x128xf32, #tpu.memory_space<vmem>>, vector<1x16xf32>,
        %swap3A_193 = vector.shape_cast %swap3A_192 : vector<1x16xf32> to vector<16xf32>
        %swap3A_194 = vector.shape_cast %sub3A_189 : vector<16xf32> to vector<1x16xf32>
        tpu.vector_store %arg8[%swap3A_190, %swap3A_191], %swap3A_194 {strides = array<i32>} : memref<64x128xf32, #tpu.memory_space<vmem>>, vector<1x16xf32>,
        %scan3A_195 = arith.constant 0 : i32
        %scan3A_196 = arith.constant 3 : i32
        %scan3A_197 = arith.addi %scan3A_128, %scan3A_196 : i32
        %get3A_198 = arith.index_cast %scan3A_197 : i32 to index
        %get3A_199 = arith.constant 0 : index
        %get3A_200 = tpu.vector_load %arg8[%get3A_198, %get3A_199] {strides = array<i32>} : memref<64x128xf32, #tpu.memory_space<vmem>>, vector<1x16xf32>,
        %get3A_201 = vector.shape_cast %get3A_200 : vector<1x16xf32> to vector<16xf32>
        %mul3A_202 = arith.mulf %get3A_201, %get3A_11 : vector<16xf32>
        %add3A_203 = arith.addf %mul3A_202, %get3A_15 : vector<16xf32>
        %exp3A_204 = math.exp %add3A_203 : vector<16xf32>
        %add3A_205 = arith.constant 1.000000e+00 : f32
        %add3A_206 = vector.broadcast %add3A_205 : f32 to vector<16xf32>
        %add3A_207 = arith.addf %add3A_206, %exp3A_204 : vector<16xf32>
        %div3A_208 = arith.constant 2.000000e+00 : f32
        %div3A_209 = vector.broadcast %div3A_208 : f32 to vector<16xf32>
        %div3A_210 = arith.divf %div3A_209, %add3A_207 : vector<16xf32>
        %sub3A_211 = arith.constant 1.000000e+00 : f32
        %sub3A_212 = vector.broadcast %sub3A_211 : f32 to vector<16xf32>
        %sub3A_213 = arith.subf %sub3A_212, %div3A_210 : vector<16xf32>
        %swap3A_214 = arith.index_cast %scan3A_197 : i32 to index
        %swap3A_215 = arith.constant 0 : index
        %swap3A_216 = tpu.vector_load %arg8[%swap3A_214, %swap3A_215] {strides = array<i32>} : memref<64x128xf32, #tpu.memory_space<vmem>>, vector<1x16xf32>,
        %swap3A_217 = vector.shape_cast %swap3A_216 : vector<1x16xf32> to vector<16xf32>
        %swap3A_218 = vector.shape_cast %sub3A_213 : vector<16xf32> to vector<1x16xf32>
        tpu.vector_store %arg8[%swap3A_214, %swap3A_215], %swap3A_218 {strides = array<i32>} : memref<64x128xf32, #tpu.memory_space<vmem>>, vector<1x16xf32>,
        %scan3A_219 = arith.constant 0 : i32
        %scan3A_220 = arith.constant 4 : i32
        %scan3A_221 = arith.addi %scan3A_128, %scan3A_220 : i32
        %get3A_222 = arith.index_cast %scan3A_221 : i32 to index
        %get3A_223 = arith.constant 0 : index
        %get3A_224 = tpu.vector_load %arg8[%get3A_222, %get3A_223] {strides = array<i32>} : memref<64x128xf32, #tpu.memory_space<vmem>>, vector<1x16xf32>,
        %get3A_225 = vector.shape_cast %get3A_224 : vector<1x16xf32> to vector<16xf32>
        %mul3A_226 = arith.mulf %get3A_225, %get3A_11 : vector<16xf32>
        %add3A_227 = arith.addf %mul3A_226, %get3A_15 : vector<16xf32>
        %exp3A_228 = math.exp %add3A_227 : vector<16xf32>
        %add3A_229 = arith.constant 1.000000e+00 : f32
        %add3A_230 = vector.broadcast %add3A_229 : f32 to vector<16xf32>
        %add3A_231 = arith.addf %add3A_230, %exp3A_228 : vector<16xf32>
        %div3A_232 = arith.constant 2.000000e+00 : f32
        %div3A_233 = vector.broadcast %div3A_232 : f32 to vector<16xf32>
        %div3A_234 = arith.divf %div3A_233, %add3A_231 : vector<16xf32>
        %sub3A_235 = arith.constant 1.000000e+00 : f32
        %sub3A_236 = vector.broadcast %sub3A_235 : f32 to vector<16xf32>
        %sub3A_237 = arith.subf %sub3A_236, %div3A_234 : vector<16xf32>
        %swap3A_238 = arith.index_cast %scan3A_221 : i32 to index
        %swap3A_239 = arith.constant 0 : index
        %swap3A_240 = tpu.vector_load %arg8[%swap3A_238, %swap3A_239] {strides = array<i32>} : memref<64x128xf32, #tpu.memory_space<vmem>>, vector<1x16xf32>,
        %swap3A_241 = vector.shape_cast %swap3A_240 : vector<1x16xf32> to vector<16xf32>
        %swap3A_242 = vector.shape_cast %sub3A_237 : vector<16xf32> to vector<1x16xf32>
        tpu.vector_store %arg8[%swap3A_238, %swap3A_239], %swap3A_242 {strides = array<i32>} : memref<64x128xf32, #tpu.memory_space<vmem>>, vector<1x16xf32>,
        %scan3A_243 = arith.constant 0 : i32
        %scan3A_244 = arith.constant 5 : i32
        %scan3A_245 = arith.addi %scan3A_128, %scan3A_244 : i32
        %get3A_246 = arith.index_cast %scan3A_245 : i32 to index
        %get3A_247 = arith.constant 0 : index
        %get3A_248 = tpu.vector_load %arg8[%get3A_246, %get3A_247] {strides = array<i32>} : memref<64x128xf32, #tpu.memory_space<vmem>>, vector<1x16xf32>,
        %get3A_249 = vector.shape_cast %get3A_248 : vector<1x16xf32> to vector<16xf32>
        %mul3A_250 = arith.mulf %get3A_249, %get3A_11 : vector<16xf32>
        %add3A_251 = arith.addf %mul3A_250, %get3A_15 : vector<16xf32>
        %exp3A_252 = math.exp %add3A_251 : vector<16xf32>
        %add3A_253 = arith.constant 1.000000e+00 : f32
        %add3A_254 = vector.broadcast %add3A_253 : f32 to vector<16xf32>
        %add3A_255 = arith.addf %add3A_254, %exp3A_252 : vector<16xf32>
        %div3A_256 = arith.constant 2.000000e+00 : f32
        %div3A_257 = vector.broadcast %div3A_256 : f32 to vector<16xf32>
        %div3A_258 = arith.divf %div3A_257, %add3A_255 : vector<16xf32>
        %sub3A_259 = arith.constant 1.000000e+00 : f32
        %sub3A_260 = vector.broadcast %sub3A_259 : f32 to vector<16xf32>
        %sub3A_261 = arith.subf %sub3A_260, %div3A_258 : vector<16xf32>
        %swap3A_262 = arith.index_cast %scan3A_245 : i32 to index
        %swap3A_263 = arith.constant 0 : index
        %swap3A_264 = tpu.vector_load %arg8[%swap3A_262, %swap3A_263] {strides = array<i32>} : memref<64x128xf32, #tpu.memory_space<vmem>>, vector<1x16xf32>,
        %swap3A_265 = vector.shape_cast %swap3A_264 : vector<1x16xf32> to vector<16xf32>
        %swap3A_266 = vector.shape_cast %sub3A_261 : vector<16xf32> to vector<1x16xf32>
        tpu.vector_store %arg8[%swap3A_262, %swap3A_263], %swap3A_266 {strides = array<i32>} : memref<64x128xf32, #tpu.memory_space<vmem>>, vector<1x16xf32>,
        %scan3A_267 = arith.constant 0 : i32
        %scan3A_268 = arith.constant 6 : i32
        %scan3A_269 = arith.addi %scan3A_128, %scan3A_268 : i32
        %get3A_270 = arith.index_cast %scan3A_269 : i32 to index
        %get3A_271 = arith.constant 0 : index
        %get3A_272 = tpu.vector_load %arg8[%get3A_270, %get3A_271] {strides = array<i32>} : memref<64x128xf32, #tpu.memory_space<vmem>>, vector<1x16xf32>,
        %get3A_273 = vector.shape_cast %get3A_272 : vector<1x16xf32> to vector<16xf32>
        %mul3A_274 = arith.mulf %get3A_273, %get3A_11 : vector<16xf32>
        %add3A_275 = arith.addf %mul3A_274, %get3A_15 : vector<16xf32>
        %exp3A_276 = math.exp %add3A_275 : vector<16xf32>
        %add3A_277 = arith.constant 1.000000e+00 : f32
        %add3A_278 = vector.broadcast %add3A_277 : f32 to vector<16xf32>
        %add3A_279 = arith.addf %add3A_278, %exp3A_276 : vector<16xf32>
        %div3A_280 = arith.constant 2.000000e+00 : f32
        %div3A_281 = vector.broadcast %div3A_280 : f32 to vector<16xf32>
        %div3A_282 = arith.divf %div3A_281, %add3A_279 : vector<16xf32>
        %sub3A_283 = arith.constant 1.000000e+00 : f32
        %sub3A_284 = vector.broadcast %sub3A_283 : f32 to vector<16xf32>
        %sub3A_285 = arith.subf %sub3A_284, %div3A_282 : vector<16xf32>
        %swap3A_286 = arith.index_cast %scan3A_269 : i32 to index
        %swap3A_287 = arith.constant 0 : index
        %swap3A_288 = tpu.vector_load %arg8[%swap3A_286, %swap3A_287] {strides = array<i32>} : memref<64x128xf32, #tpu.memory_space<vmem>>, vector<1x16xf32>,
        %swap3A_289 = vector.shape_cast %swap3A_288 : vector<1x16xf32> to vector<16xf32>
        %swap3A_290 = vector.shape_cast %sub3A_285 : vector<16xf32> to vector<1x16xf32>
        tpu.vector_store %arg8[%swap3A_286, %swap3A_287], %swap3A_290 {strides = array<i32>} : memref<64x128xf32, #tpu.memory_space<vmem>>, vector<1x16xf32>,
        %scan3A_291 = arith.constant 0 : i32
        %scan3A_292 = arith.constant 7 : i32
        %scan3A_293 = arith.addi %scan3A_128, %scan3A_292 : i32
        %get3A_294 = arith.index_cast %scan3A_293 : i32 to index
        %get3A_295 = arith.constant 0 : index
        %get3A_296 = tpu.vector_load %arg8[%get3A_294, %get3A_295] {strides = array<i32>} : memref<64x128xf32, #tpu.memory_space<vmem>>, vector<1x16xf32>,
        %get3A_297 = vector.shape_cast %get3A_296 : vector<1x16xf32> to vector<16xf32>
        %mul3A_298 = arith.mulf %get3A_297, %get3A_11 : vector<16xf32>
        %add3A_299 = arith.addf %mul3A_298, %get3A_15 : vector<16xf32>
        %exp3A_300 = math.exp %add3A_299 : vector<16xf32>
        %add3A_301 = arith.constant 1.000000e+00 : f32
        %add3A_302 = vector.broadcast %add3A_301 : f32 to vector<16xf32>
        %add3A_303 = arith.addf %add3A_302, %exp3A_300 : vector<16xf32>
        %div3A_304 = arith.constant 2.000000e+00 : f32
        %div3A_305 = vector.broadcast %div3A_304 : f32 to vector<16xf32>
        %div3A_306 = arith.divf %div3A_305, %add3A_303 : vector<16xf32>
        %sub3A_307 = arith.constant 1.000000e+00 : f32
        %sub3A_308 = vector.broadcast %sub3A_307 : f32 to vector<16xf32>
        %sub3A_309 = arith.subf %sub3A_308, %div3A_306 : vector<16xf32>
        %swap3A_310 = arith.index_cast %scan3A_293 : i32 to index
        %swap3A_311 = arith.constant 0 : index
        %swap3A_312 = tpu.vector_load %arg8[%swap3A_310, %swap3A_311] {strides = array<i32>} : memref<64x128xf32, #tpu.memory_space<vmem>>, vector<1x16xf32>,
        %swap3A_313 = vector.shape_cast %swap3A_312 : vector<1x16xf32> to vector<16xf32>
        %swap3A_314 = vector.shape_cast %sub3A_309 : vector<16xf32> to vector<1x16xf32>
        tpu.vector_store %arg8[%swap3A_310, %swap3A_311], %swap3A_314 {strides = array<i32>} : memref<64x128xf32, #tpu.memory_space<vmem>>, vector<1x16xf32>,
        %scan3A_315 = arith.constant 0 : i32
        scf.yield %scan3A_315 : i32
      }
      %scan3A_22 = arith.constant 64 : i32
      %get3A_23 = arith.index_cast %scan3A_8 : i32 to index
      %get3A_24 = arith.constant 16 : index
      %get3A_25 = tpu.vector_load %arg6[%get3A_23, %get3A_24] {strides = array<i32>} : memref<50x128xf32, #tpu.memory_space<vmem>>, vector<1x16xf32>,
      %get3A_26 = vector.shape_cast %get3A_25 : vector<1x16xf32> to vector<16xf32>
      %get3A_27 = arith.index_cast %scan3A_8 : i32 to index
      %get3A_28 = arith.constant 16 : index
      %get3A_29 = tpu.vector_load %arg7[%get3A_27, %get3A_28] {strides = array<i32>} : memref<50x128xf32, #tpu.memory_space<vmem>>, vector<1x16xf32>,
      %get3A_30 = vector.shape_cast %get3A_29 : vector<1x16xf32> to vector<16xf32>
      %scan3A_31 = arith.constant 0 : i32
      %scan3A_32 = arith.constant 0 : i32
      %scan3A_33 = arith.constant 64 : i32
      %scan3A_34 = arith.addi %scan3A_32, %scan3A_33 : i32
      %scan3A_35 = arith.constant 8 : i32
      %scan3A_36 = scf.for %scan3A_128 = %scan3A_32 to %scan3A_34 step %scan3A_35 iter_args(%scan3A_129 = %scan3A_31) -> (i32)  : i32 {
        %get3A_130 = arith.index_cast %scan3A_128 : i32 to index
        %get3A_131 = arith.constant 16 : index
        %get3A_132 = tpu.vector_load %arg8[%get3A_130, %get3A_131] {strides = array<i32>} : memref<64x128xf32, #tpu.memory_space<vmem>>, vector<1x16xf32>,
        %get3A_133 = vector.shape_cast %get3A_132 : vector<1x16xf32> to vector<16xf32>
        %mul3A_134 = arith.mulf %get3A_133, %get3A_26 : vector<16xf32>
        %add3A_135 = arith.addf %mul3A_134, %get3A_30 : vector<16xf32>
        %exp3A = math.exp %add3A_135 : vector<16xf32>
        %add3A_136 = arith.constant 1.000000e+00 : f32
        %add3A_137 = vector.broadcast %add3A_136 : f32 to vector<16xf32>
        %add3A_138 = arith.addf %add3A_137, %exp3A : vector<16xf32>
        %div3A = arith.constant 2.000000e+00 : f32
        %div3A_139 = vector.broadcast %div3A : f32 to vector<16xf32>
        %div3A_140 = arith.divf %div3A_139, %add3A_138 : vector<16xf32>
        %sub3A = arith.constant 1.000000e+00 : f32
        %sub3A_141 = vector.broadcast %sub3A : f32 to vector<16xf32>
        %sub3A_142 = arith.subf %sub3A_141, %div3A_140 : vector<16xf32>
        %swap3A = arith.index_cast %scan3A_128 : i32 to index
        %swap3A_143 = arith.constant 16 : index
        %swap3A_144 = tpu.vector_load %arg8[%swap3A, %swap3A_143] {strides = array<i32>} : memref<64x128xf32, #tpu.memory_space<vmem>>, vector<1x16xf32>,
        %swap3A_145 = vector.shape_cast %swap3A_144 : vector<1x16xf32> to vector<16xf32>
        %swap3A_146 = vector.shape_cast %sub3A_142 : vector<16xf32> to vector<1x16xf32>
        tpu.vector_store %arg8[%swap3A, %swap3A_143], %swap3A_146 {strides = array<i32>} : memref<64x128xf32, #tpu.memory_space<vmem>>, vector<1x16xf32>,
        %scan3A_147 = arith.constant 0 : i32
        %scan3A_148 = arith.constant 1 : i32
        %scan3A_149 = arith.addi %scan3A_128, %scan3A_148 : i32
        %get3A_150 = arith.index_cast %scan3A_149 : i32 to index
        %get3A_151 = arith.constant 16 : index
        %get3A_152 = tpu.vector_load %arg8[%get3A_150, %get3A_151] {strides = array<i32>} : memref<64x128xf32, #tpu.memory_space<vmem>>, vector<1x16xf32>,
        %get3A_153 = vector.shape_cast %get3A_152 : vector<1x16xf32> to vector<16xf32>
        %mul3A_154 = arith.mulf %get3A_153, %get3A_26 : vector<16xf32>
        %add3A_155 = arith.addf %mul3A_154, %get3A_30 : vector<16xf32>
        %exp3A_156 = math.exp %add3A_155 : vector<16xf32>
        %add3A_157 = arith.constant 1.000000e+00 : f32
        %add3A_158 = vector.broadcast %add3A_157 : f32 to vector<16xf32>
        %add3A_159 = arith.addf %add3A_158, %exp3A_156 : vector<16xf32>
        %div3A_160 = arith.constant 2.000000e+00 : f32
        %div3A_161 = vector.broadcast %div3A_160 : f32 to vector<16xf32>
        %div3A_162 = arith.divf %div3A_161, %add3A_159 : vector<16xf32>
        %sub3A_163 = arith.constant 1.000000e+00 : f32
        %sub3A_164 = vector.broadcast %sub3A_163 : f32 to vector<16xf32>
        %sub3A_165 = arith.subf %sub3A_164, %div3A_162 : vector<16xf32>
        %swap3A_166 = arith.index_cast %scan3A_149 : i32 to index
        %swap3A_167 = arith.constant 16 : index
        %swap3A_168 = tpu.vector_load %arg8[%swap3A_166, %swap3A_167] {strides = array<i32>} : memref<64x128xf32, #tpu.memory_space<vmem>>, vector<1x16xf32>,
        %swap3A_169 = vector.shape_cast %swap3A_168 : vector<1x16xf32> to vector<16xf32>
        %swap3A_170 = vector.shape_cast %sub3A_165 : vector<16xf32> to vector<1x16xf32>
        tpu.vector_store %arg8[%swap3A_166, %swap3A_167], %swap3A_170 {strides = array<i32>} : memref<64x128xf32, #tpu.memory_space<vmem>>, vector<1x16xf32>,
        %scan3A_171 = arith.constant 0 : i32
        %scan3A_172 = arith.constant 2 : i32
        %scan3A_173 = arith.addi %scan3A_128, %scan3A_172 : i32
        %get3A_174 = arith.index_cast %scan3A_173 : i32 to index
        %get3A_175 = arith.constant 16 : index
        %get3A_176 = tpu.vector_load %arg8[%get3A_174, %get3A_175] {strides = array<i32>} : memref<64x128xf32, #tpu.memory_space<vmem>>, vector<1x16xf32>,
        %get3A_177 = vector.shape_cast %get3A_176 : vector<1x16xf32> to vector<16xf32>
        %mul3A_178 = arith.mulf %get3A_177, %get3A_26 : vector<16xf32>
        %add3A_179 = arith.addf %mul3A_178, %get3A_30 : vector<16xf32>
        %exp3A_180 = math.exp %add3A_179 : vector<16xf32>
        %add3A_181 = arith.constant 1.000000e+00 : f32
        %add3A_182 = vector.broadcast %add3A_181 : f32 to vector<16xf32>
        %add3A_183 = arith.addf %add3A_182, %exp3A_180 : vector<16xf32>
        %div3A_184 = arith.constant 2.000000e+00 : f32
        %div3A_185 = vector.broadcast %div3A_184 : f32 to vector<16xf32>
        %div3A_186 = arith.divf %div3A_185, %add3A_183 : vector<16xf32>
        %sub3A_187 = arith.constant 1.000000e+00 : f32
        %sub3A_188 = vector.broadcast %sub3A_187 : f32 to vector<16xf32>
        %sub3A_189 = arith.subf %sub3A_188, %div3A_186 : vector<16xf32>
        %swap3A_190 = arith.index_cast %scan3A_173 : i32 to index
        %swap3A_191 = arith.constant 16 : index
        %swap3A_192 = tpu.vector_load %arg8[%swap3A_190, %swap3A_191] {strides = array<i32>} : memref<64x128xf32, #tpu.memory_space<vmem>>, vector<1x16xf32>,
        %swap3A_193 = vector.shape_cast %swap3A_192 : vector<1x16xf32> to vector<16xf32>
        %swap3A_194 = vector.shape_cast %sub3A_189 : vector<16xf32> to vector<1x16xf32>
        tpu.vector_store %arg8[%swap3A_190, %swap3A_191], %swap3A_194 {strides = array<i32>} : memref<64x128xf32, #tpu.memory_space<vmem>>, vector<1x16xf32>,
        %scan3A_195 = arith.constant 0 : i32
        %scan3A_196 = arith.constant 3 : i32
        %scan3A_197 = arith.addi %scan3A_128, %scan3A_196 : i32
        %get3A_198 = arith.index_cast %scan3A_197 : i32 to index
        %get3A_199 = arith.constant 16 : index
        %get3A_200 = tpu.vector_load %arg8[%get3A_198, %get3A_199] {strides = array<i32>} : memref<64x128xf32, #tpu.memory_space<vmem>>, vector<1x16xf32>,
        %get3A_201 = vector.shape_cast %get3A_200 : vector<1x16xf32> to vector<16xf32>
        %mul3A_202 = arith.mulf %get3A_201, %get3A_26 : vector<16xf32>
        %add3A_203 = arith.addf %mul3A_202, %get3A_30 : vector<16xf32>
        %exp3A_204 = math.exp %add3A_203 : vector<16xf32>
        %add3A_205 = arith.constant 1.000000e+00 : f32
        %add3A_206 = vector.broadcast %add3A_205 : f32 to vector<16xf32>
        %add3A_207 = arith.addf %add3A_206, %exp3A_204 : vector<16xf32>
        %div3A_208 = arith.constant 2.000000e+00 : f32
        %div3A_209 = vector.broadcast %div3A_208 : f32 to vector<16xf32>
        %div3A_210 = arith.divf %div3A_209, %add3A_207 : vector<16xf32>
        %sub3A_211 = arith.constant 1.000000e+00 : f32
        %sub3A_212 = vector.broadcast %sub3A_211 : f32 to vector<16xf32>
        %sub3A_213 = arith.subf %sub3A_212, %div3A_210 : vector<16xf32>
        %swap3A_214 = arith.index_cast %scan3A_197 : i32 to index
        %swap3A_215 = arith.constant 16 : index
        %swap3A_216 = tpu.vector_load %arg8[%swap3A_214, %swap3A_215] {strides = array<i32>} : memref<64x128xf32, #tpu.memory_space<vmem>>, vector<1x16xf32>,
        %swap3A_217 = vector.shape_cast %swap3A_216 : vector<1x16xf32> to vector<16xf32>
        %swap3A_218 = vector.shape_cast %sub3A_213 : vector<16xf32> to vector<1x16xf32>
        tpu.vector_store %arg8[%swap3A_214, %swap3A_215], %swap3A_218 {strides = array<i32>} : memref<64x128xf32, #tpu.memory_space<vmem>>, vector<1x16xf32>,
        %scan3A_219 = arith.constant 0 : i32
        %scan3A_220 = arith.constant 4 : i32
        %scan3A_221 = arith.addi %scan3A_128, %scan3A_220 : i32
        %get3A_222 = arith.index_cast %scan3A_221 : i32 to index
        %get3A_223 = arith.constant 16 : index
        %get3A_224 = tpu.vector_load %arg8[%get3A_222, %get3A_223] {strides = array<i32>} : memref<64x128xf32, #tpu.memory_space<vmem>>, vector<1x16xf32>,
        %get3A_225 = vector.shape_cast %get3A_224 : vector<1x16xf32> to vector<16xf32>
        %mul3A_226 = arith.mulf %get3A_225, %get3A_26 : vector<16xf32>
        %add3A_227 = arith.addf %mul3A_226, %get3A_30 : vector<16xf32>
        %exp3A_228 = math.exp %add3A_227 : vector<16xf32>
        %add3A_229 = arith.constant 1.000000e+00 : f32
        %add3A_230 = vector.broadcast %add3A_229 : f32 to vector<16xf32>
        %add3A_231 = arith.addf %add3A_230, %exp3A_228 : vector<16xf32>
        %div3A_232 = arith.constant 2.000000e+00 : f32
        %div3A_233 = vector.broadcast %div3A_232 : f32 to vector<16xf32>
        %div3A_234 = arith.divf %div3A_233, %add3A_231 : vector<16xf32>
        %sub3A_235 = arith.constant 1.000000e+00 : f32
        %sub3A_236 = vector.broadcast %sub3A_235 : f32 to vector<16xf32>
        %sub3A_237 = arith.subf %sub3A_236, %div3A_234 : vector<16xf32>
        %swap3A_238 = arith.index_cast %scan3A_221 : i32 to index
        %swap3A_239 = arith.constant 16 : index
        %swap3A_240 = tpu.vector_load %arg8[%swap3A_238, %swap3A_239] {strides = array<i32>} : memref<64x128xf32, #tpu.memory_space<vmem>>, vector<1x16xf32>,
        %swap3A_241 = vector.shape_cast %swap3A_240 : vector<1x16xf32> to vector<16xf32>
        %swap3A_242 = vector.shape_cast %sub3A_237 : vector<16xf32> to vector<1x16xf32>
        tpu.vector_store %arg8[%swap3A_238, %swap3A_239], %swap3A_242 {strides = array<i32>} : memref<64x128xf32, #tpu.memory_space<vmem>>, vector<1x16xf32>,
        %scan3A_243 = arith.constant 0 : i32
        %scan3A_244 = arith.constant 5 : i32
        %scan3A_245 = arith.addi %scan3A_128, %scan3A_244 : i32
        %get3A_246 = arith.index_cast %scan3A_245 : i32 to index
        %get3A_247 = arith.constant 16 : index
        %get3A_248 = tpu.vector_load %arg8[%get3A_246, %get3A_247] {strides = array<i32>} : memref<64x128xf32, #tpu.memory_space<vmem>>, vector<1x16xf32>,
        %get3A_249 = vector.shape_cast %get3A_248 : vector<1x16xf32> to vector<16xf32>
        %mul3A_250 = arith.mulf %get3A_249, %get3A_26 : vector<16xf32>
        %add3A_251 = arith.addf %mul3A_250, %get3A_30 : vector<16xf32>
        %exp3A_252 = math.exp %add3A_251 : vector<16xf32>
        %add3A_253 = arith.constant 1.000000e+00 : f32
        %add3A_254 = vector.broadcast %add3A_253 : f32 to vector<16xf32>
        %add3A_255 = arith.addf %add3A_254, %exp3A_252 : vector<16xf32>
        %div3A_256 = arith.constant 2.000000e+00 : f32
        %div3A_257 = vector.broadcast %div3A_256 : f32 to vector<16xf32>
        %div3A_258 = arith.divf %div3A_257, %add3A_255 : vector<16xf32>
        %sub3A_259 = arith.constant 1.000000e+00 : f32
        %sub3A_260 = vector.broadcast %sub3A_259 : f32 to vector<16xf32>
        %sub3A_261 = arith.subf %sub3A_260, %div3A_258 : vector<16xf32>
        %swap3A_262 = arith.index_cast %scan3A_245 : i32 to index
        %swap3A_263 = arith.constant 16 : index
        %swap3A_264 = tpu.vector_load %arg8[%swap3A_262, %swap3A_263] {strides = array<i32>} : memref<64x128xf32, #tpu.memory_space<vmem>>, vector<1x16xf32>,
        %swap3A_265 = vector.shape_cast %swap3A_264 : vector<1x16xf32> to vector<16xf32>
        %swap3A_266 = vector.shape_cast %sub3A_261 : vector<16xf32> to vector<1x16xf32>
        tpu.vector_store %arg8[%swap3A_262, %swap3A_263], %swap3A_266 {strides = array<i32>} : memref<64x128xf32, #tpu.memory_space<vmem>>, vector<1x16xf32>,
        %scan3A_267 = arith.constant 0 : i32
        %scan3A_268 = arith.constant 6 : i32
        %scan3A_269 = arith.addi %scan3A_128, %scan3A_268 : i32
        %get3A_270 = arith.index_cast %scan3A_269 : i32 to index
        %get3A_271 = arith.constant 16 : index
        %get3A_272 = tpu.vector_load %arg8[%get3A_270, %get3A_271] {strides = array<i32>} : memref<64x128xf32, #tpu.memory_space<vmem>>, vector<1x16xf32>,
        %get3A_273 = vector.shape_cast %get3A_272 : vector<1x16xf32> to vector<16xf32>
        %mul3A_274 = arith.mulf %get3A_273, %get3A_26 : vector<16xf32>
        %add3A_275 = arith.addf %mul3A_274, %get3A_30 : vector<16xf32>
        %exp3A_276 = math.exp %add3A_275 : vector<16xf32>
        %add3A_277 = arith.constant 1.000000e+00 : f32
        %add3A_278 = vector.broadcast %add3A_277 : f32 to vector<16xf32>
        %add3A_279 = arith.addf %add3A_278, %exp3A_276 : vector<16xf32>
        %div3A_280 = arith.constant 2.000000e+00 : f32
        %div3A_281 = vector.broadcast %div3A_280 : f32 to vector<16xf32>
        %div3A_282 = arith.divf %div3A_281, %add3A_279 : vector<16xf32>
        %sub3A_283 = arith.constant 1.000000e+00 : f32
        %sub3A_284 = vector.broadcast %sub3A_283 : f32 to vector<16xf32>
        %sub3A_285 = arith.subf %sub3A_284, %div3A_282 : vector<16xf32>
        %swap3A_286 = arith.index_cast %scan3A_269 : i32 to index
        %swap3A_287 = arith.constant 16 : index
        %swap3A_288 = tpu.vector_load %arg8[%swap3A_286, %swap3A_287] {strides = array<i32>} : memref<64x128xf32, #tpu.memory_space<vmem>>, vector<1x16xf32>,
        %swap3A_289 = vector.shape_cast %swap3A_288 : vector<1x16xf32> to vector<16xf32>
        %swap3A_290 = vector.shape_cast %sub3A_285 : vector<16xf32> to vector<1x16xf32>
        tpu.vector_store %arg8[%swap3A_286, %swap3A_287], %swap3A_290 {strides = array<i32>} : memref<64x128xf32, #tpu.memory_space<vmem>>, vector<1x16xf32>,
        %scan3A_291 = arith.constant 0 : i32
        %scan3A_292 = arith.constant 7 : i32
        %scan3A_293 = arith.addi %scan3A_128, %scan3A_292 : i32
        %get3A_294 = arith.index_cast %scan3A_293 : i32 to index
        %get3A_295 = arith.constant 16 : index
        %get3A_296 = tpu.vector_load %arg8[%get3A_294, %get3A_295] {strides = array<i32>} : memref<64x128xf32, #tpu.memory_space<vmem>>, vector<1x16xf32>,
        %get3A_297 = vector.shape_cast %get3A_296 : vector<1x16xf32> to vector<16xf32>
        %mul3A_298 = arith.mulf %get3A_297, %get3A_26 : vector<16xf32>
        %add3A_299 = arith.addf %mul3A_298, %get3A_30 : vector<16xf32>
        %exp3A_300 = math.exp %add3A_299 : vector<16xf32>
        %add3A_301 = arith.constant 1.000000e+00 : f32
        %add3A_302 = vector.broadcast %add3A_301 : f32 to vector<16xf32>
        %add3A_303 = arith.addf %add3A_302, %exp3A_300 : vector<16xf32>
        %div3A_304 = arith.constant 2.000000e+00 : f32
        %div3A_305 = vector.broadcast %div3A_304 : f32 to vector<16xf32>
        %div3A_306 = arith.divf %div3A_305, %add3A_303 : vector<16xf32>
        %sub3A_307 = arith.constant 1.000000e+00 : f32
        %sub3A_308 = vector.broadcast %sub3A_307 : f32 to vector<16xf32>
        %sub3A_309 = arith.subf %sub3A_308, %div3A_306 : vector<16xf32>
        %swap3A_310 = arith.index_cast %scan3A_293 : i32 to index
        %swap3A_311 = arith.constant 16 : index
        %swap3A_312 = tpu.vector_load %arg8[%swap3A_310, %swap3A_311] {strides = array<i32>} : memref<64x128xf32, #tpu.memory_space<vmem>>, vector<1x16xf32>,
        %swap3A_313 = vector.shape_cast %swap3A_312 : vector<1x16xf32> to vector<16xf32>
        %swap3A_314 = vector.shape_cast %sub3A_309 : vector<16xf32> to vector<1x16xf32>
        tpu.vector_store %arg8[%swap3A_310, %swap3A_311], %swap3A_314 {strides = array<i32>} : memref<64x128xf32, #tpu.memory_space<vmem>>, vector<1x16xf32>,
        %scan3A_315 = arith.constant 0 : i32
        scf.yield %scan3A_315 : i32
      }
      %scan3A_37 = arith.constant 64 : i32
      %get3A_38 = arith.index_cast %scan3A_8 : i32 to index
      %get3A_39 = arith.constant 32 : index
      %get3A_40 = tpu.vector_load %arg6[%get3A_38, %get3A_39] {strides = array<i32>} : memref<50x128xf32, #tpu.memory_space<vmem>>, vector<1x16xf32>,
      %get3A_41 = vector.shape_cast %get3A_40 : vector<1x16xf32> to vector<16xf32>
      %get3A_42 = arith.index_cast %scan3A_8 : i32 to index
      %get3A_43 = arith.constant 32 : index
      %get3A_44 = tpu.vector_load %arg7[%get3A_42, %get3A_43] {strides = array<i32>} : memref<50x128xf32, #tpu.memory_space<vmem>>, vector<1x16xf32>,
      %get3A_45 = vector.shape_cast %get3A_44 : vector<1x16xf32> to vector<16xf32>
      %scan3A_46 = arith.constant 0 : i32
      %scan3A_47 = arith.constant 0 : i32
      %scan3A_48 = arith.constant 64 : i32
      %scan3A_49 = arith.addi %scan3A_47, %scan3A_48 : i32
      %scan3A_50 = arith.constant 8 : i32
      %scan3A_51 = scf.for %scan3A_128 = %scan3A_47 to %scan3A_49 step %scan3A_50 iter_args(%scan3A_129 = %scan3A_46) -> (i32)  : i32 {
        %get3A_130 = arith.index_cast %scan3A_128 : i32 to index
        %get3A_131 = arith.constant 32 : index
        %get3A_132 = tpu.vector_load %arg8[%get3A_130, %get3A_131] {strides = array<i32>} : memref<64x128xf32, #tpu.memory_space<vmem>>, vector<1x16xf32>,
        %get3A_133 = vector.shape_cast %get3A_132 : vector<1x16xf32> to vector<16xf32>
        %mul3A_134 = arith.mulf %get3A_133, %get3A_41 : vector<16xf32>
        %add3A_135 = arith.addf %mul3A_134, %get3A_45 : vector<16xf32>
        %exp3A = math.exp %add3A_135 : vector<16xf32>
        %add3A_136 = arith.constant 1.000000e+00 : f32
        %add3A_137 = vector.broadcast %add3A_136 : f32 to vector<16xf32>
        %add3A_138 = arith.addf %add3A_137, %exp3A : vector<16xf32>
        %div3A = arith.constant 2.000000e+00 : f32
        %div3A_139 = vector.broadcast %div3A : f32 to vector<16xf32>
        %div3A_140 = arith.divf %div3A_139, %add3A_138 : vector<16xf32>
        %sub3A = arith.constant 1.000000e+00 : f32
        %sub3A_141 = vector.broadcast %sub3A : f32 to vector<16xf32>
        %sub3A_142 = arith.subf %sub3A_141, %div3A_140 : vector<16xf32>
        %swap3A = arith.index_cast %scan3A_128 : i32 to index
        %swap3A_143 = arith.constant 32 : index
        %swap3A_144 = tpu.vector_load %arg8[%swap3A, %swap3A_143] {strides = array<i32>} : memref<64x128xf32, #tpu.memory_space<vmem>>, vector<1x16xf32>,
        %swap3A_145 = vector.shape_cast %swap3A_144 : vector<1x16xf32> to vector<16xf32>
        %swap3A_146 = vector.shape_cast %sub3A_142 : vector<16xf32> to vector<1x16xf32>
        tpu.vector_store %arg8[%swap3A, %swap3A_143], %swap3A_146 {strides = array<i32>} : memref<64x128xf32, #tpu.memory_space<vmem>>, vector<1x16xf32>,
        %scan3A_147 = arith.constant 0 : i32
        %scan3A_148 = arith.constant 1 : i32
        %scan3A_149 = arith.addi %scan3A_128, %scan3A_148 : i32
        %get3A_150 = arith.index_cast %scan3A_149 : i32 to index
        %get3A_151 = arith.constant 32 : index
        %get3A_152 = tpu.vector_load %arg8[%get3A_150, %get3A_151] {strides = array<i32>} : memref<64x128xf32, #tpu.memory_space<vmem>>, vector<1x16xf32>,
        %get3A_153 = vector.shape_cast %get3A_152 : vector<1x16xf32> to vector<16xf32>
        %mul3A_154 = arith.mulf %get3A_153, %get3A_41 : vector<16xf32>
        %add3A_155 = arith.addf %mul3A_154, %get3A_45 : vector<16xf32>
        %exp3A_156 = math.exp %add3A_155 : vector<16xf32>
        %add3A_157 = arith.constant 1.000000e+00 : f32
        %add3A_158 = vector.broadcast %add3A_157 : f32 to vector<16xf32>
        %add3A_159 = arith.addf %add3A_158, %exp3A_156 : vector<16xf32>
        %div3A_160 = arith.constant 2.000000e+00 : f32
        %div3A_161 = vector.broadcast %div3A_160 : f32 to vector<16xf32>
        %div3A_162 = arith.divf %div3A_161, %add3A_159 : vector<16xf32>
        %sub3A_163 = arith.constant 1.000000e+00 : f32
        %sub3A_164 = vector.broadcast %sub3A_163 : f32 to vector<16xf32>
        %sub3A_165 = arith.subf %sub3A_164, %div3A_162 : vector<16xf32>
        %swap3A_166 = arith.index_cast %scan3A_149 : i32 to index
        %swap3A_167 = arith.constant 32 : index
        %swap3A_168 = tpu.vector_load %arg8[%swap3A_166, %swap3A_167] {strides = array<i32>} : memref<64x128xf32, #tpu.memory_space<vmem>>, vector<1x16xf32>,
        %swap3A_169 = vector.shape_cast %swap3A_168 : vector<1x16xf32> to vector<16xf32>
        %swap3A_170 = vector.shape_cast %sub3A_165 : vector<16xf32> to vector<1x16xf32>
        tpu.vector_store %arg8[%swap3A_166, %swap3A_167], %swap3A_170 {strides = array<i32>} : memref<64x128xf32, #tpu.memory_space<vmem>>, vector<1x16xf32>,
        %scan3A_171 = arith.constant 0 : i32
        %scan3A_172 = arith.constant 2 : i32
        %scan3A_173 = arith.addi %scan3A_128, %scan3A_172 : i32
        %get3A_174 = arith.index_cast %scan3A_173 : i32 to index
        %get3A_175 = arith.constant 32 : index
        %get3A_176 = tpu.vector_load %arg8[%get3A_174, %get3A_175] {strides = array<i32>} : memref<64x128xf32, #tpu.memory_space<vmem>>, vector<1x16xf32>,
        %get3A_177 = vector.shape_cast %get3A_176 : vector<1x16xf32> to vector<16xf32>
        %mul3A_178 = arith.mulf %get3A_177, %get3A_41 : vector<16xf32>
        %add3A_179 = arith.addf %mul3A_178, %get3A_45 : vector<16xf32>
        %exp3A_180 = math.exp %add3A_179 : vector<16xf32>
        %add3A_181 = arith.constant 1.000000e+00 : f32
        %add3A_182 = vector.broadcast %add3A_181 : f32 to vector<16xf32>
        %add3A_183 = arith.addf %add3A_182, %exp3A_180 : vector<16xf32>
        %div3A_184 = arith.constant 2.000000e+00 : f32
        %div3A_185 = vector.broadcast %div3A_184 : f32 to vector<16xf32>
        %div3A_186 = arith.divf %div3A_185, %add3A_183 : vector<16xf32>
        %sub3A_187 = arith.constant 1.000000e+00 : f32
        %sub3A_188 = vector.broadcast %sub3A_187 : f32 to vector<16xf32>
        %sub3A_189 = arith.subf %sub3A_188, %div3A_186 : vector<16xf32>
        %swap3A_190 = arith.index_cast %scan3A_173 : i32 to index
        %swap3A_191 = arith.constant 32 : index
        %swap3A_192 = tpu.vector_load %arg8[%swap3A_190, %swap3A_191] {strides = array<i32>} : memref<64x128xf32, #tpu.memory_space<vmem>>, vector<1x16xf32>,
        %swap3A_193 = vector.shape_cast %swap3A_192 : vector<1x16xf32> to vector<16xf32>
        %swap3A_194 = vector.shape_cast %sub3A_189 : vector<16xf32> to vector<1x16xf32>
        tpu.vector_store %arg8[%swap3A_190, %swap3A_191], %swap3A_194 {strides = array<i32>} : memref<64x128xf32, #tpu.memory_space<vmem>>, vector<1x16xf32>,
        %scan3A_195 = arith.constant 0 : i32
        %scan3A_196 = arith.constant 3 : i32
        %scan3A_197 = arith.addi %scan3A_128, %scan3A_196 : i32
        %get3A_198 = arith.index_cast %scan3A_197 : i32 to index
        %get3A_199 = arith.constant 32 : index
        %get3A_200 = tpu.vector_load %arg8[%get3A_198, %get3A_199] {strides = array<i32>} : memref<64x128xf32, #tpu.memory_space<vmem>>, vector<1x16xf32>,
        %get3A_201 = vector.shape_cast %get3A_200 : vector<1x16xf32> to vector<16xf32>
        %mul3A_202 = arith.mulf %get3A_201, %get3A_41 : vector<16xf32>
        %add3A_203 = arith.addf %mul3A_202, %get3A_45 : vector<16xf32>
        %exp3A_204 = math.exp %add3A_203 : vector<16xf32>
        %add3A_205 = arith.constant 1.000000e+00 : f32
        %add3A_206 = vector.broadcast %add3A_205 : f32 to vector<16xf32>
        %add3A_207 = arith.addf %add3A_206, %exp3A_204 : vector<16xf32>
        %div3A_208 = arith.constant 2.000000e+00 : f32
        %div3A_209 = vector.broadcast %div3A_208 : f32 to vector<16xf32>
        %div3A_210 = arith.divf %div3A_209, %add3A_207 : vector<16xf32>
        %sub3A_211 = arith.constant 1.000000e+00 : f32
        %sub3A_212 = vector.broadcast %sub3A_211 : f32 to vector<16xf32>
        %sub3A_213 = arith.subf %sub3A_212, %div3A_210 : vector<16xf32>
        %swap3A_214 = arith.index_cast %scan3A_197 : i32 to index
        %swap3A_215 = arith.constant 32 : index
        %swap3A_216 = tpu.vector_load %arg8[%swap3A_214, %swap3A_215] {strides = array<i32>} : memref<64x128xf32, #tpu.memory_space<vmem>>, vector<1x16xf32>,
        %swap3A_217 = vector.shape_cast %swap3A_216 : vector<1x16xf32> to vector<16xf32>
        %swap3A_218 = vector.shape_cast %sub3A_213 : vector<16xf32> to vector<1x16xf32>
        tpu.vector_store %arg8[%swap3A_214, %swap3A_215], %swap3A_218 {strides = array<i32>} : memref<64x128xf32, #tpu.memory_space<vmem>>, vector<1x16xf32>,
        %scan3A_219 = arith.constant 0 : i32
        %scan3A_220 = arith.constant 4 : i32
        %scan3A_221 = arith.addi %scan3A_128, %scan3A_220 : i32
        %get3A_222 = arith.index_cast %scan3A_221 : i32 to index
        %get3A_223 = arith.constant 32 : index
        %get3A_224 = tpu.vector_load %arg8[%get3A_222, %get3A_223] {strides = array<i32>} : memref<64x128xf32, #tpu.memory_space<vmem>>, vector<1x16xf32>,
        %get3A_225 = vector.shape_cast %get3A_224 : vector<1x16xf32> to vector<16xf32>
        %mul3A_226 = arith.mulf %get3A_225, %get3A_41 : vector<16xf32>
        %add3A_227 = arith.addf %mul3A_226, %get3A_45 : vector<16xf32>
        %exp3A_228 = math.exp %add3A_227 : vector<16xf32>
        %add3A_229 = arith.constant 1.000000e+00 : f32
        %add3A_230 = vector.broadcast %add3A_229 : f32 to vector<16xf32>
        %add3A_231 = arith.addf %add3A_230, %exp3A_228 : vector<16xf32>
        %div3A_232 = arith.constant 2.000000e+00 : f32
        %div3A_233 = vector.broadcast %div3A_232 : f32 to vector<16xf32>
        %div3A_234 = arith.divf %div3A_233, %add3A_231 : vector<16xf32>
        %sub3A_235 = arith.constant 1.000000e+00 : f32
        %sub3A_236 = vector.broadcast %sub3A_235 : f32 to vector<16xf32>
        %sub3A_237 = arith.subf %sub3A_236, %div3A_234 : vector<16xf32>
        %swap3A_238 = arith.index_cast %scan3A_221 : i32 to index
        %swap3A_239 = arith.constant 32 : index
        %swap3A_240 = tpu.vector_load %arg8[%swap3A_238, %swap3A_239] {strides = array<i32>} : memref<64x128xf32, #tpu.memory_space<vmem>>, vector<1x16xf32>,
        %swap3A_241 = vector.shape_cast %swap3A_240 : vector<1x16xf32> to vector<16xf32>
        %swap3A_242 = vector.shape_cast %sub3A_237 : vector<16xf32> to vector<1x16xf32>
        tpu.vector_store %arg8[%swap3A_238, %swap3A_239], %swap3A_242 {strides = array<i32>} : memref<64x128xf32, #tpu.memory_space<vmem>>, vector<1x16xf32>,
        %scan3A_243 = arith.constant 0 : i32
        %scan3A_244 = arith.constant 5 : i32
        %scan3A_245 = arith.addi %scan3A_128, %scan3A_244 : i32
        %get3A_246 = arith.index_cast %scan3A_245 : i32 to index
        %get3A_247 = arith.constant 32 : index
        %get3A_248 = tpu.vector_load %arg8[%get3A_246, %get3A_247] {strides = array<i32>} : memref<64x128xf32, #tpu.memory_space<vmem>>, vector<1x16xf32>,
        %get3A_249 = vector.shape_cast %get3A_248 : vector<1x16xf32> to vector<16xf32>
        %mul3A_250 = arith.mulf %get3A_249, %get3A_41 : vector<16xf32>
        %add3A_251 = arith.addf %mul3A_250, %get3A_45 : vector<16xf32>
        %exp3A_252 = math.exp %add3A_251 : vector<16xf32>
        %add3A_253 = arith.constant 1.000000e+00 : f32
        %add3A_254 = vector.broadcast %add3A_253 : f32 to vector<16xf32>
        %add3A_255 = arith.addf %add3A_254, %exp3A_252 : vector<16xf32>
        %div3A_256 = arith.constant 2.000000e+00 : f32
        %div3A_257 = vector.broadcast %div3A_256 : f32 to vector<16xf32>
        %div3A_258 = arith.divf %div3A_257, %add3A_255 : vector<16xf32>
        %sub3A_259 = arith.constant 1.000000e+00 : f32
        %sub3A_260 = vector.broadcast %sub3A_259 : f32 to vector<16xf32>
        %sub3A_261 = arith.subf %sub3A_260, %div3A_258 : vector<16xf32>
        %swap3A_262 = arith.index_cast %scan3A_245 : i32 to index
        %swap3A_263 = arith.constant 32 : index
        %swap3A_264 = tpu.vector_load %arg8[%swap3A_262, %swap3A_263] {strides = array<i32>} : memref<64x128xf32, #tpu.memory_space<vmem>>, vector<1x16xf32>,
        %swap3A_265 = vector.shape_cast %swap3A_264 : vector<1x16xf32> to vector<16xf32>
        %swap3A_266 = vector.shape_cast %sub3A_261 : vector<16xf32> to vector<1x16xf32>
        tpu.vector_store %arg8[%swap3A_262, %swap3A_263], %swap3A_266 {strides = array<i32>} : memref<64x128xf32, #tpu.memory_space<vmem>>, vector<1x16xf32>,
        %scan3A_267 = arith.constant 0 : i32
        %scan3A_268 = arith.constant 6 : i32
        %scan3A_269 = arith.addi %scan3A_128, %scan3A_268 : i32
        %get3A_270 = arith.index_cast %scan3A_269 : i32 to index
        %get3A_271 = arith.constant 32 : index
        %get3A_272 = tpu.vector_load %arg8[%get3A_270, %get3A_271] {strides = array<i32>} : memref<64x128xf32, #tpu.memory_space<vmem>>, vector<1x16xf32>,
        %get3A_273 = vector.shape_cast %get3A_272 : vector<1x16xf32> to vector<16xf32>
        %mul3A_274 = arith.mulf %get3A_273, %get3A_41 : vector<16xf32>
        %add3A_275 = arith.addf %mul3A_274, %get3A_45 : vector<16xf32>
        %exp3A_276 = math.exp %add3A_275 : vector<16xf32>
        %add3A_277 = arith.constant 1.000000e+00 : f32
        %add3A_278 = vector.broadcast %add3A_277 : f32 to vector<16xf32>
        %add3A_279 = arith.addf %add3A_278, %exp3A_276 : vector<16xf32>
        %div3A_280 = arith.constant 2.000000e+00 : f32
        %div3A_281 = vector.broadcast %div3A_280 : f32 to vector<16xf32>
        %div3A_282 = arith.divf %div3A_281, %add3A_279 : vector<16xf32>
        %sub3A_283 = arith.constant 1.000000e+00 : f32
        %sub3A_284 = vector.broadcast %sub3A_283 : f32 to vector<16xf32>
        %sub3A_285 = arith.subf %sub3A_284, %div3A_282 : vector<16xf32>
        %swap3A_286 = arith.index_cast %scan3A_269 : i32 to index
        %swap3A_287 = arith.constant 32 : index
        %swap3A_288 = tpu.vector_load %arg8[%swap3A_286, %swap3A_287] {strides = array<i32>} : memref<64x128xf32, #tpu.memory_space<vmem>>, vector<1x16xf32>,
        %swap3A_289 = vector.shape_cast %swap3A_288 : vector<1x16xf32> to vector<16xf32>
        %swap3A_290 = vector.shape_cast %sub3A_285 : vector<16xf32> to vector<1x16xf32>
        tpu.vector_store %arg8[%swap3A_286, %swap3A_287], %swap3A_290 {strides = array<i32>} : memref<64x128xf32, #tpu.memory_space<vmem>>, vector<1x16xf32>,
        %scan3A_291 = arith.constant 0 : i32
        %scan3A_292 = arith.constant 7 : i32
        %scan3A_293 = arith.addi %scan3A_128, %scan3A_292 : i32
        %get3A_294 = arith.index_cast %scan3A_293 : i32 to index
        %get3A_295 = arith.constant 32 : index
        %get3A_296 = tpu.vector_load %arg8[%get3A_294, %get3A_295] {strides = array<i32>} : memref<64x128xf32, #tpu.memory_space<vmem>>, vector<1x16xf32>,
        %get3A_297 = vector.shape_cast %get3A_296 : vector<1x16xf32> to vector<16xf32>
        %mul3A_298 = arith.mulf %get3A_297, %get3A_41 : vector<16xf32>
        %add3A_299 = arith.addf %mul3A_298, %get3A_45 : vector<16xf32>
        %exp3A_300 = math.exp %add3A_299 : vector<16xf32>
        %add3A_301 = arith.constant 1.000000e+00 : f32
        %add3A_302 = vector.broadcast %add3A_301 : f32 to vector<16xf32>
        %add3A_303 = arith.addf %add3A_302, %exp3A_300 : vector<16xf32>
        %div3A_304 = arith.constant 2.000000e+00 : f32
        %div3A_305 = vector.broadcast %div3A_304 : f32 to vector<16xf32>
        %div3A_306 = arith.divf %div3A_305, %add3A_303 : vector<16xf32>
        %sub3A_307 = arith.constant 1.000000e+00 : f32
        %sub3A_308 = vector.broadcast %sub3A_307 : f32 to vector<16xf32>
        %sub3A_309 = arith.subf %sub3A_308, %div3A_306 : vector<16xf32>
        %swap3A_310 = arith.index_cast %scan3A_293 : i32 to index
        %swap3A_311 = arith.constant 32 : index
        %swap3A_312 = tpu.vector_load %arg8[%swap3A_310, %swap3A_311] {strides = array<i32>} : memref<64x128xf32, #tpu.memory_space<vmem>>, vector<1x16xf32>,
        %swap3A_313 = vector.shape_cast %swap3A_312 : vector<1x16xf32> to vector<16xf32>
        %swap3A_314 = vector.shape_cast %sub3A_309 : vector<16xf32> to vector<1x16xf32>
        tpu.vector_store %arg8[%swap3A_310, %swap3A_311], %swap3A_314 {strides = array<i32>} : memref<64x128xf32, #tpu.memory_space<vmem>>, vector<1x16xf32>,
        %scan3A_315 = arith.constant 0 : i32
        scf.yield %scan3A_315 : i32
      }
      %scan3A_52 = arith.constant 64 : i32
      %get3A_53 = arith.index_cast %scan3A_8 : i32 to index
      %get3A_54 = arith.constant 48 : index
      %get3A_55 = tpu.vector_load %arg6[%get3A_53, %get3A_54] {strides = array<i32>} : memref<50x128xf32, #tpu.memory_space<vmem>>, vector<1x16xf32>,
      %get3A_56 = vector.shape_cast %get3A_55 : vector<1x16xf32> to vector<16xf32>
      %get3A_57 = arith.index_cast %scan3A_8 : i32 to index
      %get3A_58 = arith.constant 48 : index
      %get3A_59 = tpu.vector_load %arg7[%get3A_57, %get3A_58] {strides = array<i32>} : memref<50x128xf32, #tpu.memory_space<vmem>>, vector<1x16xf32>,
      %get3A_60 = vector.shape_cast %get3A_59 : vector<1x16xf32> to vector<16xf32>
      %scan3A_61 = arith.constant 0 : i32
      %scan3A_62 = arith.constant 0 : i32
      %scan3A_63 = arith.constant 64 : i32
      %scan3A_64 = arith.addi %scan3A_62, %scan3A_63 : i32
      %scan3A_65 = arith.constant 8 : i32
      %scan3A_66 = scf.for %scan3A_128 = %scan3A_62 to %scan3A_64 step %scan3A_65 iter_args(%scan3A_129 = %scan3A_61) -> (i32)  : i32 {
        %get3A_130 = arith.index_cast %scan3A_128 : i32 to index
        %get3A_131 = arith.constant 48 : index
        %get3A_132 = tpu.vector_load %arg8[%get3A_130, %get3A_131] {strides = array<i32>} : memref<64x128xf32, #tpu.memory_space<vmem>>, vector<1x16xf32>,
        %get3A_133 = vector.shape_cast %get3A_132 : vector<1x16xf32> to vector<16xf32>
        %mul3A_134 = arith.mulf %get3A_133, %get3A_56 : vector<16xf32>
        %add3A_135 = arith.addf %mul3A_134, %get3A_60 : vector<16xf32>
        %exp3A = math.exp %add3A_135 : vector<16xf32>
        %add3A_136 = arith.constant 1.000000e+00 : f32
        %add3A_137 = vector.broadcast %add3A_136 : f32 to vector<16xf32>
        %add3A_138 = arith.addf %add3A_137, %exp3A : vector<16xf32>
        %div3A = arith.constant 2.000000e+00 : f32
        %div3A_139 = vector.broadcast %div3A : f32 to vector<16xf32>
        %div3A_140 = arith.divf %div3A_139, %add3A_138 : vector<16xf32>
        %sub3A = arith.constant 1.000000e+00 : f32
        %sub3A_141 = vector.broadcast %sub3A : f32 to vector<16xf32>
        %sub3A_142 = arith.subf %sub3A_141, %div3A_140 : vector<16xf32>
        %swap3A = arith.index_cast %scan3A_128 : i32 to index
        %swap3A_143 = arith.constant 48 : index
        %swap3A_144 = tpu.vector_load %arg8[%swap3A, %swap3A_143] {strides = array<i32>} : memref<64x128xf32, #tpu.memory_space<vmem>>, vector<1x16xf32>,
        %swap3A_145 = vector.shape_cast %swap3A_144 : vector<1x16xf32> to vector<16xf32>
        %swap3A_146 = vector.shape_cast %sub3A_142 : vector<16xf32> to vector<1x16xf32>
        tpu.vector_store %arg8[%swap3A, %swap3A_143], %swap3A_146 {strides = array<i32>} : memref<64x128xf32, #tpu.memory_space<vmem>>, vector<1x16xf32>,
        %scan3A_147 = arith.constant 0 : i32
        %scan3A_148 = arith.constant 1 : i32
        %scan3A_149 = arith.addi %scan3A_128, %scan3A_148 : i32
        %get3A_150 = arith.index_cast %scan3A_149 : i32 to index
        %get3A_151 = arith.constant 48 : index
        %get3A_152 = tpu.vector_load %arg8[%get3A_150, %get3A_151] {strides = array<i32>} : memref<64x128xf32, #tpu.memory_space<vmem>>, vector<1x16xf32>,
        %get3A_153 = vector.shape_cast %get3A_152 : vector<1x16xf32> to vector<16xf32>
        %mul3A_154 = arith.mulf %get3A_153, %get3A_56 : vector<16xf32>
        %add3A_155 = arith.addf %mul3A_154, %get3A_60 : vector<16xf32>
        %exp3A_156 = math.exp %add3A_155 : vector<16xf32>
        %add3A_157 = arith.constant 1.000000e+00 : f32
        %add3A_158 = vector.broadcast %add3A_157 : f32 to vector<16xf32>
        %add3A_159 = arith.addf %add3A_158, %exp3A_156 : vector<16xf32>
        %div3A_160 = arith.constant 2.000000e+00 : f32
        %div3A_161 = vector.broadcast %div3A_160 : f32 to vector<16xf32>
        %div3A_162 = arith.divf %div3A_161, %add3A_159 : vector<16xf32>
        %sub3A_163 = arith.constant 1.000000e+00 : f32
        %sub3A_164 = vector.broadcast %sub3A_163 : f32 to vector<16xf32>
        %sub3A_165 = arith.subf %sub3A_164, %div3A_162 : vector<16xf32>
        %swap3A_166 = arith.index_cast %scan3A_149 : i32 to index
        %swap3A_167 = arith.constant 48 : index
        %swap3A_168 = tpu.vector_load %arg8[%swap3A_166, %swap3A_167] {strides = array<i32>} : memref<64x128xf32, #tpu.memory_space<vmem>>, vector<1x16xf32>,
        %swap3A_169 = vector.shape_cast %swap3A_168 : vector<1x16xf32> to vector<16xf32>
        %swap3A_170 = vector.shape_cast %sub3A_165 : vector<16xf32> to vector<1x16xf32>
        tpu.vector_store %arg8[%swap3A_166, %swap3A_167], %swap3A_170 {strides = array<i32>} : memref<64x128xf32, #tpu.memory_space<vmem>>, vector<1x16xf32>,
        %scan3A_171 = arith.constant 0 : i32
        %scan3A_172 = arith.constant 2 : i32
        %scan3A_173 = arith.addi %scan3A_128, %scan3A_172 : i32
        %get3A_174 = arith.index_cast %scan3A_173 : i32 to index
        %get3A_175 = arith.constant 48 : index
        %get3A_176 = tpu.vector_load %arg8[%get3A_174, %get3A_175] {strides = array<i32>} : memref<64x128xf32, #tpu.memory_space<vmem>>, vector<1x16xf32>,
        %get3A_177 = vector.shape_cast %get3A_176 : vector<1x16xf32> to vector<16xf32>
        %mul3A_178 = arith.mulf %get3A_177, %get3A_56 : vector<16xf32>
        %add3A_179 = arith.addf %mul3A_178, %get3A_60 : vector<16xf32>
        %exp3A_180 = math.exp %add3A_179 : vector<16xf32>
        %add3A_181 = arith.constant 1.000000e+00 : f32
        %add3A_182 = vector.broadcast %add3A_181 : f32 to vector<16xf32>
        %add3A_183 = arith.addf %add3A_182, %exp3A_180 : vector<16xf32>
        %div3A_184 = arith.constant 2.000000e+00 : f32
        %div3A_185 = vector.broadcast %div3A_184 : f32 to vector<16xf32>
        %div3A_186 = arith.divf %div3A_185, %add3A_183 : vector<16xf32>
        %sub3A_187 = arith.constant 1.000000e+00 : f32
        %sub3A_188 = vector.broadcast %sub3A_187 : f32 to vector<16xf32>
        %sub3A_189 = arith.subf %sub3A_188, %div3A_186 : vector<16xf32>
        %swap3A_190 = arith.index_cast %scan3A_173 : i32 to index
        %swap3A_191 = arith.constant 48 : index
        %swap3A_192 = tpu.vector_load %arg8[%swap3A_190, %swap3A_191] {strides = array<i32>} : memref<64x128xf32, #tpu.memory_space<vmem>>, vector<1x16xf32>,
        %swap3A_193 = vector.shape_cast %swap3A_192 : vector<1x16xf32> to vector<16xf32>
        %swap3A_194 = vector.shape_cast %sub3A_189 : vector<16xf32> to vector<1x16xf32>
        tpu.vector_store %arg8[%swap3A_190, %swap3A_191], %swap3A_194 {strides = array<i32>} : memref<64x128xf32, #tpu.memory_space<vmem>>, vector<1x16xf32>,
        %scan3A_195 = arith.constant 0 : i32
        %scan3A_196 = arith.constant 3 : i32
        %scan3A_197 = arith.addi %scan3A_128, %scan3A_196 : i32
        %get3A_198 = arith.index_cast %scan3A_197 : i32 to index
        %get3A_199 = arith.constant 48 : index
        %get3A_200 = tpu.vector_load %arg8[%get3A_198, %get3A_199] {strides = array<i32>} : memref<64x128xf32, #tpu.memory_space<vmem>>, vector<1x16xf32>,
        %get3A_201 = vector.shape_cast %get3A_200 : vector<1x16xf32> to vector<16xf32>
        %mul3A_202 = arith.mulf %get3A_201, %get3A_56 : vector<16xf32>
        %add3A_203 = arith.addf %mul3A_202, %get3A_60 : vector<16xf32>
        %exp3A_204 = math.exp %add3A_203 : vector<16xf32>
        %add3A_205 = arith.constant 1.000000e+00 : f32
        %add3A_206 = vector.broadcast %add3A_205 : f32 to vector<16xf32>
        %add3A_207 = arith.addf %add3A_206, %exp3A_204 : vector<16xf32>
        %div3A_208 = arith.constant 2.000000e+00 : f32
        %div3A_209 = vector.broadcast %div3A_208 : f32 to vector<16xf32>
        %div3A_210 = arith.divf %div3A_209, %add3A_207 : vector<16xf32>
        %sub3A_211 = arith.constant 1.000000e+00 : f32
        %sub3A_212 = vector.broadcast %sub3A_211 : f32 to vector<16xf32>
        %sub3A_213 = arith.subf %sub3A_212, %div3A_210 : vector<16xf32>
        %swap3A_214 = arith.index_cast %scan3A_197 : i32 to index
        %swap3A_215 = arith.constant 48 : index
        %swap3A_216 = tpu.vector_load %arg8[%swap3A_214, %swap3A_215] {strides = array<i32>} : memref<64x128xf32, #tpu.memory_space<vmem>>, vector<1x16xf32>,
        %swap3A_217 = vector.shape_cast %swap3A_216 : vector<1x16xf32> to vector<16xf32>
        %swap3A_218 = vector.shape_cast %sub3A_213 : vector<16xf32> to vector<1x16xf32>
        tpu.vector_store %arg8[%swap3A_214, %swap3A_215], %swap3A_218 {strides = array<i32>} : memref<64x128xf32, #tpu.memory_space<vmem>>, vector<1x16xf32>,
        %scan3A_219 = arith.constant 0 : i32
        %scan3A_220 = arith.constant 4 : i32
        %scan3A_221 = arith.addi %scan3A_128, %scan3A_220 : i32
        %get3A_222 = arith.index_cast %scan3A_221 : i32 to index
        %get3A_223 = arith.constant 48 : index
        %get3A_224 = tpu.vector_load %arg8[%get3A_222, %get3A_223] {strides = array<i32>} : memref<64x128xf32, #tpu.memory_space<vmem>>, vector<1x16xf32>,
        %get3A_225 = vector.shape_cast %get3A_224 : vector<1x16xf32> to vector<16xf32>
        %mul3A_226 = arith.mulf %get3A_225, %get3A_56 : vector<16xf32>
        %add3A_227 = arith.addf %mul3A_226, %get3A_60 : vector<16xf32>
        %exp3A_228 = math.exp %add3A_227 : vector<16xf32>
        %add3A_229 = arith.constant 1.000000e+00 : f32
        %add3A_230 = vector.broadcast %add3A_229 : f32 to vector<16xf32>
        %add3A_231 = arith.addf %add3A_230, %exp3A_228 : vector<16xf32>
        %div3A_232 = arith.constant 2.000000e+00 : f32
        %div3A_233 = vector.broadcast %div3A_232 : f32 to vector<16xf32>
        %div3A_234 = arith.divf %div3A_233, %add3A_231 : vector<16xf32>
        %sub3A_235 = arith.constant 1.000000e+00 : f32
        %sub3A_236 = vector.broadcast %sub3A_235 : f32 to vector<16xf32>
        %sub3A_237 = arith.subf %sub3A_236, %div3A_234 : vector<16xf32>
        %swap3A_238 = arith.index_cast %scan3A_221 : i32 to index
        %swap3A_239 = arith.constant 48 : index
        %swap3A_240 = tpu.vector_load %arg8[%swap3A_238, %swap3A_239] {strides = array<i32>} : memref<64x128xf32, #tpu.memory_space<vmem>>, vector<1x16xf32>,
        %swap3A_241 = vector.shape_cast %swap3A_240 : vector<1x16xf32> to vector<16xf32>
        %swap3A_242 = vector.shape_cast %sub3A_237 : vector<16xf32> to vector<1x16xf32>
        tpu.vector_store %arg8[%swap3A_238, %swap3A_239], %swap3A_242 {strides = array<i32>} : memref<64x128xf32, #tpu.memory_space<vmem>>, vector<1x16xf32>,
        %scan3A_243 = arith.constant 0 : i32
        %scan3A_244 = arith.constant 5 : i32
        %scan3A_245 = arith.addi %scan3A_128, %scan3A_244 : i32
        %get3A_246 = arith.index_cast %scan3A_245 : i32 to index
        %get3A_247 = arith.constant 48 : index
        %get3A_248 = tpu.vector_load %arg8[%get3A_246, %get3A_247] {strides = array<i32>} : memref<64x128xf32, #tpu.memory_space<vmem>>, vector<1x16xf32>,
        %get3A_249 = vector.shape_cast %get3A_248 : vector<1x16xf32> to vector<16xf32>
        %mul3A_250 = arith.mulf %get3A_249, %get3A_56 : vector<16xf32>
        %add3A_251 = arith.addf %mul3A_250, %get3A_60 : vector<16xf32>
        %exp3A_252 = math.exp %add3A_251 : vector<16xf32>
        %add3A_253 = arith.constant 1.000000e+00 : f32
        %add3A_254 = vector.broadcast %add3A_253 : f32 to vector<16xf32>
        %add3A_255 = arith.addf %add3A_254, %exp3A_252 : vector<16xf32>
        %div3A_256 = arith.constant 2.000000e+00 : f32
        %div3A_257 = vector.broadcast %div3A_256 : f32 to vector<16xf32>
        %div3A_258 = arith.divf %div3A_257, %add3A_255 : vector<16xf32>
        %sub3A_259 = arith.constant 1.000000e+00 : f32
        %sub3A_260 = vector.broadcast %sub3A_259 : f32 to vector<16xf32>
        %sub3A_261 = arith.subf %sub3A_260, %div3A_258 : vector<16xf32>
        %swap3A_262 = arith.index_cast %scan3A_245 : i32 to index
        %swap3A_263 = arith.constant 48 : index
        %swap3A_264 = tpu.vector_load %arg8[%swap3A_262, %swap3A_263] {strides = array<i32>} : memref<64x128xf32, #tpu.memory_space<vmem>>, vector<1x16xf32>,
        %swap3A_265 = vector.shape_cast %swap3A_264 : vector<1x16xf32> to vector<16xf32>
        %swap3A_266 = vector.shape_cast %sub3A_261 : vector<16xf32> to vector<1x16xf32>
        tpu.vector_store %arg8[%swap3A_262, %swap3A_263], %swap3A_266 {strides = array<i32>} : memref<64x128xf32, #tpu.memory_space<vmem>>, vector<1x16xf32>,
        %scan3A_267 = arith.constant 0 : i32
        %scan3A_268 = arith.constant 6 : i32
        %scan3A_269 = arith.addi %scan3A_128, %scan3A_268 : i32
        %get3A_270 = arith.index_cast %scan3A_269 : i32 to index
        %get3A_271 = arith.constant 48 : index
        %get3A_272 = tpu.vector_load %arg8[%get3A_270, %get3A_271] {strides = array<i32>} : memref<64x128xf32, #tpu.memory_space<vmem>>, vector<1x16xf32>,
        %get3A_273 = vector.shape_cast %get3A_272 : vector<1x16xf32> to vector<16xf32>
        %mul3A_274 = arith.mulf %get3A_273, %get3A_56 : vector<16xf32>
        %add3A_275 = arith.addf %mul3A_274, %get3A_60 : vector<16xf32>
        %exp3A_276 = math.exp %add3A_275 : vector<16xf32>
        %add3A_277 = arith.constant 1.000000e+00 : f32
        %add3A_278 = vector.broadcast %add3A_277 : f32 to vector<16xf32>
        %add3A_279 = arith.addf %add3A_278, %exp3A_276 : vector<16xf32>
        %div3A_280 = arith.constant 2.000000e+00 : f32
        %div3A_281 = vector.broadcast %div3A_280 : f32 to vector<16xf32>
        %div3A_282 = arith.divf %div3A_281, %add3A_279 : vector<16xf32>
        %sub3A_283 = arith.constant 1.000000e+00 : f32
        %sub3A_284 = vector.broadcast %sub3A_283 : f32 to vector<16xf32>
        %sub3A_285 = arith.subf %sub3A_284, %div3A_282 : vector<16xf32>
        %swap3A_286 = arith.index_cast %scan3A_269 : i32 to index
        %swap3A_287 = arith.constant 48 : index
        %swap3A_288 = tpu.vector_load %arg8[%swap3A_286, %swap3A_287] {strides = array<i32>} : memref<64x128xf32, #tpu.memory_space<vmem>>, vector<1x16xf32>,
        %swap3A_289 = vector.shape_cast %swap3A_288 : vector<1x16xf32> to vector<16xf32>
        %swap3A_290 = vector.shape_cast %sub3A_285 : vector<16xf32> to vector<1x16xf32>
        tpu.vector_store %arg8[%swap3A_286, %swap3A_287], %swap3A_290 {strides = array<i32>} : memref<64x128xf32, #tpu.memory_space<vmem>>, vector<1x16xf32>,
        %scan3A_291 = arith.constant 0 : i32
        %scan3A_292 = arith.constant 7 : i32
        %scan3A_293 = arith.addi %scan3A_128, %scan3A_292 : i32
        %get3A_294 = arith.index_cast %scan3A_293 : i32 to index
        %get3A_295 = arith.constant 48 : index
        %get3A_296 = tpu.vector_load %arg8[%get3A_294, %get3A_295] {strides = array<i32>} : memref<64x128xf32, #tpu.memory_space<vmem>>, vector<1x16xf32>,
        %get3A_297 = vector.shape_cast %get3A_296 : vector<1x16xf32> to vector<16xf32>
        %mul3A_298 = arith.mulf %get3A_297, %get3A_56 : vector<16xf32>
        %add3A_299 = arith.addf %mul3A_298, %get3A_60 : vector<16xf32>
        %exp3A_300 = math.exp %add3A_299 : vector<16xf32>
        %add3A_301 = arith.constant 1.000000e+00 : f32
        %add3A_302 = vector.broadcast %add3A_301 : f32 to vector<16xf32>
        %add3A_303 = arith.addf %add3A_302, %exp3A_300 : vector<16xf32>
        %div3A_304 = arith.constant 2.000000e+00 : f32
        %div3A_305 = vector.broadcast %div3A_304 : f32 to vector<16xf32>
        %div3A_306 = arith.divf %div3A_305, %add3A_303 : vector<16xf32>
        %sub3A_307 = arith.constant 1.000000e+00 : f32
        %sub3A_308 = vector.broadcast %sub3A_307 : f32 to vector<16xf32>
        %sub3A_309 = arith.subf %sub3A_308, %div3A_306 : vector<16xf32>
        %swap3A_310 = arith.index_cast %scan3A_293 : i32 to index
        %swap3A_311 = arith.constant 48 : index
        %swap3A_312 = tpu.vector_load %arg8[%swap3A_310, %swap3A_311] {strides = array<i32>} : memref<64x128xf32, #tpu.memory_space<vmem>>, vector<1x16xf32>,
        %swap3A_313 = vector.shape_cast %swap3A_312 : vector<1x16xf32> to vector<16xf32>
        %swap3A_314 = vector.shape_cast %sub3A_309 : vector<16xf32> to vector<1x16xf32>
        tpu.vector_store %arg8[%swap3A_310, %swap3A_311], %swap3A_314 {strides = array<i32>} : memref<64x128xf32, #tpu.memory_space<vmem>>, vector<1x16xf32>,
        %scan3A_315 = arith.constant 0 : i32
        scf.yield %scan3A_315 : i32
      }
      %scan3A_67 = arith.constant 64 : i32
      %get3A_68 = arith.index_cast %scan3A_8 : i32 to index
      %get3A_69 = arith.constant 64 : index
      %get3A_70 = tpu.vector_load %arg6[%get3A_68, %get3A_69] {strides = array<i32>} : memref<50x128xf32, #tpu.memory_space<vmem>>, vector<1x16xf32>,
      %get3A_71 = vector.shape_cast %get3A_70 : vector<1x16xf32> to vector<16xf32>
      %get3A_72 = arith.index_cast %scan3A_8 : i32 to index
      %get3A_73 = arith.constant 64 : index
      %get3A_74 = tpu.vector_load %arg7[%get3A_72, %get3A_73] {strides = array<i32>} : memref<50x128xf32, #tpu.memory_space<vmem>>, vector<1x16xf32>,
      %get3A_75 = vector.shape_cast %get3A_74 : vector<1x16xf32> to vector<16xf32>
      %scan3A_76 = arith.constant 0 : i32
      %scan3A_77 = arith.constant 0 : i32
      %scan3A_78 = arith.constant 64 : i32
      %scan3A_79 = arith.addi %scan3A_77, %scan3A_78 : i32
      %scan3A_80 = arith.constant 8 : i32
      %scan3A_81 = scf.for %scan3A_128 = %scan3A_77 to %scan3A_79 step %scan3A_80 iter_args(%scan3A_129 = %scan3A_76) -> (i32)  : i32 {
        %get3A_130 = arith.index_cast %scan3A_128 : i32 to index
        %get3A_131 = arith.constant 64 : index
        %get3A_132 = tpu.vector_load %arg8[%get3A_130, %get3A_131] {strides = array<i32>} : memref<64x128xf32, #tpu.memory_space<vmem>>, vector<1x16xf32>,
        %get3A_133 = vector.shape_cast %get3A_132 : vector<1x16xf32> to vector<16xf32>
        %mul3A_134 = arith.mulf %get3A_133, %get3A_71 : vector<16xf32>
        %add3A_135 = arith.addf %mul3A_134, %get3A_75 : vector<16xf32>
        %exp3A = math.exp %add3A_135 : vector<16xf32>
        %add3A_136 = arith.constant 1.000000e+00 : f32
        %add3A_137 = vector.broadcast %add3A_136 : f32 to vector<16xf32>
        %add3A_138 = arith.addf %add3A_137, %exp3A : vector<16xf32>
        %div3A = arith.constant 2.000000e+00 : f32
        %div3A_139 = vector.broadcast %div3A : f32 to vector<16xf32>
        %div3A_140 = arith.divf %div3A_139, %add3A_138 : vector<16xf32>
        %sub3A = arith.constant 1.000000e+00 : f32
        %sub3A_141 = vector.broadcast %sub3A : f32 to vector<16xf32>
        %sub3A_142 = arith.subf %sub3A_141, %div3A_140 : vector<16xf32>
        %swap3A = arith.index_cast %scan3A_128 : i32 to index
        %swap3A_143 = arith.constant 64 : index
        %swap3A_144 = tpu.vector_load %arg8[%swap3A, %swap3A_143] {strides = array<i32>} : memref<64x128xf32, #tpu.memory_space<vmem>>, vector<1x16xf32>,
        %swap3A_145 = vector.shape_cast %swap3A_144 : vector<1x16xf32> to vector<16xf32>
        %swap3A_146 = vector.shape_cast %sub3A_142 : vector<16xf32> to vector<1x16xf32>
        tpu.vector_store %arg8[%swap3A, %swap3A_143], %swap3A_146 {strides = array<i32>} : memref<64x128xf32, #tpu.memory_space<vmem>>, vector<1x16xf32>,
        %scan3A_147 = arith.constant 0 : i32
        %scan3A_148 = arith.constant 1 : i32
        %scan3A_149 = arith.addi %scan3A_128, %scan3A_148 : i32
        %get3A_150 = arith.index_cast %scan3A_149 : i32 to index
        %get3A_151 = arith.constant 64 : index
        %get3A_152 = tpu.vector_load %arg8[%get3A_150, %get3A_151] {strides = array<i32>} : memref<64x128xf32, #tpu.memory_space<vmem>>, vector<1x16xf32>,
        %get3A_153 = vector.shape_cast %get3A_152 : vector<1x16xf32> to vector<16xf32>
        %mul3A_154 = arith.mulf %get3A_153, %get3A_71 : vector<16xf32>
        %add3A_155 = arith.addf %mul3A_154, %get3A_75 : vector<16xf32>
        %exp3A_156 = math.exp %add3A_155 : vector<16xf32>
        %add3A_157 = arith.constant 1.000000e+00 : f32
        %add3A_158 = vector.broadcast %add3A_157 : f32 to vector<16xf32>
        %add3A_159 = arith.addf %add3A_158, %exp3A_156 : vector<16xf32>
        %div3A_160 = arith.constant 2.000000e+00 : f32
        %div3A_161 = vector.broadcast %div3A_160 : f32 to vector<16xf32>
        %div3A_162 = arith.divf %div3A_161, %add3A_159 : vector<16xf32>
        %sub3A_163 = arith.constant 1.000000e+00 : f32
        %sub3A_164 = vector.broadcast %sub3A_163 : f32 to vector<16xf32>
        %sub3A_165 = arith.subf %sub3A_164, %div3A_162 : vector<16xf32>
        %swap3A_166 = arith.index_cast %scan3A_149 : i32 to index
        %swap3A_167 = arith.constant 64 : index
        %swap3A_168 = tpu.vector_load %arg8[%swap3A_166, %swap3A_167] {strides = array<i32>} : memref<64x128xf32, #tpu.memory_space<vmem>>, vector<1x16xf32>,
        %swap3A_169 = vector.shape_cast %swap3A_168 : vector<1x16xf32> to vector<16xf32>
        %swap3A_170 = vector.shape_cast %sub3A_165 : vector<16xf32> to vector<1x16xf32>
        tpu.vector_store %arg8[%swap3A_166, %swap3A_167], %swap3A_170 {strides = array<i32>} : memref<64x128xf32, #tpu.memory_space<vmem>>, vector<1x16xf32>,
        %scan3A_171 = arith.constant 0 : i32
        %scan3A_172 = arith.constant 2 : i32
        %scan3A_173 = arith.addi %scan3A_128, %scan3A_172 : i32
        %get3A_174 = arith.index_cast %scan3A_173 : i32 to index
        %get3A_175 = arith.constant 64 : index
        %get3A_176 = tpu.vector_load %arg8[%get3A_174, %get3A_175] {strides = array<i32>} : memref<64x128xf32, #tpu.memory_space<vmem>>, vector<1x16xf32>,
        %get3A_177 = vector.shape_cast %get3A_176 : vector<1x16xf32> to vector<16xf32>
        %mul3A_178 = arith.mulf %get3A_177, %get3A_71 : vector<16xf32>
        %add3A_179 = arith.addf %mul3A_178, %get3A_75 : vector<16xf32>
        %exp3A_180 = math.exp %add3A_179 : vector<16xf32>
        %add3A_181 = arith.constant 1.000000e+00 : f32
        %add3A_182 = vector.broadcast %add3A_181 : f32 to vector<16xf32>
        %add3A_183 = arith.addf %add3A_182, %exp3A_180 : vector<16xf32>
        %div3A_184 = arith.constant 2.000000e+00 : f32
        %div3A_185 = vector.broadcast %div3A_184 : f32 to vector<16xf32>
        %div3A_186 = arith.divf %div3A_185, %add3A_183 : vector<16xf32>
        %sub3A_187 = arith.constant 1.000000e+00 : f32
        %sub3A_188 = vector.broadcast %sub3A_187 : f32 to vector<16xf32>
        %sub3A_189 = arith.subf %sub3A_188, %div3A_186 : vector<16xf32>
        %swap3A_190 = arith.index_cast %scan3A_173 : i32 to index
        %swap3A_191 = arith.constant 64 : index
        %swap3A_192 = tpu.vector_load %arg8[%swap3A_190, %swap3A_191] {strides = array<i32>} : memref<64x128xf32, #tpu.memory_space<vmem>>, vector<1x16xf32>,
        %swap3A_193 = vector.shape_cast %swap3A_192 : vector<1x16xf32> to vector<16xf32>
        %swap3A_194 = vector.shape_cast %sub3A_189 : vector<16xf32> to vector<1x16xf32>
        tpu.vector_store %arg8[%swap3A_190, %swap3A_191], %swap3A_194 {strides = array<i32>} : memref<64x128xf32, #tpu.memory_space<vmem>>, vector<1x16xf32>,
        %scan3A_195 = arith.constant 0 : i32
        %scan3A_196 = arith.constant 3 : i32
        %scan3A_197 = arith.addi %scan3A_128, %scan3A_196 : i32
        %get3A_198 = arith.index_cast %scan3A_197 : i32 to index
        %get3A_199 = arith.constant 64 : index
        %get3A_200 = tpu.vector_load %arg8[%get3A_198, %get3A_199] {strides = array<i32>} : memref<64x128xf32, #tpu.memory_space<vmem>>, vector<1x16xf32>,
        %get3A_201 = vector.shape_cast %get3A_200 : vector<1x16xf32> to vector<16xf32>
        %mul3A_202 = arith.mulf %get3A_201, %get3A_71 : vector<16xf32>
        %add3A_203 = arith.addf %mul3A_202, %get3A_75 : vector<16xf32>
        %exp3A_204 = math.exp %add3A_203 : vector<16xf32>
        %add3A_205 = arith.constant 1.000000e+00 : f32
        %add3A_206 = vector.broadcast %add3A_205 : f32 to vector<16xf32>
        %add3A_207 = arith.addf %add3A_206, %exp3A_204 : vector<16xf32>
        %div3A_208 = arith.constant 2.000000e+00 : f32
        %div3A_209 = vector.broadcast %div3A_208 : f32 to vector<16xf32>
        %div3A_210 = arith.divf %div3A_209, %add3A_207 : vector<16xf32>
        %sub3A_211 = arith.constant 1.000000e+00 : f32
        %sub3A_212 = vector.broadcast %sub3A_211 : f32 to vector<16xf32>
        %sub3A_213 = arith.subf %sub3A_212, %div3A_210 : vector<16xf32>
        %swap3A_214 = arith.index_cast %scan3A_197 : i32 to index
        %swap3A_215 = arith.constant 64 : index
        %swap3A_216 = tpu.vector_load %arg8[%swap3A_214, %swap3A_215] {strides = array<i32>} : memref<64x128xf32, #tpu.memory_space<vmem>>, vector<1x16xf32>,
        %swap3A_217 = vector.shape_cast %swap3A_216 : vector<1x16xf32> to vector<16xf32>
        %swap3A_218 = vector.shape_cast %sub3A_213 : vector<16xf32> to vector<1x16xf32>
        tpu.vector_store %arg8[%swap3A_214, %swap3A_215], %swap3A_218 {strides = array<i32>} : memref<64x128xf32, #tpu.memory_space<vmem>>, vector<1x16xf32>,
        %scan3A_219 = arith.constant 0 : i32
        %scan3A_220 = arith.constant 4 : i32
        %scan3A_221 = arith.addi %scan3A_128, %scan3A_220 : i32
        %get3A_222 = arith.index_cast %scan3A_221 : i32 to index
        %get3A_223 = arith.constant 64 : index
        %get3A_224 = tpu.vector_load %arg8[%get3A_222, %get3A_223] {strides = array<i32>} : memref<64x128xf32, #tpu.memory_space<vmem>>, vector<1x16xf32>,
        %get3A_225 = vector.shape_cast %get3A_224 : vector<1x16xf32> to vector<16xf32>
        %mul3A_226 = arith.mulf %get3A_225, %get3A_71 : vector<16xf32>
        %add3A_227 = arith.addf %mul3A_226, %get3A_75 : vector<16xf32>
        %exp3A_228 = math.exp %add3A_227 : vector<16xf32>
        %add3A_229 = arith.constant 1.000000e+00 : f32
        %add3A_230 = vector.broadcast %add3A_229 : f32 to vector<16xf32>
        %add3A_231 = arith.addf %add3A_230, %exp3A_228 : vector<16xf32>
        %div3A_232 = arith.constant 2.000000e+00 : f32
        %div3A_233 = vector.broadcast %div3A_232 : f32 to vector<16xf32>
        %div3A_234 = arith.divf %div3A_233, %add3A_231 : vector<16xf32>
        %sub3A_235 = arith.constant 1.000000e+00 : f32
        %sub3A_236 = vector.broadcast %sub3A_235 : f32 to vector<16xf32>
        %sub3A_237 = arith.subf %sub3A_236, %div3A_234 : vector<16xf32>
        %swap3A_238 = arith.index_cast %scan3A_221 : i32 to index
        %swap3A_239 = arith.constant 64 : index
        %swap3A_240 = tpu.vector_load %arg8[%swap3A_238, %swap3A_239] {strides = array<i32>} : memref<64x128xf32, #tpu.memory_space<vmem>>, vector<1x16xf32>,
        %swap3A_241 = vector.shape_cast %swap3A_240 : vector<1x16xf32> to vector<16xf32>
        %swap3A_242 = vector.shape_cast %sub3A_237 : vector<16xf32> to vector<1x16xf32>
        tpu.vector_store %arg8[%swap3A_238, %swap3A_239], %swap3A_242 {strides = array<i32>} : memref<64x128xf32, #tpu.memory_space<vmem>>, vector<1x16xf32>,
        %scan3A_243 = arith.constant 0 : i32
        %scan3A_244 = arith.constant 5 : i32
        %scan3A_245 = arith.addi %scan3A_128, %scan3A_244 : i32
        %get3A_246 = arith.index_cast %scan3A_245 : i32 to index
        %get3A_247 = arith.constant 64 : index
        %get3A_248 = tpu.vector_load %arg8[%get3A_246, %get3A_247] {strides = array<i32>} : memref<64x128xf32, #tpu.memory_space<vmem>>, vector<1x16xf32>,
        %get3A_249 = vector.shape_cast %get3A_248 : vector<1x16xf32> to vector<16xf32>
        %mul3A_250 = arith.mulf %get3A_249, %get3A_71 : vector<16xf32>
        %add3A_251 = arith.addf %mul3A_250, %get3A_75 : vector<16xf32>
        %exp3A_252 = math.exp %add3A_251 : vector<16xf32>
        %add3A_253 = arith.constant 1.000000e+00 : f32
        %add3A_254 = vector.broadcast %add3A_253 : f32 to vector<16xf32>
        %add3A_255 = arith.addf %add3A_254, %exp3A_252 : vector<16xf32>
        %div3A_256 = arith.constant 2.000000e+00 : f32
        %div3A_257 = vector.broadcast %div3A_256 : f32 to vector<16xf32>
        %div3A_258 = arith.divf %div3A_257, %add3A_255 : vector<16xf32>
        %sub3A_259 = arith.constant 1.000000e+00 : f32
        %sub3A_260 = vector.broadcast %sub3A_259 : f32 to vector<16xf32>
        %sub3A_261 = arith.subf %sub3A_260, %div3A_258 : vector<16xf32>
        %swap3A_262 = arith.index_cast %scan3A_245 : i32 to index
        %swap3A_263 = arith.constant 64 : index
        %swap3A_264 = tpu.vector_load %arg8[%swap3A_262, %swap3A_263] {strides = array<i32>} : memref<64x128xf32, #tpu.memory_space<vmem>>, vector<1x16xf32>,
        %swap3A_265 = vector.shape_cast %swap3A_264 : vector<1x16xf32> to vector<16xf32>
        %swap3A_266 = vector.shape_cast %sub3A_261 : vector<16xf32> to vector<1x16xf32>
        tpu.vector_store %arg8[%swap3A_262, %swap3A_263], %swap3A_266 {strides = array<i32>} : memref<64x128xf32, #tpu.memory_space<vmem>>, vector<1x16xf32>,
        %scan3A_267 = arith.constant 0 : i32
        %scan3A_268 = arith.constant 6 : i32
        %scan3A_269 = arith.addi %scan3A_128, %scan3A_268 : i32
        %get3A_270 = arith.index_cast %scan3A_269 : i32 to index
        %get3A_271 = arith.constant 64 : index
        %get3A_272 = tpu.vector_load %arg8[%get3A_270, %get3A_271] {strides = array<i32>} : memref<64x128xf32, #tpu.memory_space<vmem>>, vector<1x16xf32>,
        %get3A_273 = vector.shape_cast %get3A_272 : vector<1x16xf32> to vector<16xf32>
        %mul3A_274 = arith.mulf %get3A_273, %get3A_71 : vector<16xf32>
        %add3A_275 = arith.addf %mul3A_274, %get3A_75 : vector<16xf32>
        %exp3A_276 = math.exp %add3A_275 : vector<16xf32>
        %add3A_277 = arith.constant 1.000000e+00 : f32
        %add3A_278 = vector.broadcast %add3A_277 : f32 to vector<16xf32>
        %add3A_279 = arith.addf %add3A_278, %exp3A_276 : vector<16xf32>
        %div3A_280 = arith.constant 2.000000e+00 : f32
        %div3A_281 = vector.broadcast %div3A_280 : f32 to vector<16xf32>
        %div3A_282 = arith.divf %div3A_281, %add3A_279 : vector<16xf32>
        %sub3A_283 = arith.constant 1.000000e+00 : f32
        %sub3A_284 = vector.broadcast %sub3A_283 : f32 to vector<16xf32>
        %sub3A_285 = arith.subf %sub3A_284, %div3A_282 : vector<16xf32>
        %swap3A_286 = arith.index_cast %scan3A_269 : i32 to index
        %swap3A_287 = arith.constant 64 : index
        %swap3A_288 = tpu.vector_load %arg8[%swap3A_286, %swap3A_287] {strides = array<i32>} : memref<64x128xf32, #tpu.memory_space<vmem>>, vector<1x16xf32>,
        %swap3A_289 = vector.shape_cast %swap3A_288 : vector<1x16xf32> to vector<16xf32>
        %swap3A_290 = vector.shape_cast %sub3A_285 : vector<16xf32> to vector<1x16xf32>
        tpu.vector_store %arg8[%swap3A_286, %swap3A_287], %swap3A_290 {strides = array<i32>} : memref<64x128xf32, #tpu.memory_space<vmem>>, vector<1x16xf32>,
        %scan3A_291 = arith.constant 0 : i32
        %scan3A_292 = arith.constant 7 : i32
        %scan3A_293 = arith.addi %scan3A_128, %scan3A_292 : i32
        %get3A_294 = arith.index_cast %scan3A_293 : i32 to index
        %get3A_295 = arith.constant 64 : index
        %get3A_296 = tpu.vector_load %arg8[%get3A_294, %get3A_295] {strides = array<i32>} : memref<64x128xf32, #tpu.memory_space<vmem>>, vector<1x16xf32>,
        %get3A_297 = vector.shape_cast %get3A_296 : vector<1x16xf32> to vector<16xf32>
        %mul3A_298 = arith.mulf %get3A_297, %get3A_71 : vector<16xf32>
        %add3A_299 = arith.addf %mul3A_298, %get3A_75 : vector<16xf32>
        %exp3A_300 = math.exp %add3A_299 : vector<16xf32>
        %add3A_301 = arith.constant 1.000000e+00 : f32
        %add3A_302 = vector.broadcast %add3A_301 : f32 to vector<16xf32>
        %add3A_303 = arith.addf %add3A_302, %exp3A_300 : vector<16xf32>
        %div3A_304 = arith.constant 2.000000e+00 : f32
        %div3A_305 = vector.broadcast %div3A_304 : f32 to vector<16xf32>
        %div3A_306 = arith.divf %div3A_305, %add3A_303 : vector<16xf32>
        %sub3A_307 = arith.constant 1.000000e+00 : f32
        %sub3A_308 = vector.broadcast %sub3A_307 : f32 to vector<16xf32>
        %sub3A_309 = arith.subf %sub3A_308, %div3A_306 : vector<16xf32>
        %swap3A_310 = arith.index_cast %scan3A_293 : i32 to index
        %swap3A_311 = arith.constant 64 : index
        %swap3A_312 = tpu.vector_load %arg8[%swap3A_310, %swap3A_311] {strides = array<i32>} : memref<64x128xf32, #tpu.memory_space<vmem>>, vector<1x16xf32>,
        %swap3A_313 = vector.shape_cast %swap3A_312 : vector<1x16xf32> to vector<16xf32>
        %swap3A_314 = vector.shape_cast %sub3A_309 : vector<16xf32> to vector<1x16xf32>
        tpu.vector_store %arg8[%swap3A_310, %swap3A_311], %swap3A_314 {strides = array<i32>} : memref<64x128xf32, #tpu.memory_space<vmem>>, vector<1x16xf32>,
        %scan3A_315 = arith.constant 0 : i32
        scf.yield %scan3A_315 : i32
      }
      %scan3A_82 = arith.constant 64 : i32
      %get3A_83 = arith.index_cast %scan3A_8 : i32 to index
      %get3A_84 = arith.constant 80 : index
      %get3A_85 = tpu.vector_load %arg6[%get3A_83, %get3A_84] {strides = array<i32>} : memref<50x128xf32, #tpu.memory_space<vmem>>, vector<1x16xf32>,
      %get3A_86 = vector.shape_cast %get3A_85 : vector<1x16xf32> to vector<16xf32>
      %get3A_87 = arith.index_cast %scan3A_8 : i32 to index
      %get3A_88 = arith.constant 80 : index
      %get3A_89 = tpu.vector_load %arg7[%get3A_87, %get3A_88] {strides = array<i32>} : memref<50x128xf32, #tpu.memory_space<vmem>>, vector<1x16xf32>,
      %get3A_90 = vector.shape_cast %get3A_89 : vector<1x16xf32> to vector<16xf32>
      %scan3A_91 = arith.constant 0 : i32
      %scan3A_92 = arith.constant 0 : i32
      %scan3A_93 = arith.constant 64 : i32
      %scan3A_94 = arith.addi %scan3A_92, %scan3A_93 : i32
      %scan3A_95 = arith.constant 8 : i32
      %scan3A_96 = scf.for %scan3A_128 = %scan3A_92 to %scan3A_94 step %scan3A_95 iter_args(%scan3A_129 = %scan3A_91) -> (i32)  : i32 {
        %get3A_130 = arith.index_cast %scan3A_128 : i32 to index
        %get3A_131 = arith.constant 80 : index
        %get3A_132 = tpu.vector_load %arg8[%get3A_130, %get3A_131] {strides = array<i32>} : memref<64x128xf32, #tpu.memory_space<vmem>>, vector<1x16xf32>,
        %get3A_133 = vector.shape_cast %get3A_132 : vector<1x16xf32> to vector<16xf32>
        %mul3A_134 = arith.mulf %get3A_133, %get3A_86 : vector<16xf32>
        %add3A_135 = arith.addf %mul3A_134, %get3A_90 : vector<16xf32>
        %exp3A = math.exp %add3A_135 : vector<16xf32>
        %add3A_136 = arith.constant 1.000000e+00 : f32
        %add3A_137 = vector.broadcast %add3A_136 : f32 to vector<16xf32>
        %add3A_138 = arith.addf %add3A_137, %exp3A : vector<16xf32>
        %div3A = arith.constant 2.000000e+00 : f32
        %div3A_139 = vector.broadcast %div3A : f32 to vector<16xf32>
        %div3A_140 = arith.divf %div3A_139, %add3A_138 : vector<16xf32>
        %sub3A = arith.constant 1.000000e+00 : f32
        %sub3A_141 = vector.broadcast %sub3A : f32 to vector<16xf32>
        %sub3A_142 = arith.subf %sub3A_141, %div3A_140 : vector<16xf32>
        %swap3A = arith.index_cast %scan3A_128 : i32 to index
        %swap3A_143 = arith.constant 80 : index
        %swap3A_144 = tpu.vector_load %arg8[%swap3A, %swap3A_143] {strides = array<i32>} : memref<64x128xf32, #tpu.memory_space<vmem>>, vector<1x16xf32>,
        %swap3A_145 = vector.shape_cast %swap3A_144 : vector<1x16xf32> to vector<16xf32>
        %swap3A_146 = vector.shape_cast %sub3A_142 : vector<16xf32> to vector<1x16xf32>
        tpu.vector_store %arg8[%swap3A, %swap3A_143], %swap3A_146 {strides = array<i32>} : memref<64x128xf32, #tpu.memory_space<vmem>>, vector<1x16xf32>,
        %scan3A_147 = arith.constant 0 : i32
        %scan3A_148 = arith.constant 1 : i32
        %scan3A_149 = arith.addi %scan3A_128, %scan3A_148 : i32
        %get3A_150 = arith.index_cast %scan3A_149 : i32 to index
        %get3A_151 = arith.constant 80 : index
        %get3A_152 = tpu.vector_load %arg8[%get3A_150, %get3A_151] {strides = array<i32>} : memref<64x128xf32, #tpu.memory_space<vmem>>, vector<1x16xf32>,
        %get3A_153 = vector.shape_cast %get3A_152 : vector<1x16xf32> to vector<16xf32>
        %mul3A_154 = arith.mulf %get3A_153, %get3A_86 : vector<16xf32>
        %add3A_155 = arith.addf %mul3A_154, %get3A_90 : vector<16xf32>
        %exp3A_156 = math.exp %add3A_155 : vector<16xf32>
        %add3A_157 = arith.constant 1.000000e+00 : f32
        %add3A_158 = vector.broadcast %add3A_157 : f32 to vector<16xf32>
        %add3A_159 = arith.addf %add3A_158, %exp3A_156 : vector<16xf32>
        %div3A_160 = arith.constant 2.000000e+00 : f32
        %div3A_161 = vector.broadcast %div3A_160 : f32 to vector<16xf32>
        %div3A_162 = arith.divf %div3A_161, %add3A_159 : vector<16xf32>
        %sub3A_163 = arith.constant 1.000000e+00 : f32
        %sub3A_164 = vector.broadcast %sub3A_163 : f32 to vector<16xf32>
        %sub3A_165 = arith.subf %sub3A_164, %div3A_162 : vector<16xf32>
        %swap3A_166 = arith.index_cast %scan3A_149 : i32 to index
        %swap3A_167 = arith.constant 80 : index
        %swap3A_168 = tpu.vector_load %arg8[%swap3A_166, %swap3A_167] {strides = array<i32>} : memref<64x128xf32, #tpu.memory_space<vmem>>, vector<1x16xf32>,
        %swap3A_169 = vector.shape_cast %swap3A_168 : vector<1x16xf32> to vector<16xf32>
        %swap3A_170 = vector.shape_cast %sub3A_165 : vector<16xf32> to vector<1x16xf32>
        tpu.vector_store %arg8[%swap3A_166, %swap3A_167], %swap3A_170 {strides = array<i32>} : memref<64x128xf32, #tpu.memory_space<vmem>>, vector<1x16xf32>,
        %scan3A_171 = arith.constant 0 : i32
        %scan3A_172 = arith.constant 2 : i32
        %scan3A_173 = arith.addi %scan3A_128, %scan3A_172 : i32
        %get3A_174 = arith.index_cast %scan3A_173 : i32 to index
        %get3A_175 = arith.constant 80 : index
        %get3A_176 = tpu.vector_load %arg8[%get3A_174, %get3A_175] {strides = array<i32>} : memref<64x128xf32, #tpu.memory_space<vmem>>, vector<1x16xf32>,
        %get3A_177 = vector.shape_cast %get3A_176 : vector<1x16xf32> to vector<16xf32>
        %mul3A_178 = arith.mulf %get3A_177, %get3A_86 : vector<16xf32>
        %add3A_179 = arith.addf %mul3A_178, %get3A_90 : vector<16xf32>
        %exp3A_180 = math.exp %add3A_179 : vector<16xf32>
        %add3A_181 = arith.constant 1.000000e+00 : f32
        %add3A_182 = vector.broadcast %add3A_181 : f32 to vector<16xf32>
        %add3A_183 = arith.addf %add3A_182, %exp3A_180 : vector<16xf32>
        %div3A_184 = arith.constant 2.000000e+00 : f32
        %div3A_185 = vector.broadcast %div3A_184 : f32 to vector<16xf32>
        %div3A_186 = arith.divf %div3A_185, %add3A_183 : vector<16xf32>
        %sub3A_187 = arith.constant 1.000000e+00 : f32
        %sub3A_188 = vector.broadcast %sub3A_187 : f32 to vector<16xf32>
        %sub3A_189 = arith.subf %sub3A_188, %div3A_186 : vector<16xf32>
        %swap3A_190 = arith.index_cast %scan3A_173 : i32 to index
        %swap3A_191 = arith.constant 80 : index
        %swap3A_192 = tpu.vector_load %arg8[%swap3A_190, %swap3A_191] {strides = array<i32>} : memref<64x128xf32, #tpu.memory_space<vmem>>, vector<1x16xf32>,
        %swap3A_193 = vector.shape_cast %swap3A_192 : vector<1x16xf32> to vector<16xf32>
        %swap3A_194 = vector.shape_cast %sub3A_189 : vector<16xf32> to vector<1x16xf32>
        tpu.vector_store %arg8[%swap3A_190, %swap3A_191], %swap3A_194 {strides = array<i32>} : memref<64x128xf32, #tpu.memory_space<vmem>>, vector<1x16xf32>,
        %scan3A_195 = arith.constant 0 : i32
        %scan3A_196 = arith.constant 3 : i32
        %scan3A_197 = arith.addi %scan3A_128, %scan3A_196 : i32
        %get3A_198 = arith.index_cast %scan3A_197 : i32 to index
        %get3A_199 = arith.constant 80 : index
        %get3A_200 = tpu.vector_load %arg8[%get3A_198, %get3A_199] {strides = array<i32>} : memref<64x128xf32, #tpu.memory_space<vmem>>, vector<1x16xf32>,
        %get3A_201 = vector.shape_cast %get3A_200 : vector<1x16xf32> to vector<16xf32>
        %mul3A_202 = arith.mulf %get3A_201, %get3A_86 : vector<16xf32>
        %add3A_203 = arith.addf %mul3A_202, %get3A_90 : vector<16xf32>
        %exp3A_204 = math.exp %add3A_203 : vector<16xf32>
        %add3A_205 = arith.constant 1.000000e+00 : f32
        %add3A_206 = vector.broadcast %add3A_205 : f32 to vector<16xf32>
        %add3A_207 = arith.addf %add3A_206, %exp3A_204 : vector<16xf32>
        %div3A_208 = arith.constant 2.000000e+00 : f32
        %div3A_209 = vector.broadcast %div3A_208 : f32 to vector<16xf32>
        %div3A_210 = arith.divf %div3A_209, %add3A_207 : vector<16xf32>
        %sub3A_211 = arith.constant 1.000000e+00 : f32
        %sub3A_212 = vector.broadcast %sub3A_211 : f32 to vector<16xf32>
        %sub3A_213 = arith.subf %sub3A_212, %div3A_210 : vector<16xf32>
        %swap3A_214 = arith.index_cast %scan3A_197 : i32 to index
        %swap3A_215 = arith.constant 80 : index
        %swap3A_216 = tpu.vector_load %arg8[%swap3A_214, %swap3A_215] {strides = array<i32>} : memref<64x128xf32, #tpu.memory_space<vmem>>, vector<1x16xf32>,
        %swap3A_217 = vector.shape_cast %swap3A_216 : vector<1x16xf32> to vector<16xf32>
        %swap3A_218 = vector.shape_cast %sub3A_213 : vector<16xf32> to vector<1x16xf32>
        tpu.vector_store %arg8[%swap3A_214, %swap3A_215], %swap3A_218 {strides = array<i32>} : memref<64x128xf32, #tpu.memory_space<vmem>>, vector<1x16xf32>,
        %scan3A_219 = arith.constant 0 : i32
        %scan3A_220 = arith.constant 4 : i32
        %scan3A_221 = arith.addi %scan3A_128, %scan3A_220 : i32
        %get3A_222 = arith.index_cast %scan3A_221 : i32 to index
        %get3A_223 = arith.constant 80 : index
        %get3A_224 = tpu.vector_load %arg8[%get3A_222, %get3A_223] {strides = array<i32>} : memref<64x128xf32, #tpu.memory_space<vmem>>, vector<1x16xf32>,
        %get3A_225 = vector.shape_cast %get3A_224 : vector<1x16xf32> to vector<16xf32>
        %mul3A_226 = arith.mulf %get3A_225, %get3A_86 : vector<16xf32>
        %add3A_227 = arith.addf %mul3A_226, %get3A_90 : vector<16xf32>
        %exp3A_228 = math.exp %add3A_227 : vector<16xf32>
        %add3A_229 = arith.constant 1.000000e+00 : f32
        %add3A_230 = vector.broadcast %add3A_229 : f32 to vector<16xf32>
        %add3A_231 = arith.addf %add3A_230, %exp3A_228 : vector<16xf32>
        %div3A_232 = arith.constant 2.000000e+00 : f32
        %div3A_233 = vector.broadcast %div3A_232 : f32 to vector<16xf32>
        %div3A_234 = arith.divf %div3A_233, %add3A_231 : vector<16xf32>
        %sub3A_235 = arith.constant 1.000000e+00 : f32
        %sub3A_236 = vector.broadcast %sub3A_235 : f32 to vector<16xf32>
        %sub3A_237 = arith.subf %sub3A_236, %div3A_234 : vector<16xf32>
        %swap3A_238 = arith.index_cast %scan3A_221 : i32 to index
        %swap3A_239 = arith.constant 80 : index
        %swap3A_240 = tpu.vector_load %arg8[%swap3A_238, %swap3A_239] {strides = array<i32>} : memref<64x128xf32, #tpu.memory_space<vmem>>, vector<1x16xf32>,
        %swap3A_241 = vector.shape_cast %swap3A_240 : vector<1x16xf32> to vector<16xf32>
        %swap3A_242 = vector.shape_cast %sub3A_237 : vector<16xf32> to vector<1x16xf32>
        tpu.vector_store %arg8[%swap3A_238, %swap3A_239], %swap3A_242 {strides = array<i32>} : memref<64x128xf32, #tpu.memory_space<vmem>>, vector<1x16xf32>,
        %scan3A_243 = arith.constant 0 : i32
        %scan3A_244 = arith.constant 5 : i32
        %scan3A_245 = arith.addi %scan3A_128, %scan3A_244 : i32
        %get3A_246 = arith.index_cast %scan3A_245 : i32 to index
        %get3A_247 = arith.constant 80 : index
        %get3A_248 = tpu.vector_load %arg8[%get3A_246, %get3A_247] {strides = array<i32>} : memref<64x128xf32, #tpu.memory_space<vmem>>, vector<1x16xf32>,
        %get3A_249 = vector.shape_cast %get3A_248 : vector<1x16xf32> to vector<16xf32>
        %mul3A_250 = arith.mulf %get3A_249, %get3A_86 : vector<16xf32>
        %add3A_251 = arith.addf %mul3A_250, %get3A_90 : vector<16xf32>
        %exp3A_252 = math.exp %add3A_251 : vector<16xf32>
        %add3A_253 = arith.constant 1.000000e+00 : f32
        %add3A_254 = vector.broadcast %add3A_253 : f32 to vector<16xf32>
        %add3A_255 = arith.addf %add3A_254, %exp3A_252 : vector<16xf32>
        %div3A_256 = arith.constant 2.000000e+00 : f32
        %div3A_257 = vector.broadcast %div3A_256 : f32 to vector<16xf32>
        %div3A_258 = arith.divf %div3A_257, %add3A_255 : vector<16xf32>
        %sub3A_259 = arith.constant 1.000000e+00 : f32
        %sub3A_260 = vector.broadcast %sub3A_259 : f32 to vector<16xf32>
        %sub3A_261 = arith.subf %sub3A_260, %div3A_258 : vector<16xf32>
        %swap3A_262 = arith.index_cast %scan3A_245 : i32 to index
        %swap3A_263 = arith.constant 80 : index
        %swap3A_264 = tpu.vector_load %arg8[%swap3A_262, %swap3A_263] {strides = array<i32>} : memref<64x128xf32, #tpu.memory_space<vmem>>, vector<1x16xf32>,
        %swap3A_265 = vector.shape_cast %swap3A_264 : vector<1x16xf32> to vector<16xf32>
        %swap3A_266 = vector.shape_cast %sub3A_261 : vector<16xf32> to vector<1x16xf32>
        tpu.vector_store %arg8[%swap3A_262, %swap3A_263], %swap3A_266 {strides = array<i32>} : memref<64x128xf32, #tpu.memory_space<vmem>>, vector<1x16xf32>,
        %scan3A_267 = arith.constant 0 : i32
        %scan3A_268 = arith.constant 6 : i32
        %scan3A_269 = arith.addi %scan3A_128, %scan3A_268 : i32
        %get3A_270 = arith.index_cast %scan3A_269 : i32 to index
        %get3A_271 = arith.constant 80 : index
        %get3A_272 = tpu.vector_load %arg8[%get3A_270, %get3A_271] {strides = array<i32>} : memref<64x128xf32, #tpu.memory_space<vmem>>, vector<1x16xf32>,
        %get3A_273 = vector.shape_cast %get3A_272 : vector<1x16xf32> to vector<16xf32>
        %mul3A_274 = arith.mulf %get3A_273, %get3A_86 : vector<16xf32>
        %add3A_275 = arith.addf %mul3A_274, %get3A_90 : vector<16xf32>
        %exp3A_276 = math.exp %add3A_275 : vector<16xf32>
        %add3A_277 = arith.constant 1.000000e+00 : f32
        %add3A_278 = vector.broadcast %add3A_277 : f32 to vector<16xf32>
        %add3A_279 = arith.addf %add3A_278, %exp3A_276 : vector<16xf32>
        %div3A_280 = arith.constant 2.000000e+00 : f32
        %div3A_281 = vector.broadcast %div3A_280 : f32 to vector<16xf32>
        %div3A_282 = arith.divf %div3A_281, %add3A_279 : vector<16xf32>
        %sub3A_283 = arith.constant 1.000000e+00 : f32
        %sub3A_284 = vector.broadcast %sub3A_283 : f32 to vector<16xf32>
        %sub3A_285 = arith.subf %sub3A_284, %div3A_282 : vector<16xf32>
        %swap3A_286 = arith.index_cast %scan3A_269 : i32 to index
        %swap3A_287 = arith.constant 80 : index
        %swap3A_288 = tpu.vector_load %arg8[%swap3A_286, %swap3A_287] {strides = array<i32>} : memref<64x128xf32, #tpu.memory_space<vmem>>, vector<1x16xf32>,
        %swap3A_289 = vector.shape_cast %swap3A_288 : vector<1x16xf32> to vector<16xf32>
        %swap3A_290 = vector.shape_cast %sub3A_285 : vector<16xf32> to vector<1x16xf32>
        tpu.vector_store %arg8[%swap3A_286, %swap3A_287], %swap3A_290 {strides = array<i32>} : memref<64x128xf32, #tpu.memory_space<vmem>>, vector<1x16xf32>,
        %scan3A_291 = arith.constant 0 : i32
        %scan3A_292 = arith.constant 7 : i32
        %scan3A_293 = arith.addi %scan3A_128, %scan3A_292 : i32
        %get3A_294 = arith.index_cast %scan3A_293 : i32 to index
        %get3A_295 = arith.constant 80 : index
        %get3A_296 = tpu.vector_load %arg8[%get3A_294, %get3A_295] {strides = array<i32>} : memref<64x128xf32, #tpu.memory_space<vmem>>, vector<1x16xf32>,
        %get3A_297 = vector.shape_cast %get3A_296 : vector<1x16xf32> to vector<16xf32>
        %mul3A_298 = arith.mulf %get3A_297, %get3A_86 : vector<16xf32>
        %add3A_299 = arith.addf %mul3A_298, %get3A_90 : vector<16xf32>
        %exp3A_300 = math.exp %add3A_299 : vector<16xf32>
        %add3A_301 = arith.constant 1.000000e+00 : f32
        %add3A_302 = vector.broadcast %add3A_301 : f32 to vector<16xf32>
        %add3A_303 = arith.addf %add3A_302, %exp3A_300 : vector<16xf32>
        %div3A_304 = arith.constant 2.000000e+00 : f32
        %div3A_305 = vector.broadcast %div3A_304 : f32 to vector<16xf32>
        %div3A_306 = arith.divf %div3A_305, %add3A_303 : vector<16xf32>
        %sub3A_307 = arith.constant 1.000000e+00 : f32
        %sub3A_308 = vector.broadcast %sub3A_307 : f32 to vector<16xf32>
        %sub3A_309 = arith.subf %sub3A_308, %div3A_306 : vector<16xf32>
        %swap3A_310 = arith.index_cast %scan3A_293 : i32 to index
        %swap3A_311 = arith.constant 80 : index
        %swap3A_312 = tpu.vector_load %arg8[%swap3A_310, %swap3A_311] {strides = array<i32>} : memref<64x128xf32, #tpu.memory_space<vmem>>, vector<1x16xf32>,
        %swap3A_313 = vector.shape_cast %swap3A_312 : vector<1x16xf32> to vector<16xf32>
        %swap3A_314 = vector.shape_cast %sub3A_309 : vector<16xf32> to vector<1x16xf32>
        tpu.vector_store %arg8[%swap3A_310, %swap3A_311], %swap3A_314 {strides = array<i32>} : memref<64x128xf32, #tpu.memory_space<vmem>>, vector<1x16xf32>,
        %scan3A_315 = arith.constant 0 : i32
        scf.yield %scan3A_315 : i32
      }
      %scan3A_97 = arith.constant 64 : i32
      %get3A_98 = arith.index_cast %scan3A_8 : i32 to index
      %get3A_99 = arith.constant 96 : index
      %get3A_100 = tpu.vector_load %arg6[%get3A_98, %get3A_99] {strides = array<i32>} : memref<50x128xf32, #tpu.memory_space<vmem>>, vector<1x16xf32>,
      %get3A_101 = vector.shape_cast %get3A_100 : vector<1x16xf32> to vector<16xf32>
      %get3A_102 = arith.index_cast %scan3A_8 : i32 to index
      %get3A_103 = arith.constant 96 : index
      %get3A_104 = tpu.vector_load %arg7[%get3A_102, %get3A_103] {strides = array<i32>} : memref<50x128xf32, #tpu.memory_space<vmem>>, vector<1x16xf32>,
      %get3A_105 = vector.shape_cast %get3A_104 : vector<1x16xf32> to vector<16xf32>
      %scan3A_106 = arith.constant 0 : i32
      %scan3A_107 = arith.constant 0 : i32
      %scan3A_108 = arith.constant 64 : i32
      %scan3A_109 = arith.addi %scan3A_107, %scan3A_108 : i32
      %scan3A_110 = arith.constant 8 : i32
      %scan3A_111 = scf.for %scan3A_128 = %scan3A_107 to %scan3A_109 step %scan3A_110 iter_args(%scan3A_129 = %scan3A_106) -> (i32)  : i32 {
        %get3A_130 = arith.index_cast %scan3A_128 : i32 to index
        %get3A_131 = arith.constant 96 : index
        %get3A_132 = tpu.vector_load %arg8[%get3A_130, %get3A_131] {strides = array<i32>} : memref<64x128xf32, #tpu.memory_space<vmem>>, vector<1x16xf32>,
        %get3A_133 = vector.shape_cast %get3A_132 : vector<1x16xf32> to vector<16xf32>
        %mul3A_134 = arith.mulf %get3A_133, %get3A_101 : vector<16xf32>
        %add3A_135 = arith.addf %mul3A_134, %get3A_105 : vector<16xf32>
        %exp3A = math.exp %add3A_135 : vector<16xf32>
        %add3A_136 = arith.constant 1.000000e+00 : f32
        %add3A_137 = vector.broadcast %add3A_136 : f32 to vector<16xf32>
        %add3A_138 = arith.addf %add3A_137, %exp3A : vector<16xf32>
        %div3A = arith.constant 2.000000e+00 : f32
        %div3A_139 = vector.broadcast %div3A : f32 to vector<16xf32>
        %div3A_140 = arith.divf %div3A_139, %add3A_138 : vector<16xf32>
        %sub3A = arith.constant 1.000000e+00 : f32
        %sub3A_141 = vector.broadcast %sub3A : f32 to vector<16xf32>
        %sub3A_142 = arith.subf %sub3A_141, %div3A_140 : vector<16xf32>
        %swap3A = arith.index_cast %scan3A_128 : i32 to index
        %swap3A_143 = arith.constant 96 : index
        %swap3A_144 = tpu.vector_load %arg8[%swap3A, %swap3A_143] {strides = array<i32>} : memref<64x128xf32, #tpu.memory_space<vmem>>, vector<1x16xf32>,
        %swap3A_145 = vector.shape_cast %swap3A_144 : vector<1x16xf32> to vector<16xf32>
        %swap3A_146 = vector.shape_cast %sub3A_142 : vector<16xf32> to vector<1x16xf32>
        tpu.vector_store %arg8[%swap3A, %swap3A_143], %swap3A_146 {strides = array<i32>} : memref<64x128xf32, #tpu.memory_space<vmem>>, vector<1x16xf32>,
        %scan3A_147 = arith.constant 0 : i32
        %scan3A_148 = arith.constant 1 : i32
        %scan3A_149 = arith.addi %scan3A_128, %scan3A_148 : i32
        %get3A_150 = arith.index_cast %scan3A_149 : i32 to index
        %get3A_151 = arith.constant 96 : index
        %get3A_152 = tpu.vector_load %arg8[%get3A_150, %get3A_151] {strides = array<i32>} : memref<64x128xf32, #tpu.memory_space<vmem>>, vector<1x16xf32>,
        %get3A_153 = vector.shape_cast %get3A_152 : vector<1x16xf32> to vector<16xf32>
        %mul3A_154 = arith.mulf %get3A_153, %get3A_101 : vector<16xf32>
        %add3A_155 = arith.addf %mul3A_154, %get3A_105 : vector<16xf32>
        %exp3A_156 = math.exp %add3A_155 : vector<16xf32>
        %add3A_157 = arith.constant 1.000000e+00 : f32
        %add3A_158 = vector.broadcast %add3A_157 : f32 to vector<16xf32>
        %add3A_159 = arith.addf %add3A_158, %exp3A_156 : vector<16xf32>
        %div3A_160 = arith.constant 2.000000e+00 : f32
        %div3A_161 = vector.broadcast %div3A_160 : f32 to vector<16xf32>
        %div3A_162 = arith.divf %div3A_161, %add3A_159 : vector<16xf32>
        %sub3A_163 = arith.constant 1.000000e+00 : f32
        %sub3A_164 = vector.broadcast %sub3A_163 : f32 to vector<16xf32>
        %sub3A_165 = arith.subf %sub3A_164, %div3A_162 : vector<16xf32>
        %swap3A_166 = arith.index_cast %scan3A_149 : i32 to index
        %swap3A_167 = arith.constant 96 : index
        %swap3A_168 = tpu.vector_load %arg8[%swap3A_166, %swap3A_167] {strides = array<i32>} : memref<64x128xf32, #tpu.memory_space<vmem>>, vector<1x16xf32>,
        %swap3A_169 = vector.shape_cast %swap3A_168 : vector<1x16xf32> to vector<16xf32>
        %swap3A_170 = vector.shape_cast %sub3A_165 : vector<16xf32> to vector<1x16xf32>
        tpu.vector_store %arg8[%swap3A_166, %swap3A_167], %swap3A_170 {strides = array<i32>} : memref<64x128xf32, #tpu.memory_space<vmem>>, vector<1x16xf32>,
        %scan3A_171 = arith.constant 0 : i32
        %scan3A_172 = arith.constant 2 : i32
        %scan3A_173 = arith.addi %scan3A_128, %scan3A_172 : i32
        %get3A_174 = arith.index_cast %scan3A_173 : i32 to index
        %get3A_175 = arith.constant 96 : index
        %get3A_176 = tpu.vector_load %arg8[%get3A_174, %get3A_175] {strides = array<i32>} : memref<64x128xf32, #tpu.memory_space<vmem>>, vector<1x16xf32>,
        %get3A_177 = vector.shape_cast %get3A_176 : vector<1x16xf32> to vector<16xf32>
        %mul3A_178 = arith.mulf %get3A_177, %get3A_101 : vector<16xf32>
        %add3A_179 = arith.addf %mul3A_178, %get3A_105 : vector<16xf32>
        %exp3A_180 = math.exp %add3A_179 : vector<16xf32>
        %add3A_181 = arith.constant 1.000000e+00 : f32
        %add3A_182 = vector.broadcast %add3A_181 : f32 to vector<16xf32>
        %add3A_183 = arith.addf %add3A_182, %exp3A_180 : vector<16xf32>
        %div3A_184 = arith.constant 2.000000e+00 : f32
        %div3A_185 = vector.broadcast %div3A_184 : f32 to vector<16xf32>
        %div3A_186 = arith.divf %div3A_185, %add3A_183 : vector<16xf32>
        %sub3A_187 = arith.constant 1.000000e+00 : f32
        %sub3A_188 = vector.broadcast %sub3A_187 : f32 to vector<16xf32>
        %sub3A_189 = arith.subf %sub3A_188, %div3A_186 : vector<16xf32>
        %swap3A_190 = arith.index_cast %scan3A_173 : i32 to index
        %swap3A_191 = arith.constant 96 : index
        %swap3A_192 = tpu.vector_load %arg8[%swap3A_190, %swap3A_191] {strides = array<i32>} : memref<64x128xf32, #tpu.memory_space<vmem>>, vector<1x16xf32>,
        %swap3A_193 = vector.shape_cast %swap3A_192 : vector<1x16xf32> to vector<16xf32>
        %swap3A_194 = vector.shape_cast %sub3A_189 : vector<16xf32> to vector<1x16xf32>
        tpu.vector_store %arg8[%swap3A_190, %swap3A_191], %swap3A_194 {strides = array<i32>} : memref<64x128xf32, #tpu.memory_space<vmem>>, vector<1x16xf32>,
        %scan3A_195 = arith.constant 0 : i32
        %scan3A_196 = arith.constant 3 : i32
        %scan3A_197 = arith.addi %scan3A_128, %scan3A_196 : i32
        %get3A_198 = arith.index_cast %scan3A_197 : i32 to index
        %get3A_199 = arith.constant 96 : index
        %get3A_200 = tpu.vector_load %arg8[%get3A_198, %get3A_199] {strides = array<i32>} : memref<64x128xf32, #tpu.memory_space<vmem>>, vector<1x16xf32>,
        %get3A_201 = vector.shape_cast %get3A_200 : vector<1x16xf32> to vector<16xf32>
        %mul3A_202 = arith.mulf %get3A_201, %get3A_101 : vector<16xf32>
        %add3A_203 = arith.addf %mul3A_202, %get3A_105 : vector<16xf32>
        %exp3A_204 = math.exp %add3A_203 : vector<16xf32>
        %add3A_205 = arith.constant 1.000000e+00 : f32
        %add3A_206 = vector.broadcast %add3A_205 : f32 to vector<16xf32>
        %add3A_207 = arith.addf %add3A_206, %exp3A_204 : vector<16xf32>
        %div3A_208 = arith.constant 2.000000e+00 : f32
        %div3A_209 = vector.broadcast %div3A_208 : f32 to vector<16xf32>
        %div3A_210 = arith.divf %div3A_209, %add3A_207 : vector<16xf32>
        %sub3A_211 = arith.constant 1.000000e+00 : f32
        %sub3A_212 = vector.broadcast %sub3A_211 : f32 to vector<16xf32>
        %sub3A_213 = arith.subf %sub3A_212, %div3A_210 : vector<16xf32>
        %swap3A_214 = arith.index_cast %scan3A_197 : i32 to index
        %swap3A_215 = arith.constant 96 : index
        %swap3A_216 = tpu.vector_load %arg8[%swap3A_214, %swap3A_215] {strides = array<i32>} : memref<64x128xf32, #tpu.memory_space<vmem>>, vector<1x16xf32>,
        %swap3A_217 = vector.shape_cast %swap3A_216 : vector<1x16xf32> to vector<16xf32>
        %swap3A_218 = vector.shape_cast %sub3A_213 : vector<16xf32> to vector<1x16xf32>
        tpu.vector_store %arg8[%swap3A_214, %swap3A_215], %swap3A_218 {strides = array<i32>} : memref<64x128xf32, #tpu.memory_space<vmem>>, vector<1x16xf32>,
        %scan3A_219 = arith.constant 0 : i32
        %scan3A_220 = arith.constant 4 : i32
        %scan3A_221 = arith.addi %scan3A_128, %scan3A_220 : i32
        %get3A_222 = arith.index_cast %scan3A_221 : i32 to index
        %get3A_223 = arith.constant 96 : index
        %get3A_224 = tpu.vector_load %arg8[%get3A_222, %get3A_223] {strides = array<i32>} : memref<64x128xf32, #tpu.memory_space<vmem>>, vector<1x16xf32>,
        %get3A_225 = vector.shape_cast %get3A_224 : vector<1x16xf32> to vector<16xf32>
        %mul3A_226 = arith.mulf %get3A_225, %get3A_101 : vector<16xf32>
        %add3A_227 = arith.addf %mul3A_226, %get3A_105 : vector<16xf32>
        %exp3A_228 = math.exp %add3A_227 : vector<16xf32>
        %add3A_229 = arith.constant 1.000000e+00 : f32
        %add3A_230 = vector.broadcast %add3A_229 : f32 to vector<16xf32>
        %add3A_231 = arith.addf %add3A_230, %exp3A_228 : vector<16xf32>
        %div3A_232 = arith.constant 2.000000e+00 : f32
        %div3A_233 = vector.broadcast %div3A_232 : f32 to vector<16xf32>
        %div3A_234 = arith.divf %div3A_233, %add3A_231 : vector<16xf32>
        %sub3A_235 = arith.constant 1.000000e+00 : f32
        %sub3A_236 = vector.broadcast %sub3A_235 : f32 to vector<16xf32>
        %sub3A_237 = arith.subf %sub3A_236, %div3A_234 : vector<16xf32>
        %swap3A_238 = arith.index_cast %scan3A_221 : i32 to index
        %swap3A_239 = arith.constant 96 : index
        %swap3A_240 = tpu.vector_load %arg8[%swap3A_238, %swap3A_239] {strides = array<i32>} : memref<64x128xf32, #tpu.memory_space<vmem>>, vector<1x16xf32>,
        %swap3A_241 = vector.shape_cast %swap3A_240 : vector<1x16xf32> to vector<16xf32>
        %swap3A_242 = vector.shape_cast %sub3A_237 : vector<16xf32> to vector<1x16xf32>
        tpu.vector_store %arg8[%swap3A_238, %swap3A_239], %swap3A_242 {strides = array<i32>} : memref<64x128xf32, #tpu.memory_space<vmem>>, vector<1x16xf32>,
        %scan3A_243 = arith.constant 0 : i32
        %scan3A_244 = arith.constant 5 : i32
        %scan3A_245 = arith.addi %scan3A_128, %scan3A_244 : i32
        %get3A_246 = arith.index_cast %scan3A_245 : i32 to index
        %get3A_247 = arith.constant 96 : index
        %get3A_248 = tpu.vector_load %arg8[%get3A_246, %get3A_247] {strides = array<i32>} : memref<64x128xf32, #tpu.memory_space<vmem>>, vector<1x16xf32>,
        %get3A_249 = vector.shape_cast %get3A_248 : vector<1x16xf32> to vector<16xf32>
        %mul3A_250 = arith.mulf %get3A_249, %get3A_101 : vector<16xf32>
        %add3A_251 = arith.addf %mul3A_250, %get3A_105 : vector<16xf32>
        %exp3A_252 = math.exp %add3A_251 : vector<16xf32>
        %add3A_253 = arith.constant 1.000000e+00 : f32
        %add3A_254 = vector.broadcast %add3A_253 : f32 to vector<16xf32>
        %add3A_255 = arith.addf %add3A_254, %exp3A_252 : vector<16xf32>
        %div3A_256 = arith.constant 2.000000e+00 : f32
        %div3A_257 = vector.broadcast %div3A_256 : f32 to vector<16xf32>
        %div3A_258 = arith.divf %div3A_257, %add3A_255 : vector<16xf32>
        %sub3A_259 = arith.constant 1.000000e+00 : f32
        %sub3A_260 = vector.broadcast %sub3A_259 : f32 to vector<16xf32>
        %sub3A_261 = arith.subf %sub3A_260, %div3A_258 : vector<16xf32>
        %swap3A_262 = arith.index_cast %scan3A_245 : i32 to index
        %swap3A_263 = arith.constant 96 : index
        %swap3A_264 = tpu.vector_load %arg8[%swap3A_262, %swap3A_263] {strides = array<i32>} : memref<64x128xf32, #tpu.memory_space<vmem>>, vector<1x16xf32>,
        %swap3A_265 = vector.shape_cast %swap3A_264 : vector<1x16xf32> to vector<16xf32>
        %swap3A_266 = vector.shape_cast %sub3A_261 : vector<16xf32> to vector<1x16xf32>
        tpu.vector_store %arg8[%swap3A_262, %swap3A_263], %swap3A_266 {strides = array<i32>} : memref<64x128xf32, #tpu.memory_space<vmem>>, vector<1x16xf32>,
        %scan3A_267 = arith.constant 0 : i32
        %scan3A_268 = arith.constant 6 : i32
        %scan3A_269 = arith.addi %scan3A_128, %scan3A_268 : i32
        %get3A_270 = arith.index_cast %scan3A_269 : i32 to index
        %get3A_271 = arith.constant 96 : index
        %get3A_272 = tpu.vector_load %arg8[%get3A_270, %get3A_271] {strides = array<i32>} : memref<64x128xf32, #tpu.memory_space<vmem>>, vector<1x16xf32>,
        %get3A_273 = vector.shape_cast %get3A_272 : vector<1x16xf32> to vector<16xf32>
        %mul3A_274 = arith.mulf %get3A_273, %get3A_101 : vector<16xf32>
        %add3A_275 = arith.addf %mul3A_274, %get3A_105 : vector<16xf32>
        %exp3A_276 = math.exp %add3A_275 : vector<16xf32>
        %add3A_277 = arith.constant 1.000000e+00 : f32
        %add3A_278 = vector.broadcast %add3A_277 : f32 to vector<16xf32>
        %add3A_279 = arith.addf %add3A_278, %exp3A_276 : vector<16xf32>
        %div3A_280 = arith.constant 2.000000e+00 : f32
        %div3A_281 = vector.broadcast %div3A_280 : f32 to vector<16xf32>
        %div3A_282 = arith.divf %div3A_281, %add3A_279 : vector<16xf32>
        %sub3A_283 = arith.constant 1.000000e+00 : f32
        %sub3A_284 = vector.broadcast %sub3A_283 : f32 to vector<16xf32>
        %sub3A_285 = arith.subf %sub3A_284, %div3A_282 : vector<16xf32>
        %swap3A_286 = arith.index_cast %scan3A_269 : i32 to index
        %swap3A_287 = arith.constant 96 : index
        %swap3A_288 = tpu.vector_load %arg8[%swap3A_286, %swap3A_287] {strides = array<i32>} : memref<64x128xf32, #tpu.memory_space<vmem>>, vector<1x16xf32>,
        %swap3A_289 = vector.shape_cast %swap3A_288 : vector<1x16xf32> to vector<16xf32>
        %swap3A_290 = vector.shape_cast %sub3A_285 : vector<16xf32> to vector<1x16xf32>
        tpu.vector_store %arg8[%swap3A_286, %swap3A_287], %swap3A_290 {strides = array<i32>} : memref<64x128xf32, #tpu.memory_space<vmem>>, vector<1x16xf32>,
        %scan3A_291 = arith.constant 0 : i32
        %scan3A_292 = arith.constant 7 : i32
        %scan3A_293 = arith.addi %scan3A_128, %scan3A_292 : i32
        %get3A_294 = arith.index_cast %scan3A_293 : i32 to index
        %get3A_295 = arith.constant 96 : index
        %get3A_296 = tpu.vector_load %arg8[%get3A_294, %get3A_295] {strides = array<i32>} : memref<64x128xf32, #tpu.memory_space<vmem>>, vector<1x16xf32>,
        %get3A_297 = vector.shape_cast %get3A_296 : vector<1x16xf32> to vector<16xf32>
        %mul3A_298 = arith.mulf %get3A_297, %get3A_101 : vector<16xf32>
        %add3A_299 = arith.addf %mul3A_298, %get3A_105 : vector<16xf32>
        %exp3A_300 = math.exp %add3A_299 : vector<16xf32>
        %add3A_301 = arith.constant 1.000000e+00 : f32
        %add3A_302 = vector.broadcast %add3A_301 : f32 to vector<16xf32>
        %add3A_303 = arith.addf %add3A_302, %exp3A_300 : vector<16xf32>
        %div3A_304 = arith.constant 2.000000e+00 : f32
        %div3A_305 = vector.broadcast %div3A_304 : f32 to vector<16xf32>
        %div3A_306 = arith.divf %div3A_305, %add3A_303 : vector<16xf32>
        %sub3A_307 = arith.constant 1.000000e+00 : f32
        %sub3A_308 = vector.broadcast %sub3A_307 : f32 to vector<16xf32>
        %sub3A_309 = arith.subf %sub3A_308, %div3A_306 : vector<16xf32>
        %swap3A_310 = arith.index_cast %scan3A_293 : i32 to index
        %swap3A_311 = arith.constant 96 : index
        %swap3A_312 = tpu.vector_load %arg8[%swap3A_310, %swap3A_311] {strides = array<i32>} : memref<64x128xf32, #tpu.memory_space<vmem>>, vector<1x16xf32>,
        %swap3A_313 = vector.shape_cast %swap3A_312 : vector<1x16xf32> to vector<16xf32>
        %swap3A_314 = vector.shape_cast %sub3A_309 : vector<16xf32> to vector<1x16xf32>
        tpu.vector_store %arg8[%swap3A_310, %swap3A_311], %swap3A_314 {strides = array<i32>} : memref<64x128xf32, #tpu.memory_space<vmem>>, vector<1x16xf32>,
        %scan3A_315 = arith.constant 0 : i32
        scf.yield %scan3A_315 : i32
      }
      %scan3A_112 = arith.constant 64 : i32
      %get3A_113 = arith.index_cast %scan3A_8 : i32 to index
      %get3A_114 = arith.constant 112 : index
      %get3A_115 = tpu.vector_load %arg6[%get3A_113, %get3A_114] {strides = array<i32>} : memref<50x128xf32, #tpu.memory_space<vmem>>, vector<1x16xf32>,
      %get3A_116 = vector.shape_cast %get3A_115 : vector<1x16xf32> to vector<16xf32>
      %get3A_117 = arith.index_cast %scan3A_8 : i32 to index
      %get3A_118 = arith.constant 112 : index
      %get3A_119 = tpu.vector_load %arg7[%get3A_117, %get3A_118] {strides = array<i32>} : memref<50x128xf32, #tpu.memory_space<vmem>>, vector<1x16xf32>,
      %get3A_120 = vector.shape_cast %get3A_119 : vector<1x16xf32> to vector<16xf32>
      %scan3A_121 = arith.constant 0 : i32
      %scan3A_122 = arith.constant 0 : i32
      %scan3A_123 = arith.constant 64 : i32
      %scan3A_124 = arith.addi %scan3A_122, %scan3A_123 : i32
      %scan3A_125 = arith.constant 8 : i32
      %scan3A_126 = scf.for %scan3A_128 = %scan3A_122 to %scan3A_124 step %scan3A_125 iter_args(%scan3A_129 = %scan3A_121) -> (i32)  : i32 {
        %get3A_130 = arith.index_cast %scan3A_128 : i32 to index
        %get3A_131 = arith.constant 112 : index
        %get3A_132 = tpu.vector_load %arg8[%get3A_130, %get3A_131] {strides = array<i32>} : memref<64x128xf32, #tpu.memory_space<vmem>>, vector<1x16xf32>,
        %get3A_133 = vector.shape_cast %get3A_132 : vector<1x16xf32> to vector<16xf32>
        %mul3A_134 = arith.mulf %get3A_133, %get3A_116 : vector<16xf32>
        %add3A_135 = arith.addf %mul3A_134, %get3A_120 : vector<16xf32>
        %exp3A = math.exp %add3A_135 : vector<16xf32>
        %add3A_136 = arith.constant 1.000000e+00 : f32
        %add3A_137 = vector.broadcast %add3A_136 : f32 to vector<16xf32>
        %add3A_138 = arith.addf %add3A_137, %exp3A : vector<16xf32>
        %div3A = arith.constant 2.000000e+00 : f32
        %div3A_139 = vector.broadcast %div3A : f32 to vector<16xf32>
        %div3A_140 = arith.divf %div3A_139, %add3A_138 : vector<16xf32>
        %sub3A = arith.constant 1.000000e+00 : f32
        %sub3A_141 = vector.broadcast %sub3A : f32 to vector<16xf32>
        %sub3A_142 = arith.subf %sub3A_141, %div3A_140 : vector<16xf32>
        %swap3A = arith.index_cast %scan3A_128 : i32 to index
        %swap3A_143 = arith.constant 112 : index
        %swap3A_144 = tpu.vector_load %arg8[%swap3A, %swap3A_143] {strides = array<i32>} : memref<64x128xf32, #tpu.memory_space<vmem>>, vector<1x16xf32>,
        %swap3A_145 = vector.shape_cast %swap3A_144 : vector<1x16xf32> to vector<16xf32>
        %swap3A_146 = vector.shape_cast %sub3A_142 : vector<16xf32> to vector<1x16xf32>
        tpu.vector_store %arg8[%swap3A, %swap3A_143], %swap3A_146 {strides = array<i32>} : memref<64x128xf32, #tpu.memory_space<vmem>>, vector<1x16xf32>,
        %scan3A_147 = arith.constant 0 : i32
        %scan3A_148 = arith.constant 1 : i32
        %scan3A_149 = arith.addi %scan3A_128, %scan3A_148 : i32
        %get3A_150 = arith.index_cast %scan3A_149 : i32 to index
        %get3A_151 = arith.constant 112 : index
        %get3A_152 = tpu.vector_load %arg8[%get3A_150, %get3A_151] {strides = array<i32>} : memref<64x128xf32, #tpu.memory_space<vmem>>, vector<1x16xf32>,
        %get3A_153 = vector.shape_cast %get3A_152 : vector<1x16xf32> to vector<16xf32>
        %mul3A_154 = arith.mulf %get3A_153, %get3A_116 : vector<16xf32>
        %add3A_155 = arith.addf %mul3A_154, %get3A_120 : vector<16xf32>
        %exp3A_156 = math.exp %add3A_155 : vector<16xf32>
        %add3A_157 = arith.constant 1.000000e+00 : f32
        %add3A_158 = vector.broadcast %add3A_157 : f32 to vector<16xf32>
        %add3A_159 = arith.addf %add3A_158, %exp3A_156 : vector<16xf32>
        %div3A_160 = arith.constant 2.000000e+00 : f32
        %div3A_161 = vector.broadcast %div3A_160 : f32 to vector<16xf32>
        %div3A_162 = arith.divf %div3A_161, %add3A_159 : vector<16xf32>
        %sub3A_163 = arith.constant 1.000000e+00 : f32
        %sub3A_164 = vector.broadcast %sub3A_163 : f32 to vector<16xf32>
        %sub3A_165 = arith.subf %sub3A_164, %div3A_162 : vector<16xf32>
        %swap3A_166 = arith.index_cast %scan3A_149 : i32 to index
        %swap3A_167 = arith.constant 112 : index
        %swap3A_168 = tpu.vector_load %arg8[%swap3A_166, %swap3A_167] {strides = array<i32>} : memref<64x128xf32, #tpu.memory_space<vmem>>, vector<1x16xf32>,
        %swap3A_169 = vector.shape_cast %swap3A_168 : vector<1x16xf32> to vector<16xf32>
        %swap3A_170 = vector.shape_cast %sub3A_165 : vector<16xf32> to vector<1x16xf32>
        tpu.vector_store %arg8[%swap3A_166, %swap3A_167], %swap3A_170 {strides = array<i32>} : memref<64x128xf32, #tpu.memory_space<vmem>>, vector<1x16xf32>,
        %scan3A_171 = arith.constant 0 : i32
        %scan3A_172 = arith.constant 2 : i32
        %scan3A_173 = arith.addi %scan3A_128, %scan3A_172 : i32
        %get3A_174 = arith.index_cast %scan3A_173 : i32 to index
        %get3A_175 = arith.constant 112 : index
        %get3A_176 = tpu.vector_load %arg8[%get3A_174, %get3A_175] {strides = array<i32>} : memref<64x128xf32, #tpu.memory_space<vmem>>, vector<1x16xf32>,
        %get3A_177 = vector.shape_cast %get3A_176 : vector<1x16xf32> to vector<16xf32>
        %mul3A_178 = arith.mulf %get3A_177, %get3A_116 : vector<16xf32>
        %add3A_179 = arith.addf %mul3A_178, %get3A_120 : vector<16xf32>
        %exp3A_180 = math.exp %add3A_179 : vector<16xf32>
        %add3A_181 = arith.constant 1.000000e+00 : f32
        %add3A_182 = vector.broadcast %add3A_181 : f32 to vector<16xf32>
        %add3A_183 = arith.addf %add3A_182, %exp3A_180 : vector<16xf32>
        %div3A_184 = arith.constant 2.000000e+00 : f32
        %div3A_185 = vector.broadcast %div3A_184 : f32 to vector<16xf32>
        %div3A_186 = arith.divf %div3A_185, %add3A_183 : vector<16xf32>
        %sub3A_187 = arith.constant 1.000000e+00 : f32
        %sub3A_188 = vector.broadcast %sub3A_187 : f32 to vector<16xf32>
        %sub3A_189 = arith.subf %sub3A_188, %div3A_186 : vector<16xf32>
        %swap3A_190 = arith.index_cast %scan3A_173 : i32 to index
        %swap3A_191 = arith.constant 112 : index
        %swap3A_192 = tpu.vector_load %arg8[%swap3A_190, %swap3A_191] {strides = array<i32>} : memref<64x128xf32, #tpu.memory_space<vmem>>, vector<1x16xf32>,
        %swap3A_193 = vector.shape_cast %swap3A_192 : vector<1x16xf32> to vector<16xf32>
        %swap3A_194 = vector.shape_cast %sub3A_189 : vector<16xf32> to vector<1x16xf32>
        tpu.vector_store %arg8[%swap3A_190, %swap3A_191], %swap3A_194 {strides = array<i32>} : memref<64x128xf32, #tpu.memory_space<vmem>>, vector<1x16xf32>,
        %scan3A_195 = arith.constant 0 : i32
        %scan3A_196 = arith.constant 3 : i32
        %scan3A_197 = arith.addi %scan3A_128, %scan3A_196 : i32
        %get3A_198 = arith.index_cast %scan3A_197 : i32 to index
        %get3A_199 = arith.constant 112 : index
        %get3A_200 = tpu.vector_load %arg8[%get3A_198, %get3A_199] {strides = array<i32>} : memref<64x128xf32, #tpu.memory_space<vmem>>, vector<1x16xf32>,
        %get3A_201 = vector.shape_cast %get3A_200 : vector<1x16xf32> to vector<16xf32>
        %mul3A_202 = arith.mulf %get3A_201, %get3A_116 : vector<16xf32>
        %add3A_203 = arith.addf %mul3A_202, %get3A_120 : vector<16xf32>
        %exp3A_204 = math.exp %add3A_203 : vector<16xf32>
        %add3A_205 = arith.constant 1.000000e+00 : f32
        %add3A_206 = vector.broadcast %add3A_205 : f32 to vector<16xf32>
        %add3A_207 = arith.addf %add3A_206, %exp3A_204 : vector<16xf32>
        %div3A_208 = arith.constant 2.000000e+00 : f32
        %div3A_209 = vector.broadcast %div3A_208 : f32 to vector<16xf32>
        %div3A_210 = arith.divf %div3A_209, %add3A_207 : vector<16xf32>
        %sub3A_211 = arith.constant 1.000000e+00 : f32
        %sub3A_212 = vector.broadcast %sub3A_211 : f32 to vector<16xf32>
        %sub3A_213 = arith.subf %sub3A_212, %div3A_210 : vector<16xf32>
        %swap3A_214 = arith.index_cast %scan3A_197 : i32 to index
        %swap3A_215 = arith.constant 112 : index
        %swap3A_216 = tpu.vector_load %arg8[%swap3A_214, %swap3A_215] {strides = array<i32>} : memref<64x128xf32, #tpu.memory_space<vmem>>, vector<1x16xf32>,
        %swap3A_217 = vector.shape_cast %swap3A_216 : vector<1x16xf32> to vector<16xf32>
        %swap3A_218 = vector.shape_cast %sub3A_213 : vector<16xf32> to vector<1x16xf32>
        tpu.vector_store %arg8[%swap3A_214, %swap3A_215], %swap3A_218 {strides = array<i32>} : memref<64x128xf32, #tpu.memory_space<vmem>>, vector<1x16xf32>,
        %scan3A_219 = arith.constant 0 : i32
        %scan3A_220 = arith.constant 4 : i32
        %scan3A_221 = arith.addi %scan3A_128, %scan3A_220 : i32
        %get3A_222 = arith.index_cast %scan3A_221 : i32 to index
        %get3A_223 = arith.constant 112 : index
        %get3A_224 = tpu.vector_load %arg8[%get3A_222, %get3A_223] {strides = array<i32>} : memref<64x128xf32, #tpu.memory_space<vmem>>, vector<1x16xf32>,
        %get3A_225 = vector.shape_cast %get3A_224 : vector<1x16xf32> to vector<16xf32>
        %mul3A_226 = arith.mulf %get3A_225, %get3A_116 : vector<16xf32>
        %add3A_227 = arith.addf %mul3A_226, %get3A_120 : vector<16xf32>
        %exp3A_228 = math.exp %add3A_227 : vector<16xf32>
        %add3A_229 = arith.constant 1.000000e+00 : f32
        %add3A_230 = vector.broadcast %add3A_229 : f32 to vector<16xf32>
        %add3A_231 = arith.addf %add3A_230, %exp3A_228 : vector<16xf32>
        %div3A_232 = arith.constant 2.000000e+00 : f32
        %div3A_233 = vector.broadcast %div3A_232 : f32 to vector<16xf32>
        %div3A_234 = arith.divf %div3A_233, %add3A_231 : vector<16xf32>
        %sub3A_235 = arith.constant 1.000000e+00 : f32
        %sub3A_236 = vector.broadcast %sub3A_235 : f32 to vector<16xf32>
        %sub3A_237 = arith.subf %sub3A_236, %div3A_234 : vector<16xf32>
        %swap3A_238 = arith.index_cast %scan3A_221 : i32 to index
        %swap3A_239 = arith.constant 112 : index
        %swap3A_240 = tpu.vector_load %arg8[%swap3A_238, %swap3A_239] {strides = array<i32>} : memref<64x128xf32, #tpu.memory_space<vmem>>, vector<1x16xf32>,
        %swap3A_241 = vector.shape_cast %swap3A_240 : vector<1x16xf32> to vector<16xf32>
        %swap3A_242 = vector.shape_cast %sub3A_237 : vector<16xf32> to vector<1x16xf32>
        tpu.vector_store %arg8[%swap3A_238, %swap3A_239], %swap3A_242 {strides = array<i32>} : memref<64x128xf32, #tpu.memory_space<vmem>>, vector<1x16xf32>,
        %scan3A_243 = arith.constant 0 : i32
        %scan3A_244 = arith.constant 5 : i32
        %scan3A_245 = arith.addi %scan3A_128, %scan3A_244 : i32
        %get3A_246 = arith.index_cast %scan3A_245 : i32 to index
        %get3A_247 = arith.constant 112 : index
        %get3A_248 = tpu.vector_load %arg8[%get3A_246, %get3A_247] {strides = array<i32>} : memref<64x128xf32, #tpu.memory_space<vmem>>, vector<1x16xf32>,
        %get3A_249 = vector.shape_cast %get3A_248 : vector<1x16xf32> to vector<16xf32>
        %mul3A_250 = arith.mulf %get3A_249, %get3A_116 : vector<16xf32>
        %add3A_251 = arith.addf %mul3A_250, %get3A_120 : vector<16xf32>
        %exp3A_252 = math.exp %add3A_251 : vector<16xf32>
        %add3A_253 = arith.constant 1.000000e+00 : f32
        %add3A_254 = vector.broadcast %add3A_253 : f32 to vector<16xf32>
        %add3A_255 = arith.addf %add3A_254, %exp3A_252 : vector<16xf32>
        %div3A_256 = arith.constant 2.000000e+00 : f32
        %div3A_257 = vector.broadcast %div3A_256 : f32 to vector<16xf32>
        %div3A_258 = arith.divf %div3A_257, %add3A_255 : vector<16xf32>
        %sub3A_259 = arith.constant 1.000000e+00 : f32
        %sub3A_260 = vector.broadcast %sub3A_259 : f32 to vector<16xf32>
        %sub3A_261 = arith.subf %sub3A_260, %div3A_258 : vector<16xf32>
        %swap3A_262 = arith.index_cast %scan3A_245 : i32 to index
        %swap3A_263 = arith.constant 112 : index
        %swap3A_264 = tpu.vector_load %arg8[%swap3A_262, %swap3A_263] {strides = array<i32>} : memref<64x128xf32, #tpu.memory_space<vmem>>, vector<1x16xf32>,
        %swap3A_265 = vector.shape_cast %swap3A_264 : vector<1x16xf32> to vector<16xf32>
        %swap3A_266 = vector.shape_cast %sub3A_261 : vector<16xf32> to vector<1x16xf32>
        tpu.vector_store %arg8[%swap3A_262, %swap3A_263], %swap3A_266 {strides = array<i32>} : memref<64x128xf32, #tpu.memory_space<vmem>>, vector<1x16xf32>,
        %scan3A_267 = arith.constant 0 : i32
        %scan3A_268 = arith.constant 6 : i32
        %scan3A_269 = arith.addi %scan3A_128, %scan3A_268 : i32
        %get3A_270 = arith.index_cast %scan3A_269 : i32 to index
        %get3A_271 = arith.constant 112 : index
        %get3A_272 = tpu.vector_load %arg8[%get3A_270, %get3A_271] {strides = array<i32>} : memref<64x128xf32, #tpu.memory_space<vmem>>, vector<1x16xf32>,
        %get3A_273 = vector.shape_cast %get3A_272 : vector<1x16xf32> to vector<16xf32>
        %mul3A_274 = arith.mulf %get3A_273, %get3A_116 : vector<16xf32>
        %add3A_275 = arith.addf %mul3A_274, %get3A_120 : vector<16xf32>
        %exp3A_276 = math.exp %add3A_275 : vector<16xf32>
        %add3A_277 = arith.constant 1.000000e+00 : f32
        %add3A_278 = vector.broadcast %add3A_277 : f32 to vector<16xf32>
        %add3A_279 = arith.addf %add3A_278, %exp3A_276 : vector<16xf32>
        %div3A_280 = arith.constant 2.000000e+00 : f32
        %div3A_281 = vector.broadcast %div3A_280 : f32 to vector<16xf32>
        %div3A_282 = arith.divf %div3A_281, %add3A_279 : vector<16xf32>
        %sub3A_283 = arith.constant 1.000000e+00 : f32
        %sub3A_284 = vector.broadcast %sub3A_283 : f32 to vector<16xf32>
        %sub3A_285 = arith.subf %sub3A_284, %div3A_282 : vector<16xf32>
        %swap3A_286 = arith.index_cast %scan3A_269 : i32 to index
        %swap3A_287 = arith.constant 112 : index
        %swap3A_288 = tpu.vector_load %arg8[%swap3A_286, %swap3A_287] {strides = array<i32>} : memref<64x128xf32, #tpu.memory_space<vmem>>, vector<1x16xf32>,
        %swap3A_289 = vector.shape_cast %swap3A_288 : vector<1x16xf32> to vector<16xf32>
        %swap3A_290 = vector.shape_cast %sub3A_285 : vector<16xf32> to vector<1x16xf32>
        tpu.vector_store %arg8[%swap3A_286, %swap3A_287], %swap3A_290 {strides = array<i32>} : memref<64x128xf32, #tpu.memory_space<vmem>>, vector<1x16xf32>,
        %scan3A_291 = arith.constant 0 : i32
        %scan3A_292 = arith.constant 7 : i32
        %scan3A_293 = arith.addi %scan3A_128, %scan3A_292 : i32
        %get3A_294 = arith.index_cast %scan3A_293 : i32 to index
        %get3A_295 = arith.constant 112 : index
        %get3A_296 = tpu.vector_load %arg8[%get3A_294, %get3A_295] {strides = array<i32>} : memref<64x128xf32, #tpu.memory_space<vmem>>, vector<1x16xf32>,
        %get3A_297 = vector.shape_cast %get3A_296 : vector<1x16xf32> to vector<16xf32>
        %mul3A_298 = arith.mulf %get3A_297, %get3A_116 : vector<16xf32>
        %add3A_299 = arith.addf %mul3A_298, %get3A_120 : vector<16xf32>
        %exp3A_300 = math.exp %add3A_299 : vector<16xf32>
        %add3A_301 = arith.constant 1.000000e+00 : f32
        %add3A_302 = vector.broadcast %add3A_301 : f32 to vector<16xf32>
        %add3A_303 = arith.addf %add3A_302, %exp3A_300 : vector<16xf32>
        %div3A_304 = arith.constant 2.000000e+00 : f32
        %div3A_305 = vector.broadcast %div3A_304 : f32 to vector<16xf32>
        %div3A_306 = arith.divf %div3A_305, %add3A_303 : vector<16xf32>
        %sub3A_307 = arith.constant 1.000000e+00 : f32
        %sub3A_308 = vector.broadcast %sub3A_307 : f32 to vector<16xf32>
        %sub3A_309 = arith.subf %sub3A_308, %div3A_306 : vector<16xf32>
        %swap3A_310 = arith.index_cast %scan3A_293 : i32 to index
        %swap3A_311 = arith.constant 112 : index
        %swap3A_312 = tpu.vector_load %arg8[%swap3A_310, %swap3A_311] {strides = array<i32>} : memref<64x128xf32, #tpu.memory_space<vmem>>, vector<1x16xf32>,
        %swap3A_313 = vector.shape_cast %swap3A_312 : vector<1x16xf32> to vector<16xf32>
        %swap3A_314 = vector.shape_cast %sub3A_309 : vector<16xf32> to vector<1x16xf32>
        tpu.vector_store %arg8[%swap3A_310, %swap3A_311], %swap3A_314 {strides = array<i32>} : memref<64x128xf32, #tpu.memory_space<vmem>>, vector<1x16xf32>,
        %scan3A_315 = arith.constant 0 : i32
        scf.yield %scan3A_315 : i32
      }
      %scan3A_127 = arith.constant 64 : i32
    }
    %scan3A_7 = arith.constant 50 : i32
    "tpu.region"() ({
      %run_scoped3A = tpu.sem_alloc : memref<!tpu.dma_semaphore, #tpu.memory_space<semaphore_mem>>
      %dma_start3A = arith.constant 0 : i32
      %dma_start3A_8 = tpu.memref_slice %arg5[%mul3A_2, %dma_start3A] : memref<2048x128xf32, #tpu.memory_space<hbm>> -> memref<64x128xf32, #tpu.memory_space<hbm>>
      %dma_start3A_9 = arith.constant 0 : i32
      %dma_start3A_10 = tpu.memref_slice %arg5[%mul3A_2, %dma_start3A_9] : memref<2048x128xf32, #tpu.memory_space<hbm>> -> memref<64x128xf32, #tpu.memory_space<hbm>>
      tpu.enqueue_dma source(%arg8 : memref<64x128xf32, #tpu.memory_space<vmem>>) target(%dma_start3A_10 : memref<64x128xf32, #tpu.memory_space<hbm>>) target_semaphore(%run_scoped3A : memref<!tpu.dma_semaphore, #tpu.memory_space<semaphore_mem>>)
      %dma_wait3A = arith.constant 0 : i32
      %dma_wait3A_11 = tpu.memref_slice %arg5[%mul3A_2, %dma_wait3A] : memref<2048x128xf32, #tpu.memory_space<hbm>> -> memref<64x128xf32, #tpu.memory_space<hbm>>
      %dma_wait3A_12 = arith.constant 0 : i32
      %dma_wait3A_13 = tpu.memref_slice %arg5[%mul3A_2, %dma_wait3A_12] : memref<2048x128xf32, #tpu.memory_space<hbm>> -> memref<64x128xf32, #tpu.memory_space<hbm>>
      tpu.wait_dma2 semaphore(%run_scoped3A : memref<!tpu.dma_semaphore, #tpu.memory_space<semaphore_mem>>) src(%arg8 : memref<64x128xf32, #tpu.memory_space<vmem>>) dst(%dma_wait3A_13 : memref<64x128xf32, #tpu.memory_space<hbm>>)
      tpu.yield
    }) : () -> ()
    return
  }
}

module attributes {stable_mosaic.version = 14 : i64} {
  func.func @_coef_kernel(%arg0: memref<50x16xf32, #tpu.memory_space<vmem>>, %arg1: memref<50x128xf32, #tpu.memory_space<vmem>>, %arg2: memref<16x128xf32, #tpu.memory_space<vmem>>, %arg3: memref<16x128xf32, #tpu.memory_space<vmem>>, %arg4: memref<50x128xf32, #tpu.memory_space<vmem>>, %arg5: memref<50x128xf32, #tpu.memory_space<vmem>>, %arg6: memref<50x128xf32, #tpu.memory_space<vmem>>, %arg7: memref<50x128xf32, #tpu.memory_space<vmem>>) attributes {dimension_semantics = [], scalar_prefetch = 0 : i64, scratch_operands = 0 : i64, tpu.core_type = #tpu.core_type<tc>} {
    %get3A = arith.constant 0 : index
    %get3A_0 = arith.constant 0 : index
    %get3A_1 = vector.load %arg0[%get3A, %get3A_0] : memref<50x16xf32, #tpu.memory_space<vmem>>, vector<50x16xf32>
    %reduce_max3A = arith.constant dense<0xFF800000> : vector<50xf32>
    %reduce_max3A_2 = vector.multi_reduction <maximumf>, %get3A_1, %reduce_max3A [1] : vector<50x16xf32> to vector<50xf32>
    %max3A = arith.constant 0xFF800000 : f32
    %max3A_3 = vector.broadcast %max3A : f32 to vector<50xf32>
    %max3A_4 = arith.maximumf %max3A_3, %reduce_max3A_2 : vector<50xf32>
    %broadcast_in_dim3A = vector.shape_cast %max3A_4 : vector<50xf32> to vector<50x1xf32>
    %sub3A = vector.broadcast %broadcast_in_dim3A : vector<50x1xf32> to vector<50x16xf32>
    %sub3A_5 = arith.subf %get3A_1, %sub3A : vector<50x16xf32>
    %exp3A = math.exp %sub3A_5 : vector<50x16xf32>
    %reduce_sum3A = arith.constant dense<0.000000e+00> : vector<50xf32>
    %reduce_sum3A_6 = vector.multi_reduction <add>, %exp3A, %reduce_sum3A [1] : vector<50x16xf32> to vector<50xf32>
    %broadcast_in_dim3A_7 = vector.shape_cast %reduce_sum3A_6 : vector<50xf32> to vector<50x1xf32>
    %div3A = vector.broadcast %broadcast_in_dim3A_7 : vector<50x1xf32> to vector<50x16xf32>
    %div3A_8 = arith.divf %exp3A, %div3A : vector<50x16xf32>
    %get3A_9 = arith.constant 0 : index
    %get3A_10 = arith.constant 0 : index
    %get3A_11 = vector.load %arg2[%get3A_9, %get3A_10] : memref<16x128xf32, #tpu.memory_space<vmem>>, vector<16x128xf32>
    %dot_general3A = arith.constant dense<0.000000e+00> : vector<50x128xf32>
    %dot_general3A_12 = tpu.matmul %div3A_8, %get3A_11, %dot_general3A {dimension_numbers = #tpu.dot_dimension_numbers<[1], [0], [0], [1], [0, 0, 1, 1], [], []>, transpose_lhs_hint = false} : vector<50x16xf32>, vector<16x128xf32>, vector<50x128xf32> -> vector<50x128xf32>
    %get3A_13 = arith.constant 0 : index
    %get3A_14 = arith.constant 0 : index
    %get3A_15 = vector.load %arg3[%get3A_13, %get3A_14] : memref<16x128xf32, #tpu.memory_space<vmem>>, vector<16x128xf32>
    %dot_general3A_16 = arith.constant dense<0.000000e+00> : vector<50x128xf32>
    %dot_general3A_17 = tpu.matmul %div3A_8, %get3A_15, %dot_general3A_16 {dimension_numbers = #tpu.dot_dimension_numbers<[1], [0], [0], [1], [0, 0, 1, 1], [], []>, transpose_lhs_hint = false} : vector<50x16xf32>, vector<16x128xf32>, vector<50x128xf32> -> vector<50x128xf32>
    %get3A_18 = arith.constant 0 : index
    %get3A_19 = arith.constant 0 : index
    %get3A_20 = vector.load %arg1[%get3A_18, %get3A_19] : memref<50x128xf32, #tpu.memory_space<vmem>>, vector<50x128xf32>
    %mul3A = arith.mulf %get3A_20, %dot_general3A_12 : vector<50x128xf32>
    %add3A = arith.addf %mul3A, %dot_general3A_17 : vector<50x128xf32>
    %swap3A = arith.constant 0 : index
    %swap3A_21 = arith.constant 0 : index
    %swap3A_22 = vector.load %arg4[%swap3A, %swap3A_21] : memref<50x128xf32, #tpu.memory_space<vmem>>, vector<50x128xf32>
    tpu.vector_store %arg4[%swap3A, %swap3A_21], %dot_general3A_12 {strides = array<i32>} : memref<50x128xf32, #tpu.memory_space<vmem>>, vector<50x128xf32>,
    %swap3A_23 = arith.constant 0 : index
    %swap3A_24 = arith.constant 0 : index
    %swap3A_25 = vector.load %arg5[%swap3A_23, %swap3A_24] : memref<50x128xf32, #tpu.memory_space<vmem>>, vector<50x128xf32>
    tpu.vector_store %arg5[%swap3A_23, %swap3A_24], %add3A {strides = array<i32>} : memref<50x128xf32, #tpu.memory_space<vmem>>, vector<50x128xf32>,
    %mul3A_26 = arith.constant 2.000000e+00 : f32
    %mul3A_27 = vector.broadcast %mul3A_26 : f32 to vector<50x128xf32>
    %mul3A_28 = arith.mulf %mul3A_27, %dot_general3A_12 : vector<50x128xf32>
    %swap3A_29 = arith.constant 0 : index
    %swap3A_30 = arith.constant 0 : index
    %swap3A_31 = vector.load %arg6[%swap3A_29, %swap3A_30] : memref<50x128xf32, #tpu.memory_space<vmem>>, vector<50x128xf32>
    tpu.vector_store %arg6[%swap3A_29, %swap3A_30], %mul3A_28 {strides = array<i32>} : memref<50x128xf32, #tpu.memory_space<vmem>>, vector<50x128xf32>,
    %mul3A_32 = arith.constant 2.000000e+00 : f32
    %mul3A_33 = vector.broadcast %mul3A_32 : f32 to vector<50x128xf32>
    %mul3A_34 = arith.mulf %mul3A_33, %add3A : vector<50x128xf32>
    %swap3A_35 = arith.constant 0 : index
    %swap3A_36 = arith.constant 0 : index
    %swap3A_37 = vector.load %arg7[%swap3A_35, %swap3A_36] : memref<50x128xf32, #tpu.memory_space<vmem>>, vector<50x128xf32>
    tpu.vector_store %arg7[%swap3A_35, %swap3A_36], %mul3A_34 {strides = array<i32>} : memref<50x128xf32, #tpu.memory_space<vmem>>, vector<50x128xf32>,
    return
  }
}

module attributes {stable_mosaic.version = 14 : i64} {
  func.func @_tc_kernel(%arg0: i32, %arg1: memref<50x128xf32, #tpu.memory_space<vmem>>, %arg2: memref<50x128xf32, #tpu.memory_space<vmem>>, %arg3: memref<2048x128xf32, #tpu.memory_space<vmem>>, %arg4: memref<2048x128xf32, #tpu.memory_space<vmem>>) attributes {dimension_semantics = [#tpu.dimension_semantics<arbitrary>], iteration_bounds = array<i64: 7>, scalar_prefetch = 0 : i64, scratch_operands = 0 : i64, tpu.core_type = #tpu.core_type<tc>, window_params = [{pipeline_mode = #tpu.pipeline_mode<synchronous>, transform_indices = @transform_0, window_bounds = array<i64: 50, 128>}, {pipeline_mode = #tpu.pipeline_mode<synchronous>, transform_indices = @transform_1, window_bounds = array<i64: 50, 128>}, {transform_indices = @transform_2, window_bounds = array<i64: 2048, 128>}, {transform_indices = @transform_3, window_bounds = array<i64: 2048, 128>}]} {
    %get3A = arith.constant 0 : index
    %get3A_0 = arith.constant 0 : index
    %get3A_1 = vector.load %arg3[%get3A, %get3A_0] : memref<2048x128xf32, #tpu.memory_space<vmem>>, vector<2048x128xf32>
    %get3A_2 = arith.constant 0 : index
    %get3A_3 = arith.constant 0 : index
    %get3A_4 = vector.load %arg1[%get3A_2, %get3A_3] : memref<50x128xf32, #tpu.memory_space<vmem>>, vector<1x128xf32>
    %get3A_5 = vector.shape_cast %get3A_4 : vector<1x128xf32> to vector<128xf32>
    %broadcast_in_dim3A = vector.shape_cast %get3A_5 : vector<128xf32> to vector<1x128xf32>
    %mul3A = vector.broadcast %broadcast_in_dim3A : vector<1x128xf32> to vector<2048x128xf32>
    %mul3A_6 = arith.mulf %get3A_1, %mul3A : vector<2048x128xf32>
    %get3A_7 = arith.constant 0 : index
    %get3A_8 = arith.constant 0 : index
    %get3A_9 = vector.load %arg2[%get3A_7, %get3A_8] : memref<50x128xf32, #tpu.memory_space<vmem>>, vector<1x128xf32>
    %get3A_10 = vector.shape_cast %get3A_9 : vector<1x128xf32> to vector<128xf32>
    %broadcast_in_dim3A_11 = vector.shape_cast %get3A_10 : vector<128xf32> to vector<1x128xf32>
    %add3A = vector.broadcast %broadcast_in_dim3A_11 : vector<1x128xf32> to vector<2048x128xf32>
    %add3A_12 = arith.addf %mul3A_6, %add3A : vector<2048x128xf32>
    %tanh3A = math.tanh %add3A_12 : vector<2048x128xf32>
    %get3A_13 = arith.constant 1 : index
    %get3A_14 = arith.constant 0 : index
    %get3A_15 = vector.load %arg1[%get3A_13, %get3A_14] : memref<50x128xf32, #tpu.memory_space<vmem>>, vector<1x128xf32>
    %get3A_16 = vector.shape_cast %get3A_15 : vector<1x128xf32> to vector<128xf32>
    %broadcast_in_dim3A_17 = vector.shape_cast %get3A_16 : vector<128xf32> to vector<1x128xf32>
    %mul3A_18 = vector.broadcast %broadcast_in_dim3A_17 : vector<1x128xf32> to vector<2048x128xf32>
    %mul3A_19 = arith.mulf %tanh3A, %mul3A_18 : vector<2048x128xf32>
    %get3A_20 = arith.constant 1 : index
    %get3A_21 = arith.constant 0 : index
    %get3A_22 = vector.load %arg2[%get3A_20, %get3A_21] : memref<50x128xf32, #tpu.memory_space<vmem>>, vector<1x128xf32>
    %get3A_23 = vector.shape_cast %get3A_22 : vector<1x128xf32> to vector<128xf32>
    %broadcast_in_dim3A_24 = vector.shape_cast %get3A_23 : vector<128xf32> to vector<1x128xf32>
    %add3A_25 = vector.broadcast %broadcast_in_dim3A_24 : vector<1x128xf32> to vector<2048x128xf32>
    %add3A_26 = arith.addf %mul3A_19, %add3A_25 : vector<2048x128xf32>
    %tanh3A_27 = math.tanh %add3A_26 : vector<2048x128xf32>
    %get3A_28 = arith.constant 2 : index
    %get3A_29 = arith.constant 0 : index
    %get3A_30 = vector.load %arg1[%get3A_28, %get3A_29] : memref<50x128xf32, #tpu.memory_space<vmem>>, vector<1x128xf32>
    %get3A_31 = vector.shape_cast %get3A_30 : vector<1x128xf32> to vector<128xf32>
    %broadcast_in_dim3A_32 = vector.shape_cast %get3A_31 : vector<128xf32> to vector<1x128xf32>
    %mul3A_33 = vector.broadcast %broadcast_in_dim3A_32 : vector<1x128xf32> to vector<2048x128xf32>
    %mul3A_34 = arith.mulf %tanh3A_27, %mul3A_33 : vector<2048x128xf32>
    %get3A_35 = arith.constant 2 : index
    %get3A_36 = arith.constant 0 : index
    %get3A_37 = vector.load %arg2[%get3A_35, %get3A_36] : memref<50x128xf32, #tpu.memory_space<vmem>>, vector<1x128xf32>
    %get3A_38 = vector.shape_cast %get3A_37 : vector<1x128xf32> to vector<128xf32>
    %broadcast_in_dim3A_39 = vector.shape_cast %get3A_38 : vector<128xf32> to vector<1x128xf32>
    %add3A_40 = vector.broadcast %broadcast_in_dim3A_39 : vector<1x128xf32> to vector<2048x128xf32>
    %add3A_41 = arith.addf %mul3A_34, %add3A_40 : vector<2048x128xf32>
    %tanh3A_42 = math.tanh %add3A_41 : vector<2048x128xf32>
    %get3A_43 = arith.constant 3 : index
    %get3A_44 = arith.constant 0 : index
    %get3A_45 = vector.load %arg1[%get3A_43, %get3A_44] : memref<50x128xf32, #tpu.memory_space<vmem>>, vector<1x128xf32>
    %get3A_46 = vector.shape_cast %get3A_45 : vector<1x128xf32> to vector<128xf32>
    %broadcast_in_dim3A_47 = vector.shape_cast %get3A_46 : vector<128xf32> to vector<1x128xf32>
    %mul3A_48 = vector.broadcast %broadcast_in_dim3A_47 : vector<1x128xf32> to vector<2048x128xf32>
    %mul3A_49 = arith.mulf %tanh3A_42, %mul3A_48 : vector<2048x128xf32>
    %get3A_50 = arith.constant 3 : index
    %get3A_51 = arith.constant 0 : index
    %get3A_52 = vector.load %arg2[%get3A_50, %get3A_51] : memref<50x128xf32, #tpu.memory_space<vmem>>, vector<1x128xf32>
    %get3A_53 = vector.shape_cast %get3A_52 : vector<1x128xf32> to vector<128xf32>
    %broadcast_in_dim3A_54 = vector.shape_cast %get3A_53 : vector<128xf32> to vector<1x128xf32>
    %add3A_55 = vector.broadcast %broadcast_in_dim3A_54 : vector<1x128xf32> to vector<2048x128xf32>
    %add3A_56 = arith.addf %mul3A_49, %add3A_55 : vector<2048x128xf32>
    %tanh3A_57 = math.tanh %add3A_56 : vector<2048x128xf32>
    %get3A_58 = arith.constant 4 : index
    %get3A_59 = arith.constant 0 : index
    %get3A_60 = vector.load %arg1[%get3A_58, %get3A_59] : memref<50x128xf32, #tpu.memory_space<vmem>>, vector<1x128xf32>
    %get3A_61 = vector.shape_cast %get3A_60 : vector<1x128xf32> to vector<128xf32>
    %broadcast_in_dim3A_62 = vector.shape_cast %get3A_61 : vector<128xf32> to vector<1x128xf32>
    %mul3A_63 = vector.broadcast %broadcast_in_dim3A_62 : vector<1x128xf32> to vector<2048x128xf32>
    %mul3A_64 = arith.mulf %tanh3A_57, %mul3A_63 : vector<2048x128xf32>
    %get3A_65 = arith.constant 4 : index
    %get3A_66 = arith.constant 0 : index
    %get3A_67 = vector.load %arg2[%get3A_65, %get3A_66] : memref<50x128xf32, #tpu.memory_space<vmem>>, vector<1x128xf32>
    %get3A_68 = vector.shape_cast %get3A_67 : vector<1x128xf32> to vector<128xf32>
    %broadcast_in_dim3A_69 = vector.shape_cast %get3A_68 : vector<128xf32> to vector<1x128xf32>
    %add3A_70 = vector.broadcast %broadcast_in_dim3A_69 : vector<1x128xf32> to vector<2048x128xf32>
    %add3A_71 = arith.addf %mul3A_64, %add3A_70 : vector<2048x128xf32>
    %tanh3A_72 = math.tanh %add3A_71 : vector<2048x128xf32>
    %get3A_73 = arith.constant 5 : index
    %get3A_74 = arith.constant 0 : index
    %get3A_75 = vector.load %arg1[%get3A_73, %get3A_74] : memref<50x128xf32, #tpu.memory_space<vmem>>, vector<1x128xf32>
    %get3A_76 = vector.shape_cast %get3A_75 : vector<1x128xf32> to vector<128xf32>
    %broadcast_in_dim3A_77 = vector.shape_cast %get3A_76 : vector<128xf32> to vector<1x128xf32>
    %mul3A_78 = vector.broadcast %broadcast_in_dim3A_77 : vector<1x128xf32> to vector<2048x128xf32>
    %mul3A_79 = arith.mulf %tanh3A_72, %mul3A_78 : vector<2048x128xf32>
    %get3A_80 = arith.constant 5 : index
    %get3A_81 = arith.constant 0 : index
    %get3A_82 = vector.load %arg2[%get3A_80, %get3A_81] : memref<50x128xf32, #tpu.memory_space<vmem>>, vector<1x128xf32>
    %get3A_83 = vector.shape_cast %get3A_82 : vector<1x128xf32> to vector<128xf32>
    %broadcast_in_dim3A_84 = vector.shape_cast %get3A_83 : vector<128xf32> to vector<1x128xf32>
    %add3A_85 = vector.broadcast %broadcast_in_dim3A_84 : vector<1x128xf32> to vector<2048x128xf32>
    %add3A_86 = arith.addf %mul3A_79, %add3A_85 : vector<2048x128xf32>
    %tanh3A_87 = math.tanh %add3A_86 : vector<2048x128xf32>
    %get3A_88 = arith.constant 6 : index
    %get3A_89 = arith.constant 0 : index
    %get3A_90 = vector.load %arg1[%get3A_88, %get3A_89] : memref<50x128xf32, #tpu.memory_space<vmem>>, vector<1x128xf32>
    %get3A_91 = vector.shape_cast %get3A_90 : vector<1x128xf32> to vector<128xf32>
    %broadcast_in_dim3A_92 = vector.shape_cast %get3A_91 : vector<128xf32> to vector<1x128xf32>
    %mul3A_93 = vector.broadcast %broadcast_in_dim3A_92 : vector<1x128xf32> to vector<2048x128xf32>
    %mul3A_94 = arith.mulf %tanh3A_87, %mul3A_93 : vector<2048x128xf32>
    %get3A_95 = arith.constant 6 : index
    %get3A_96 = arith.constant 0 : index
    %get3A_97 = vector.load %arg2[%get3A_95, %get3A_96] : memref<50x128xf32, #tpu.memory_space<vmem>>, vector<1x128xf32>
    %get3A_98 = vector.shape_cast %get3A_97 : vector<1x128xf32> to vector<128xf32>
    %broadcast_in_dim3A_99 = vector.shape_cast %get3A_98 : vector<128xf32> to vector<1x128xf32>
    %add3A_100 = vector.broadcast %broadcast_in_dim3A_99 : vector<1x128xf32> to vector<2048x128xf32>
    %add3A_101 = arith.addf %mul3A_94, %add3A_100 : vector<2048x128xf32>
    %tanh3A_102 = math.tanh %add3A_101 : vector<2048x128xf32>
    %get3A_103 = arith.constant 7 : index
    %get3A_104 = arith.constant 0 : index
    %get3A_105 = vector.load %arg1[%get3A_103, %get3A_104] : memref<50x128xf32, #tpu.memory_space<vmem>>, vector<1x128xf32>
    %get3A_106 = vector.shape_cast %get3A_105 : vector<1x128xf32> to vector<128xf32>
    %broadcast_in_dim3A_107 = vector.shape_cast %get3A_106 : vector<128xf32> to vector<1x128xf32>
    %mul3A_108 = vector.broadcast %broadcast_in_dim3A_107 : vector<1x128xf32> to vector<2048x128xf32>
    %mul3A_109 = arith.mulf %tanh3A_102, %mul3A_108 : vector<2048x128xf32>
    %get3A_110 = arith.constant 7 : index
    %get3A_111 = arith.constant 0 : index
    %get3A_112 = vector.load %arg2[%get3A_110, %get3A_111] : memref<50x128xf32, #tpu.memory_space<vmem>>, vector<1x128xf32>
    %get3A_113 = vector.shape_cast %get3A_112 : vector<1x128xf32> to vector<128xf32>
    %broadcast_in_dim3A_114 = vector.shape_cast %get3A_113 : vector<128xf32> to vector<1x128xf32>
    %add3A_115 = vector.broadcast %broadcast_in_dim3A_114 : vector<1x128xf32> to vector<2048x128xf32>
    %add3A_116 = arith.addf %mul3A_109, %add3A_115 : vector<2048x128xf32>
    %tanh3A_117 = math.tanh %add3A_116 : vector<2048x128xf32>
    %get3A_118 = arith.constant 8 : index
    %get3A_119 = arith.constant 0 : index
    %get3A_120 = vector.load %arg1[%get3A_118, %get3A_119] : memref<50x128xf32, #tpu.memory_space<vmem>>, vector<1x128xf32>
    %get3A_121 = vector.shape_cast %get3A_120 : vector<1x128xf32> to vector<128xf32>
    %broadcast_in_dim3A_122 = vector.shape_cast %get3A_121 : vector<128xf32> to vector<1x128xf32>
    %mul3A_123 = vector.broadcast %broadcast_in_dim3A_122 : vector<1x128xf32> to vector<2048x128xf32>
    %mul3A_124 = arith.mulf %tanh3A_117, %mul3A_123 : vector<2048x128xf32>
    %get3A_125 = arith.constant 8 : index
    %get3A_126 = arith.constant 0 : index
    %get3A_127 = vector.load %arg2[%get3A_125, %get3A_126] : memref<50x128xf32, #tpu.memory_space<vmem>>, vector<1x128xf32>
    %get3A_128 = vector.shape_cast %get3A_127 : vector<1x128xf32> to vector<128xf32>
    %broadcast_in_dim3A_129 = vector.shape_cast %get3A_128 : vector<128xf32> to vector<1x128xf32>
    %add3A_130 = vector.broadcast %broadcast_in_dim3A_129 : vector<1x128xf32> to vector<2048x128xf32>
    %add3A_131 = arith.addf %mul3A_124, %add3A_130 : vector<2048x128xf32>
    %tanh3A_132 = math.tanh %add3A_131 : vector<2048x128xf32>
    %get3A_133 = arith.constant 9 : index
    %get3A_134 = arith.constant 0 : index
    %get3A_135 = vector.load %arg1[%get3A_133, %get3A_134] : memref<50x128xf32, #tpu.memory_space<vmem>>, vector<1x128xf32>
    %get3A_136 = vector.shape_cast %get3A_135 : vector<1x128xf32> to vector<128xf32>
    %broadcast_in_dim3A_137 = vector.shape_cast %get3A_136 : vector<128xf32> to vector<1x128xf32>
    %mul3A_138 = vector.broadcast %broadcast_in_dim3A_137 : vector<1x128xf32> to vector<2048x128xf32>
    %mul3A_139 = arith.mulf %tanh3A_132, %mul3A_138 : vector<2048x128xf32>
    %get3A_140 = arith.constant 9 : index
    %get3A_141 = arith.constant 0 : index
    %get3A_142 = vector.load %arg2[%get3A_140, %get3A_141] : memref<50x128xf32, #tpu.memory_space<vmem>>, vector<1x128xf32>
    %get3A_143 = vector.shape_cast %get3A_142 : vector<1x128xf32> to vector<128xf32>
    %broadcast_in_dim3A_144 = vector.shape_cast %get3A_143 : vector<128xf32> to vector<1x128xf32>
    %add3A_145 = vector.broadcast %broadcast_in_dim3A_144 : vector<1x128xf32> to vector<2048x128xf32>
    %add3A_146 = arith.addf %mul3A_139, %add3A_145 : vector<2048x128xf32>
    %tanh3A_147 = math.tanh %add3A_146 : vector<2048x128xf32>
    %get3A_148 = arith.constant 10 : index
    %get3A_149 = arith.constant 0 : index
    %get3A_150 = vector.load %arg1[%get3A_148, %get3A_149] : memref<50x128xf32, #tpu.memory_space<vmem>>, vector<1x128xf32>
    %get3A_151 = vector.shape_cast %get3A_150 : vector<1x128xf32> to vector<128xf32>
    %broadcast_in_dim3A_152 = vector.shape_cast %get3A_151 : vector<128xf32> to vector<1x128xf32>
    %mul3A_153 = vector.broadcast %broadcast_in_dim3A_152 : vector<1x128xf32> to vector<2048x128xf32>
    %mul3A_154 = arith.mulf %tanh3A_147, %mul3A_153 : vector<2048x128xf32>
    %get3A_155 = arith.constant 10 : index
    %get3A_156 = arith.constant 0 : index
    %get3A_157 = vector.load %arg2[%get3A_155, %get3A_156] : memref<50x128xf32, #tpu.memory_space<vmem>>, vector<1x128xf32>
    %get3A_158 = vector.shape_cast %get3A_157 : vector<1x128xf32> to vector<128xf32>
    %broadcast_in_dim3A_159 = vector.shape_cast %get3A_158 : vector<128xf32> to vector<1x128xf32>
    %add3A_160 = vector.broadcast %broadcast_in_dim3A_159 : vector<1x128xf32> to vector<2048x128xf32>
    %add3A_161 = arith.addf %mul3A_154, %add3A_160 : vector<2048x128xf32>
    %tanh3A_162 = math.tanh %add3A_161 : vector<2048x128xf32>
    %get3A_163 = arith.constant 11 : index
    %get3A_164 = arith.constant 0 : index
    %get3A_165 = vector.load %arg1[%get3A_163, %get3A_164] : memref<50x128xf32, #tpu.memory_space<vmem>>, vector<1x128xf32>
    %get3A_166 = vector.shape_cast %get3A_165 : vector<1x128xf32> to vector<128xf32>
    %broadcast_in_dim3A_167 = vector.shape_cast %get3A_166 : vector<128xf32> to vector<1x128xf32>
    %mul3A_168 = vector.broadcast %broadcast_in_dim3A_167 : vector<1x128xf32> to vector<2048x128xf32>
    %mul3A_169 = arith.mulf %tanh3A_162, %mul3A_168 : vector<2048x128xf32>
    %get3A_170 = arith.constant 11 : index
    %get3A_171 = arith.constant 0 : index
    %get3A_172 = vector.load %arg2[%get3A_170, %get3A_171] : memref<50x128xf32, #tpu.memory_space<vmem>>, vector<1x128xf32>
    %get3A_173 = vector.shape_cast %get3A_172 : vector<1x128xf32> to vector<128xf32>
    %broadcast_in_dim3A_174 = vector.shape_cast %get3A_173 : vector<128xf32> to vector<1x128xf32>
    %add3A_175 = vector.broadcast %broadcast_in_dim3A_174 : vector<1x128xf32> to vector<2048x128xf32>
    %add3A_176 = arith.addf %mul3A_169, %add3A_175 : vector<2048x128xf32>
    %tanh3A_177 = math.tanh %add3A_176 : vector<2048x128xf32>
    %get3A_178 = arith.constant 12 : index
    %get3A_179 = arith.constant 0 : index
    %get3A_180 = vector.load %arg1[%get3A_178, %get3A_179] : memref<50x128xf32, #tpu.memory_space<vmem>>, vector<1x128xf32>
    %get3A_181 = vector.shape_cast %get3A_180 : vector<1x128xf32> to vector<128xf32>
    %broadcast_in_dim3A_182 = vector.shape_cast %get3A_181 : vector<128xf32> to vector<1x128xf32>
    %mul3A_183 = vector.broadcast %broadcast_in_dim3A_182 : vector<1x128xf32> to vector<2048x128xf32>
    %mul3A_184 = arith.mulf %tanh3A_177, %mul3A_183 : vector<2048x128xf32>
    %get3A_185 = arith.constant 12 : index
    %get3A_186 = arith.constant 0 : index
    %get3A_187 = vector.load %arg2[%get3A_185, %get3A_186] : memref<50x128xf32, #tpu.memory_space<vmem>>, vector<1x128xf32>
    %get3A_188 = vector.shape_cast %get3A_187 : vector<1x128xf32> to vector<128xf32>
    %broadcast_in_dim3A_189 = vector.shape_cast %get3A_188 : vector<128xf32> to vector<1x128xf32>
    %add3A_190 = vector.broadcast %broadcast_in_dim3A_189 : vector<1x128xf32> to vector<2048x128xf32>
    %add3A_191 = arith.addf %mul3A_184, %add3A_190 : vector<2048x128xf32>
    %tanh3A_192 = math.tanh %add3A_191 : vector<2048x128xf32>
    %get3A_193 = arith.constant 13 : index
    %get3A_194 = arith.constant 0 : index
    %get3A_195 = vector.load %arg1[%get3A_193, %get3A_194] : memref<50x128xf32, #tpu.memory_space<vmem>>, vector<1x128xf32>
    %get3A_196 = vector.shape_cast %get3A_195 : vector<1x128xf32> to vector<128xf32>
    %broadcast_in_dim3A_197 = vector.shape_cast %get3A_196 : vector<128xf32> to vector<1x128xf32>
    %mul3A_198 = vector.broadcast %broadcast_in_dim3A_197 : vector<1x128xf32> to vector<2048x128xf32>
    %mul3A_199 = arith.mulf %tanh3A_192, %mul3A_198 : vector<2048x128xf32>
    %get3A_200 = arith.constant 13 : index
    %get3A_201 = arith.constant 0 : index
    %get3A_202 = vector.load %arg2[%get3A_200, %get3A_201] : memref<50x128xf32, #tpu.memory_space<vmem>>, vector<1x128xf32>
    %get3A_203 = vector.shape_cast %get3A_202 : vector<1x128xf32> to vector<128xf32>
    %broadcast_in_dim3A_204 = vector.shape_cast %get3A_203 : vector<128xf32> to vector<1x128xf32>
    %add3A_205 = vector.broadcast %broadcast_in_dim3A_204 : vector<1x128xf32> to vector<2048x128xf32>
    %add3A_206 = arith.addf %mul3A_199, %add3A_205 : vector<2048x128xf32>
    %tanh3A_207 = math.tanh %add3A_206 : vector<2048x128xf32>
    %get3A_208 = arith.constant 14 : index
    %get3A_209 = arith.constant 0 : index
    %get3A_210 = vector.load %arg1[%get3A_208, %get3A_209] : memref<50x128xf32, #tpu.memory_space<vmem>>, vector<1x128xf32>
    %get3A_211 = vector.shape_cast %get3A_210 : vector<1x128xf32> to vector<128xf32>
    %broadcast_in_dim3A_212 = vector.shape_cast %get3A_211 : vector<128xf32> to vector<1x128xf32>
    %mul3A_213 = vector.broadcast %broadcast_in_dim3A_212 : vector<1x128xf32> to vector<2048x128xf32>
    %mul3A_214 = arith.mulf %tanh3A_207, %mul3A_213 : vector<2048x128xf32>
    %get3A_215 = arith.constant 14 : index
    %get3A_216 = arith.constant 0 : index
    %get3A_217 = vector.load %arg2[%get3A_215, %get3A_216] : memref<50x128xf32, #tpu.memory_space<vmem>>, vector<1x128xf32>
    %get3A_218 = vector.shape_cast %get3A_217 : vector<1x128xf32> to vector<128xf32>
    %broadcast_in_dim3A_219 = vector.shape_cast %get3A_218 : vector<128xf32> to vector<1x128xf32>
    %add3A_220 = vector.broadcast %broadcast_in_dim3A_219 : vector<1x128xf32> to vector<2048x128xf32>
    %add3A_221 = arith.addf %mul3A_214, %add3A_220 : vector<2048x128xf32>
    %tanh3A_222 = math.tanh %add3A_221 : vector<2048x128xf32>
    %get3A_223 = arith.constant 15 : index
    %get3A_224 = arith.constant 0 : index
    %get3A_225 = vector.load %arg1[%get3A_223, %get3A_224] : memref<50x128xf32, #tpu.memory_space<vmem>>, vector<1x128xf32>
    %get3A_226 = vector.shape_cast %get3A_225 : vector<1x128xf32> to vector<128xf32>
    %broadcast_in_dim3A_227 = vector.shape_cast %get3A_226 : vector<128xf32> to vector<1x128xf32>
    %mul3A_228 = vector.broadcast %broadcast_in_dim3A_227 : vector<1x128xf32> to vector<2048x128xf32>
    %mul3A_229 = arith.mulf %tanh3A_222, %mul3A_228 : vector<2048x128xf32>
    %get3A_230 = arith.constant 15 : index
    %get3A_231 = arith.constant 0 : index
    %get3A_232 = vector.load %arg2[%get3A_230, %get3A_231] : memref<50x128xf32, #tpu.memory_space<vmem>>, vector<1x128xf32>
    %get3A_233 = vector.shape_cast %get3A_232 : vector<1x128xf32> to vector<128xf32>
    %broadcast_in_dim3A_234 = vector.shape_cast %get3A_233 : vector<128xf32> to vector<1x128xf32>
    %add3A_235 = vector.broadcast %broadcast_in_dim3A_234 : vector<1x128xf32> to vector<2048x128xf32>
    %add3A_236 = arith.addf %mul3A_229, %add3A_235 : vector<2048x128xf32>
    %tanh3A_237 = math.tanh %add3A_236 : vector<2048x128xf32>
    %get3A_238 = arith.constant 16 : index
    %get3A_239 = arith.constant 0 : index
    %get3A_240 = vector.load %arg1[%get3A_238, %get3A_239] : memref<50x128xf32, #tpu.memory_space<vmem>>, vector<1x128xf32>
    %get3A_241 = vector.shape_cast %get3A_240 : vector<1x128xf32> to vector<128xf32>
    %broadcast_in_dim3A_242 = vector.shape_cast %get3A_241 : vector<128xf32> to vector<1x128xf32>
    %mul3A_243 = vector.broadcast %broadcast_in_dim3A_242 : vector<1x128xf32> to vector<2048x128xf32>
    %mul3A_244 = arith.mulf %tanh3A_237, %mul3A_243 : vector<2048x128xf32>
    %get3A_245 = arith.constant 16 : index
    %get3A_246 = arith.constant 0 : index
    %get3A_247 = vector.load %arg2[%get3A_245, %get3A_246] : memref<50x128xf32, #tpu.memory_space<vmem>>, vector<1x128xf32>
    %get3A_248 = vector.shape_cast %get3A_247 : vector<1x128xf32> to vector<128xf32>
    %broadcast_in_dim3A_249 = vector.shape_cast %get3A_248 : vector<128xf32> to vector<1x128xf32>
    %add3A_250 = vector.broadcast %broadcast_in_dim3A_249 : vector<1x128xf32> to vector<2048x128xf32>
    %add3A_251 = arith.addf %mul3A_244, %add3A_250 : vector<2048x128xf32>
    %tanh3A_252 = math.tanh %add3A_251 : vector<2048x128xf32>
    %get3A_253 = arith.constant 17 : index
    %get3A_254 = arith.constant 0 : index
    %get3A_255 = vector.load %arg1[%get3A_253, %get3A_254] : memref<50x128xf32, #tpu.memory_space<vmem>>, vector<1x128xf32>
    %get3A_256 = vector.shape_cast %get3A_255 : vector<1x128xf32> to vector<128xf32>
    %broadcast_in_dim3A_257 = vector.shape_cast %get3A_256 : vector<128xf32> to vector<1x128xf32>
    %mul3A_258 = vector.broadcast %broadcast_in_dim3A_257 : vector<1x128xf32> to vector<2048x128xf32>
    %mul3A_259 = arith.mulf %tanh3A_252, %mul3A_258 : vector<2048x128xf32>
    %get3A_260 = arith.constant 17 : index
    %get3A_261 = arith.constant 0 : index
    %get3A_262 = vector.load %arg2[%get3A_260, %get3A_261] : memref<50x128xf32, #tpu.memory_space<vmem>>, vector<1x128xf32>
    %get3A_263 = vector.shape_cast %get3A_262 : vector<1x128xf32> to vector<128xf32>
    %broadcast_in_dim3A_264 = vector.shape_cast %get3A_263 : vector<128xf32> to vector<1x128xf32>
    %add3A_265 = vector.broadcast %broadcast_in_dim3A_264 : vector<1x128xf32> to vector<2048x128xf32>
    %add3A_266 = arith.addf %mul3A_259, %add3A_265 : vector<2048x128xf32>
    %tanh3A_267 = math.tanh %add3A_266 : vector<2048x128xf32>
    %get3A_268 = arith.constant 18 : index
    %get3A_269 = arith.constant 0 : index
    %get3A_270 = vector.load %arg1[%get3A_268, %get3A_269] : memref<50x128xf32, #tpu.memory_space<vmem>>, vector<1x128xf32>
    %get3A_271 = vector.shape_cast %get3A_270 : vector<1x128xf32> to vector<128xf32>
    %broadcast_in_dim3A_272 = vector.shape_cast %get3A_271 : vector<128xf32> to vector<1x128xf32>
    %mul3A_273 = vector.broadcast %broadcast_in_dim3A_272 : vector<1x128xf32> to vector<2048x128xf32>
    %mul3A_274 = arith.mulf %tanh3A_267, %mul3A_273 : vector<2048x128xf32>
    %get3A_275 = arith.constant 18 : index
    %get3A_276 = arith.constant 0 : index
    %get3A_277 = vector.load %arg2[%get3A_275, %get3A_276] : memref<50x128xf32, #tpu.memory_space<vmem>>, vector<1x128xf32>
    %get3A_278 = vector.shape_cast %get3A_277 : vector<1x128xf32> to vector<128xf32>
    %broadcast_in_dim3A_279 = vector.shape_cast %get3A_278 : vector<128xf32> to vector<1x128xf32>
    %add3A_280 = vector.broadcast %broadcast_in_dim3A_279 : vector<1x128xf32> to vector<2048x128xf32>
    %add3A_281 = arith.addf %mul3A_274, %add3A_280 : vector<2048x128xf32>
    %tanh3A_282 = math.tanh %add3A_281 : vector<2048x128xf32>
    %get3A_283 = arith.constant 19 : index
    %get3A_284 = arith.constant 0 : index
    %get3A_285 = vector.load %arg1[%get3A_283, %get3A_284] : memref<50x128xf32, #tpu.memory_space<vmem>>, vector<1x128xf32>
    %get3A_286 = vector.shape_cast %get3A_285 : vector<1x128xf32> to vector<128xf32>
    %broadcast_in_dim3A_287 = vector.shape_cast %get3A_286 : vector<128xf32> to vector<1x128xf32>
    %mul3A_288 = vector.broadcast %broadcast_in_dim3A_287 : vector<1x128xf32> to vector<2048x128xf32>
    %mul3A_289 = arith.mulf %tanh3A_282, %mul3A_288 : vector<2048x128xf32>
    %get3A_290 = arith.constant 19 : index
    %get3A_291 = arith.constant 0 : index
    %get3A_292 = vector.load %arg2[%get3A_290, %get3A_291] : memref<50x128xf32, #tpu.memory_space<vmem>>, vector<1x128xf32>
    %get3A_293 = vector.shape_cast %get3A_292 : vector<1x128xf32> to vector<128xf32>
    %broadcast_in_dim3A_294 = vector.shape_cast %get3A_293 : vector<128xf32> to vector<1x128xf32>
    %add3A_295 = vector.broadcast %broadcast_in_dim3A_294 : vector<1x128xf32> to vector<2048x128xf32>
    %add3A_296 = arith.addf %mul3A_289, %add3A_295 : vector<2048x128xf32>
    %tanh3A_297 = math.tanh %add3A_296 : vector<2048x128xf32>
    %get3A_298 = arith.constant 20 : index
    %get3A_299 = arith.constant 0 : index
    %get3A_300 = vector.load %arg1[%get3A_298, %get3A_299] : memref<50x128xf32, #tpu.memory_space<vmem>>, vector<1x128xf32>
    %get3A_301 = vector.shape_cast %get3A_300 : vector<1x128xf32> to vector<128xf32>
    %broadcast_in_dim3A_302 = vector.shape_cast %get3A_301 : vector<128xf32> to vector<1x128xf32>
    %mul3A_303 = vector.broadcast %broadcast_in_dim3A_302 : vector<1x128xf32> to vector<2048x128xf32>
    %mul3A_304 = arith.mulf %tanh3A_297, %mul3A_303 : vector<2048x128xf32>
    %get3A_305 = arith.constant 20 : index
    %get3A_306 = arith.constant 0 : index
    %get3A_307 = vector.load %arg2[%get3A_305, %get3A_306] : memref<50x128xf32, #tpu.memory_space<vmem>>, vector<1x128xf32>
    %get3A_308 = vector.shape_cast %get3A_307 : vector<1x128xf32> to vector<128xf32>
    %broadcast_in_dim3A_309 = vector.shape_cast %get3A_308 : vector<128xf32> to vector<1x128xf32>
    %add3A_310 = vector.broadcast %broadcast_in_dim3A_309 : vector<1x128xf32> to vector<2048x128xf32>
    %add3A_311 = arith.addf %mul3A_304, %add3A_310 : vector<2048x128xf32>
    %tanh3A_312 = math.tanh %add3A_311 : vector<2048x128xf32>
    %get3A_313 = arith.constant 21 : index
    %get3A_314 = arith.constant 0 : index
    %get3A_315 = vector.load %arg1[%get3A_313, %get3A_314] : memref<50x128xf32, #tpu.memory_space<vmem>>, vector<1x128xf32>
    %get3A_316 = vector.shape_cast %get3A_315 : vector<1x128xf32> to vector<128xf32>
    %broadcast_in_dim3A_317 = vector.shape_cast %get3A_316 : vector<128xf32> to vector<1x128xf32>
    %mul3A_318 = vector.broadcast %broadcast_in_dim3A_317 : vector<1x128xf32> to vector<2048x128xf32>
    %mul3A_319 = arith.mulf %tanh3A_312, %mul3A_318 : vector<2048x128xf32>
    %get3A_320 = arith.constant 21 : index
    %get3A_321 = arith.constant 0 : index
    %get3A_322 = vector.load %arg2[%get3A_320, %get3A_321] : memref<50x128xf32, #tpu.memory_space<vmem>>, vector<1x128xf32>
    %get3A_323 = vector.shape_cast %get3A_322 : vector<1x128xf32> to vector<128xf32>
    %broadcast_in_dim3A_324 = vector.shape_cast %get3A_323 : vector<128xf32> to vector<1x128xf32>
    %add3A_325 = vector.broadcast %broadcast_in_dim3A_324 : vector<1x128xf32> to vector<2048x128xf32>
    %add3A_326 = arith.addf %mul3A_319, %add3A_325 : vector<2048x128xf32>
    %tanh3A_327 = math.tanh %add3A_326 : vector<2048x128xf32>
    %get3A_328 = arith.constant 22 : index
    %get3A_329 = arith.constant 0 : index
    %get3A_330 = vector.load %arg1[%get3A_328, %get3A_329] : memref<50x128xf32, #tpu.memory_space<vmem>>, vector<1x128xf32>
    %get3A_331 = vector.shape_cast %get3A_330 : vector<1x128xf32> to vector<128xf32>
    %broadcast_in_dim3A_332 = vector.shape_cast %get3A_331 : vector<128xf32> to vector<1x128xf32>
    %mul3A_333 = vector.broadcast %broadcast_in_dim3A_332 : vector<1x128xf32> to vector<2048x128xf32>
    %mul3A_334 = arith.mulf %tanh3A_327, %mul3A_333 : vector<2048x128xf32>
    %get3A_335 = arith.constant 22 : index
    %get3A_336 = arith.constant 0 : index
    %get3A_337 = vector.load %arg2[%get3A_335, %get3A_336] : memref<50x128xf32, #tpu.memory_space<vmem>>, vector<1x128xf32>
    %get3A_338 = vector.shape_cast %get3A_337 : vector<1x128xf32> to vector<128xf32>
    %broadcast_in_dim3A_339 = vector.shape_cast %get3A_338 : vector<128xf32> to vector<1x128xf32>
    %add3A_340 = vector.broadcast %broadcast_in_dim3A_339 : vector<1x128xf32> to vector<2048x128xf32>
    %add3A_341 = arith.addf %mul3A_334, %add3A_340 : vector<2048x128xf32>
    %tanh3A_342 = math.tanh %add3A_341 : vector<2048x128xf32>
    %get3A_343 = arith.constant 23 : index
    %get3A_344 = arith.constant 0 : index
    %get3A_345 = vector.load %arg1[%get3A_343, %get3A_344] : memref<50x128xf32, #tpu.memory_space<vmem>>, vector<1x128xf32>
    %get3A_346 = vector.shape_cast %get3A_345 : vector<1x128xf32> to vector<128xf32>
    %broadcast_in_dim3A_347 = vector.shape_cast %get3A_346 : vector<128xf32> to vector<1x128xf32>
    %mul3A_348 = vector.broadcast %broadcast_in_dim3A_347 : vector<1x128xf32> to vector<2048x128xf32>
    %mul3A_349 = arith.mulf %tanh3A_342, %mul3A_348 : vector<2048x128xf32>
    %get3A_350 = arith.constant 23 : index
    %get3A_351 = arith.constant 0 : index
    %get3A_352 = vector.load %arg2[%get3A_350, %get3A_351] : memref<50x128xf32, #tpu.memory_space<vmem>>, vector<1x128xf32>
    %get3A_353 = vector.shape_cast %get3A_352 : vector<1x128xf32> to vector<128xf32>
    %broadcast_in_dim3A_354 = vector.shape_cast %get3A_353 : vector<128xf32> to vector<1x128xf32>
    %add3A_355 = vector.broadcast %broadcast_in_dim3A_354 : vector<1x128xf32> to vector<2048x128xf32>
    %add3A_356 = arith.addf %mul3A_349, %add3A_355 : vector<2048x128xf32>
    %tanh3A_357 = math.tanh %add3A_356 : vector<2048x128xf32>
    %get3A_358 = arith.constant 24 : index
    %get3A_359 = arith.constant 0 : index
    %get3A_360 = vector.load %arg1[%get3A_358, %get3A_359] : memref<50x128xf32, #tpu.memory_space<vmem>>, vector<1x128xf32>
    %get3A_361 = vector.shape_cast %get3A_360 : vector<1x128xf32> to vector<128xf32>
    %broadcast_in_dim3A_362 = vector.shape_cast %get3A_361 : vector<128xf32> to vector<1x128xf32>
    %mul3A_363 = vector.broadcast %broadcast_in_dim3A_362 : vector<1x128xf32> to vector<2048x128xf32>
    %mul3A_364 = arith.mulf %tanh3A_357, %mul3A_363 : vector<2048x128xf32>
    %get3A_365 = arith.constant 24 : index
    %get3A_366 = arith.constant 0 : index
    %get3A_367 = vector.load %arg2[%get3A_365, %get3A_366] : memref<50x128xf32, #tpu.memory_space<vmem>>, vector<1x128xf32>
    %get3A_368 = vector.shape_cast %get3A_367 : vector<1x128xf32> to vector<128xf32>
    %broadcast_in_dim3A_369 = vector.shape_cast %get3A_368 : vector<128xf32> to vector<1x128xf32>
    %add3A_370 = vector.broadcast %broadcast_in_dim3A_369 : vector<1x128xf32> to vector<2048x128xf32>
    %add3A_371 = arith.addf %mul3A_364, %add3A_370 : vector<2048x128xf32>
    %tanh3A_372 = math.tanh %add3A_371 : vector<2048x128xf32>
    %get3A_373 = arith.constant 25 : index
    %get3A_374 = arith.constant 0 : index
    %get3A_375 = vector.load %arg1[%get3A_373, %get3A_374] : memref<50x128xf32, #tpu.memory_space<vmem>>, vector<1x128xf32>
    %get3A_376 = vector.shape_cast %get3A_375 : vector<1x128xf32> to vector<128xf32>
    %broadcast_in_dim3A_377 = vector.shape_cast %get3A_376 : vector<128xf32> to vector<1x128xf32>
    %mul3A_378 = vector.broadcast %broadcast_in_dim3A_377 : vector<1x128xf32> to vector<2048x128xf32>
    %mul3A_379 = arith.mulf %tanh3A_372, %mul3A_378 : vector<2048x128xf32>
    %get3A_380 = arith.constant 25 : index
    %get3A_381 = arith.constant 0 : index
    %get3A_382 = vector.load %arg2[%get3A_380, %get3A_381] : memref<50x128xf32, #tpu.memory_space<vmem>>, vector<1x128xf32>
    %get3A_383 = vector.shape_cast %get3A_382 : vector<1x128xf32> to vector<128xf32>
    %broadcast_in_dim3A_384 = vector.shape_cast %get3A_383 : vector<128xf32> to vector<1x128xf32>
    %add3A_385 = vector.broadcast %broadcast_in_dim3A_384 : vector<1x128xf32> to vector<2048x128xf32>
    %add3A_386 = arith.addf %mul3A_379, %add3A_385 : vector<2048x128xf32>
    %tanh3A_387 = math.tanh %add3A_386 : vector<2048x128xf32>
    %get3A_388 = arith.constant 26 : index
    %get3A_389 = arith.constant 0 : index
    %get3A_390 = vector.load %arg1[%get3A_388, %get3A_389] : memref<50x128xf32, #tpu.memory_space<vmem>>, vector<1x128xf32>
    %get3A_391 = vector.shape_cast %get3A_390 : vector<1x128xf32> to vector<128xf32>
    %broadcast_in_dim3A_392 = vector.shape_cast %get3A_391 : vector<128xf32> to vector<1x128xf32>
    %mul3A_393 = vector.broadcast %broadcast_in_dim3A_392 : vector<1x128xf32> to vector<2048x128xf32>
    %mul3A_394 = arith.mulf %tanh3A_387, %mul3A_393 : vector<2048x128xf32>
    %get3A_395 = arith.constant 26 : index
    %get3A_396 = arith.constant 0 : index
    %get3A_397 = vector.load %arg2[%get3A_395, %get3A_396] : memref<50x128xf32, #tpu.memory_space<vmem>>, vector<1x128xf32>
    %get3A_398 = vector.shape_cast %get3A_397 : vector<1x128xf32> to vector<128xf32>
    %broadcast_in_dim3A_399 = vector.shape_cast %get3A_398 : vector<128xf32> to vector<1x128xf32>
    %add3A_400 = vector.broadcast %broadcast_in_dim3A_399 : vector<1x128xf32> to vector<2048x128xf32>
    %add3A_401 = arith.addf %mul3A_394, %add3A_400 : vector<2048x128xf32>
    %tanh3A_402 = math.tanh %add3A_401 : vector<2048x128xf32>
    %get3A_403 = arith.constant 27 : index
    %get3A_404 = arith.constant 0 : index
    %get3A_405 = vector.load %arg1[%get3A_403, %get3A_404] : memref<50x128xf32, #tpu.memory_space<vmem>>, vector<1x128xf32>
    %get3A_406 = vector.shape_cast %get3A_405 : vector<1x128xf32> to vector<128xf32>
    %broadcast_in_dim3A_407 = vector.shape_cast %get3A_406 : vector<128xf32> to vector<1x128xf32>
    %mul3A_408 = vector.broadcast %broadcast_in_dim3A_407 : vector<1x128xf32> to vector<2048x128xf32>
    %mul3A_409 = arith.mulf %tanh3A_402, %mul3A_408 : vector<2048x128xf32>
    %get3A_410 = arith.constant 27 : index
    %get3A_411 = arith.constant 0 : index
    %get3A_412 = vector.load %arg2[%get3A_410, %get3A_411] : memref<50x128xf32, #tpu.memory_space<vmem>>, vector<1x128xf32>
    %get3A_413 = vector.shape_cast %get3A_412 : vector<1x128xf32> to vector<128xf32>
    %broadcast_in_dim3A_414 = vector.shape_cast %get3A_413 : vector<128xf32> to vector<1x128xf32>
    %add3A_415 = vector.broadcast %broadcast_in_dim3A_414 : vector<1x128xf32> to vector<2048x128xf32>
    %add3A_416 = arith.addf %mul3A_409, %add3A_415 : vector<2048x128xf32>
    %tanh3A_417 = math.tanh %add3A_416 : vector<2048x128xf32>
    %get3A_418 = arith.constant 28 : index
    %get3A_419 = arith.constant 0 : index
    %get3A_420 = vector.load %arg1[%get3A_418, %get3A_419] : memref<50x128xf32, #tpu.memory_space<vmem>>, vector<1x128xf32>
    %get3A_421 = vector.shape_cast %get3A_420 : vector<1x128xf32> to vector<128xf32>
    %broadcast_in_dim3A_422 = vector.shape_cast %get3A_421 : vector<128xf32> to vector<1x128xf32>
    %mul3A_423 = vector.broadcast %broadcast_in_dim3A_422 : vector<1x128xf32> to vector<2048x128xf32>
    %mul3A_424 = arith.mulf %tanh3A_417, %mul3A_423 : vector<2048x128xf32>
    %get3A_425 = arith.constant 28 : index
    %get3A_426 = arith.constant 0 : index
    %get3A_427 = vector.load %arg2[%get3A_425, %get3A_426] : memref<50x128xf32, #tpu.memory_space<vmem>>, vector<1x128xf32>
    %get3A_428 = vector.shape_cast %get3A_427 : vector<1x128xf32> to vector<128xf32>
    %broadcast_in_dim3A_429 = vector.shape_cast %get3A_428 : vector<128xf32> to vector<1x128xf32>
    %add3A_430 = vector.broadcast %broadcast_in_dim3A_429 : vector<1x128xf32> to vector<2048x128xf32>
    %add3A_431 = arith.addf %mul3A_424, %add3A_430 : vector<2048x128xf32>
    %tanh3A_432 = math.tanh %add3A_431 : vector<2048x128xf32>
    %get3A_433 = arith.constant 29 : index
    %get3A_434 = arith.constant 0 : index
    %get3A_435 = vector.load %arg1[%get3A_433, %get3A_434] : memref<50x128xf32, #tpu.memory_space<vmem>>, vector<1x128xf32>
    %get3A_436 = vector.shape_cast %get3A_435 : vector<1x128xf32> to vector<128xf32>
    %broadcast_in_dim3A_437 = vector.shape_cast %get3A_436 : vector<128xf32> to vector<1x128xf32>
    %mul3A_438 = vector.broadcast %broadcast_in_dim3A_437 : vector<1x128xf32> to vector<2048x128xf32>
    %mul3A_439 = arith.mulf %tanh3A_432, %mul3A_438 : vector<2048x128xf32>
    %get3A_440 = arith.constant 29 : index
    %get3A_441 = arith.constant 0 : index
    %get3A_442 = vector.load %arg2[%get3A_440, %get3A_441] : memref<50x128xf32, #tpu.memory_space<vmem>>, vector<1x128xf32>
    %get3A_443 = vector.shape_cast %get3A_442 : vector<1x128xf32> to vector<128xf32>
    %broadcast_in_dim3A_444 = vector.shape_cast %get3A_443 : vector<128xf32> to vector<1x128xf32>
    %add3A_445 = vector.broadcast %broadcast_in_dim3A_444 : vector<1x128xf32> to vector<2048x128xf32>
    %add3A_446 = arith.addf %mul3A_439, %add3A_445 : vector<2048x128xf32>
    %tanh3A_447 = math.tanh %add3A_446 : vector<2048x128xf32>
    %get3A_448 = arith.constant 30 : index
    %get3A_449 = arith.constant 0 : index
    %get3A_450 = vector.load %arg1[%get3A_448, %get3A_449] : memref<50x128xf32, #tpu.memory_space<vmem>>, vector<1x128xf32>
    %get3A_451 = vector.shape_cast %get3A_450 : vector<1x128xf32> to vector<128xf32>
    %broadcast_in_dim3A_452 = vector.shape_cast %get3A_451 : vector<128xf32> to vector<1x128xf32>
    %mul3A_453 = vector.broadcast %broadcast_in_dim3A_452 : vector<1x128xf32> to vector<2048x128xf32>
    %mul3A_454 = arith.mulf %tanh3A_447, %mul3A_453 : vector<2048x128xf32>
    %get3A_455 = arith.constant 30 : index
    %get3A_456 = arith.constant 0 : index
    %get3A_457 = vector.load %arg2[%get3A_455, %get3A_456] : memref<50x128xf32, #tpu.memory_space<vmem>>, vector<1x128xf32>
    %get3A_458 = vector.shape_cast %get3A_457 : vector<1x128xf32> to vector<128xf32>
    %broadcast_in_dim3A_459 = vector.shape_cast %get3A_458 : vector<128xf32> to vector<1x128xf32>
    %add3A_460 = vector.broadcast %broadcast_in_dim3A_459 : vector<1x128xf32> to vector<2048x128xf32>
    %add3A_461 = arith.addf %mul3A_454, %add3A_460 : vector<2048x128xf32>
    %tanh3A_462 = math.tanh %add3A_461 : vector<2048x128xf32>
    %get3A_463 = arith.constant 31 : index
    %get3A_464 = arith.constant 0 : index
    %get3A_465 = vector.load %arg1[%get3A_463, %get3A_464] : memref<50x128xf32, #tpu.memory_space<vmem>>, vector<1x128xf32>
    %get3A_466 = vector.shape_cast %get3A_465 : vector<1x128xf32> to vector<128xf32>
    %broadcast_in_dim3A_467 = vector.shape_cast %get3A_466 : vector<128xf32> to vector<1x128xf32>
    %mul3A_468 = vector.broadcast %broadcast_in_dim3A_467 : vector<1x128xf32> to vector<2048x128xf32>
    %mul3A_469 = arith.mulf %tanh3A_462, %mul3A_468 : vector<2048x128xf32>
    %get3A_470 = arith.constant 31 : index
    %get3A_471 = arith.constant 0 : index
    %get3A_472 = vector.load %arg2[%get3A_470, %get3A_471] : memref<50x128xf32, #tpu.memory_space<vmem>>, vector<1x128xf32>
    %get3A_473 = vector.shape_cast %get3A_472 : vector<1x128xf32> to vector<128xf32>
    %broadcast_in_dim3A_474 = vector.shape_cast %get3A_473 : vector<128xf32> to vector<1x128xf32>
    %add3A_475 = vector.broadcast %broadcast_in_dim3A_474 : vector<1x128xf32> to vector<2048x128xf32>
    %add3A_476 = arith.addf %mul3A_469, %add3A_475 : vector<2048x128xf32>
    %tanh3A_477 = math.tanh %add3A_476 : vector<2048x128xf32>
    %get3A_478 = arith.constant 32 : index
    %get3A_479 = arith.constant 0 : index
    %get3A_480 = vector.load %arg1[%get3A_478, %get3A_479] : memref<50x128xf32, #tpu.memory_space<vmem>>, vector<1x128xf32>
    %get3A_481 = vector.shape_cast %get3A_480 : vector<1x128xf32> to vector<128xf32>
    %broadcast_in_dim3A_482 = vector.shape_cast %get3A_481 : vector<128xf32> to vector<1x128xf32>
    %mul3A_483 = vector.broadcast %broadcast_in_dim3A_482 : vector<1x128xf32> to vector<2048x128xf32>
    %mul3A_484 = arith.mulf %tanh3A_477, %mul3A_483 : vector<2048x128xf32>
    %get3A_485 = arith.constant 32 : index
    %get3A_486 = arith.constant 0 : index
    %get3A_487 = vector.load %arg2[%get3A_485, %get3A_486] : memref<50x128xf32, #tpu.memory_space<vmem>>, vector<1x128xf32>
    %get3A_488 = vector.shape_cast %get3A_487 : vector<1x128xf32> to vector<128xf32>
    %broadcast_in_dim3A_489 = vector.shape_cast %get3A_488 : vector<128xf32> to vector<1x128xf32>
    %add3A_490 = vector.broadcast %broadcast_in_dim3A_489 : vector<1x128xf32> to vector<2048x128xf32>
    %add3A_491 = arith.addf %mul3A_484, %add3A_490 : vector<2048x128xf32>
    %tanh3A_492 = math.tanh %add3A_491 : vector<2048x128xf32>
    %get3A_493 = arith.constant 33 : index
    %get3A_494 = arith.constant 0 : index
    %get3A_495 = vector.load %arg1[%get3A_493, %get3A_494] : memref<50x128xf32, #tpu.memory_space<vmem>>, vector<1x128xf32>
    %get3A_496 = vector.shape_cast %get3A_495 : vector<1x128xf32> to vector<128xf32>
    %broadcast_in_dim3A_497 = vector.shape_cast %get3A_496 : vector<128xf32> to vector<1x128xf32>
    %mul3A_498 = vector.broadcast %broadcast_in_dim3A_497 : vector<1x128xf32> to vector<2048x128xf32>
    %mul3A_499 = arith.mulf %tanh3A_492, %mul3A_498 : vector<2048x128xf32>
    %get3A_500 = arith.constant 33 : index
    %get3A_501 = arith.constant 0 : index
    %get3A_502 = vector.load %arg2[%get3A_500, %get3A_501] : memref<50x128xf32, #tpu.memory_space<vmem>>, vector<1x128xf32>
    %get3A_503 = vector.shape_cast %get3A_502 : vector<1x128xf32> to vector<128xf32>
    %broadcast_in_dim3A_504 = vector.shape_cast %get3A_503 : vector<128xf32> to vector<1x128xf32>
    %add3A_505 = vector.broadcast %broadcast_in_dim3A_504 : vector<1x128xf32> to vector<2048x128xf32>
    %add3A_506 = arith.addf %mul3A_499, %add3A_505 : vector<2048x128xf32>
    %tanh3A_507 = math.tanh %add3A_506 : vector<2048x128xf32>
    %get3A_508 = arith.constant 34 : index
    %get3A_509 = arith.constant 0 : index
    %get3A_510 = vector.load %arg1[%get3A_508, %get3A_509] : memref<50x128xf32, #tpu.memory_space<vmem>>, vector<1x128xf32>
    %get3A_511 = vector.shape_cast %get3A_510 : vector<1x128xf32> to vector<128xf32>
    %broadcast_in_dim3A_512 = vector.shape_cast %get3A_511 : vector<128xf32> to vector<1x128xf32>
    %mul3A_513 = vector.broadcast %broadcast_in_dim3A_512 : vector<1x128xf32> to vector<2048x128xf32>
    %mul3A_514 = arith.mulf %tanh3A_507, %mul3A_513 : vector<2048x128xf32>
    %get3A_515 = arith.constant 34 : index
    %get3A_516 = arith.constant 0 : index
    %get3A_517 = vector.load %arg2[%get3A_515, %get3A_516] : memref<50x128xf32, #tpu.memory_space<vmem>>, vector<1x128xf32>
    %get3A_518 = vector.shape_cast %get3A_517 : vector<1x128xf32> to vector<128xf32>
    %broadcast_in_dim3A_519 = vector.shape_cast %get3A_518 : vector<128xf32> to vector<1x128xf32>
    %add3A_520 = vector.broadcast %broadcast_in_dim3A_519 : vector<1x128xf32> to vector<2048x128xf32>
    %add3A_521 = arith.addf %mul3A_514, %add3A_520 : vector<2048x128xf32>
    %tanh3A_522 = math.tanh %add3A_521 : vector<2048x128xf32>
    %get3A_523 = arith.constant 35 : index
    %get3A_524 = arith.constant 0 : index
    %get3A_525 = vector.load %arg1[%get3A_523, %get3A_524] : memref<50x128xf32, #tpu.memory_space<vmem>>, vector<1x128xf32>
    %get3A_526 = vector.shape_cast %get3A_525 : vector<1x128xf32> to vector<128xf32>
    %broadcast_in_dim3A_527 = vector.shape_cast %get3A_526 : vector<128xf32> to vector<1x128xf32>
    %mul3A_528 = vector.broadcast %broadcast_in_dim3A_527 : vector<1x128xf32> to vector<2048x128xf32>
    %mul3A_529 = arith.mulf %tanh3A_522, %mul3A_528 : vector<2048x128xf32>
    %get3A_530 = arith.constant 35 : index
    %get3A_531 = arith.constant 0 : index
    %get3A_532 = vector.load %arg2[%get3A_530, %get3A_531] : memref<50x128xf32, #tpu.memory_space<vmem>>, vector<1x128xf32>
    %get3A_533 = vector.shape_cast %get3A_532 : vector<1x128xf32> to vector<128xf32>
    %broadcast_in_dim3A_534 = vector.shape_cast %get3A_533 : vector<128xf32> to vector<1x128xf32>
    %add3A_535 = vector.broadcast %broadcast_in_dim3A_534 : vector<1x128xf32> to vector<2048x128xf32>
    %add3A_536 = arith.addf %mul3A_529, %add3A_535 : vector<2048x128xf32>
    %tanh3A_537 = math.tanh %add3A_536 : vector<2048x128xf32>
    %get3A_538 = arith.constant 36 : index
    %get3A_539 = arith.constant 0 : index
    %get3A_540 = vector.load %arg1[%get3A_538, %get3A_539] : memref<50x128xf32, #tpu.memory_space<vmem>>, vector<1x128xf32>
    %get3A_541 = vector.shape_cast %get3A_540 : vector<1x128xf32> to vector<128xf32>
    %broadcast_in_dim3A_542 = vector.shape_cast %get3A_541 : vector<128xf32> to vector<1x128xf32>
    %mul3A_543 = vector.broadcast %broadcast_in_dim3A_542 : vector<1x128xf32> to vector<2048x128xf32>
    %mul3A_544 = arith.mulf %tanh3A_537, %mul3A_543 : vector<2048x128xf32>
    %get3A_545 = arith.constant 36 : index
    %get3A_546 = arith.constant 0 : index
    %get3A_547 = vector.load %arg2[%get3A_545, %get3A_546] : memref<50x128xf32, #tpu.memory_space<vmem>>, vector<1x128xf32>
    %get3A_548 = vector.shape_cast %get3A_547 : vector<1x128xf32> to vector<128xf32>
    %broadcast_in_dim3A_549 = vector.shape_cast %get3A_548 : vector<128xf32> to vector<1x128xf32>
    %add3A_550 = vector.broadcast %broadcast_in_dim3A_549 : vector<1x128xf32> to vector<2048x128xf32>
    %add3A_551 = arith.addf %mul3A_544, %add3A_550 : vector<2048x128xf32>
    %tanh3A_552 = math.tanh %add3A_551 : vector<2048x128xf32>
    %get3A_553 = arith.constant 37 : index
    %get3A_554 = arith.constant 0 : index
    %get3A_555 = vector.load %arg1[%get3A_553, %get3A_554] : memref<50x128xf32, #tpu.memory_space<vmem>>, vector<1x128xf32>
    %get3A_556 = vector.shape_cast %get3A_555 : vector<1x128xf32> to vector<128xf32>
    %broadcast_in_dim3A_557 = vector.shape_cast %get3A_556 : vector<128xf32> to vector<1x128xf32>
    %mul3A_558 = vector.broadcast %broadcast_in_dim3A_557 : vector<1x128xf32> to vector<2048x128xf32>
    %mul3A_559 = arith.mulf %tanh3A_552, %mul3A_558 : vector<2048x128xf32>
    %get3A_560 = arith.constant 37 : index
    %get3A_561 = arith.constant 0 : index
    %get3A_562 = vector.load %arg2[%get3A_560, %get3A_561] : memref<50x128xf32, #tpu.memory_space<vmem>>, vector<1x128xf32>
    %get3A_563 = vector.shape_cast %get3A_562 : vector<1x128xf32> to vector<128xf32>
    %broadcast_in_dim3A_564 = vector.shape_cast %get3A_563 : vector<128xf32> to vector<1x128xf32>
    %add3A_565 = vector.broadcast %broadcast_in_dim3A_564 : vector<1x128xf32> to vector<2048x128xf32>
    %add3A_566 = arith.addf %mul3A_559, %add3A_565 : vector<2048x128xf32>
    %tanh3A_567 = math.tanh %add3A_566 : vector<2048x128xf32>
    %get3A_568 = arith.constant 38 : index
    %get3A_569 = arith.constant 0 : index
    %get3A_570 = vector.load %arg1[%get3A_568, %get3A_569] : memref<50x128xf32, #tpu.memory_space<vmem>>, vector<1x128xf32>
    %get3A_571 = vector.shape_cast %get3A_570 : vector<1x128xf32> to vector<128xf32>
    %broadcast_in_dim3A_572 = vector.shape_cast %get3A_571 : vector<128xf32> to vector<1x128xf32>
    %mul3A_573 = vector.broadcast %broadcast_in_dim3A_572 : vector<1x128xf32> to vector<2048x128xf32>
    %mul3A_574 = arith.mulf %tanh3A_567, %mul3A_573 : vector<2048x128xf32>
    %get3A_575 = arith.constant 38 : index
    %get3A_576 = arith.constant 0 : index
    %get3A_577 = vector.load %arg2[%get3A_575, %get3A_576] : memref<50x128xf32, #tpu.memory_space<vmem>>, vector<1x128xf32>
    %get3A_578 = vector.shape_cast %get3A_577 : vector<1x128xf32> to vector<128xf32>
    %broadcast_in_dim3A_579 = vector.shape_cast %get3A_578 : vector<128xf32> to vector<1x128xf32>
    %add3A_580 = vector.broadcast %broadcast_in_dim3A_579 : vector<1x128xf32> to vector<2048x128xf32>
    %add3A_581 = arith.addf %mul3A_574, %add3A_580 : vector<2048x128xf32>
    %tanh3A_582 = math.tanh %add3A_581 : vector<2048x128xf32>
    %get3A_583 = arith.constant 39 : index
    %get3A_584 = arith.constant 0 : index
    %get3A_585 = vector.load %arg1[%get3A_583, %get3A_584] : memref<50x128xf32, #tpu.memory_space<vmem>>, vector<1x128xf32>
    %get3A_586 = vector.shape_cast %get3A_585 : vector<1x128xf32> to vector<128xf32>
    %broadcast_in_dim3A_587 = vector.shape_cast %get3A_586 : vector<128xf32> to vector<1x128xf32>
    %mul3A_588 = vector.broadcast %broadcast_in_dim3A_587 : vector<1x128xf32> to vector<2048x128xf32>
    %mul3A_589 = arith.mulf %tanh3A_582, %mul3A_588 : vector<2048x128xf32>
    %get3A_590 = arith.constant 39 : index
    %get3A_591 = arith.constant 0 : index
    %get3A_592 = vector.load %arg2[%get3A_590, %get3A_591] : memref<50x128xf32, #tpu.memory_space<vmem>>, vector<1x128xf32>
    %get3A_593 = vector.shape_cast %get3A_592 : vector<1x128xf32> to vector<128xf32>
    %broadcast_in_dim3A_594 = vector.shape_cast %get3A_593 : vector<128xf32> to vector<1x128xf32>
    %add3A_595 = vector.broadcast %broadcast_in_dim3A_594 : vector<1x128xf32> to vector<2048x128xf32>
    %add3A_596 = arith.addf %mul3A_589, %add3A_595 : vector<2048x128xf32>
    %tanh3A_597 = math.tanh %add3A_596 : vector<2048x128xf32>
    %get3A_598 = arith.constant 40 : index
    %get3A_599 = arith.constant 0 : index
    %get3A_600 = vector.load %arg1[%get3A_598, %get3A_599] : memref<50x128xf32, #tpu.memory_space<vmem>>, vector<1x128xf32>
    %get3A_601 = vector.shape_cast %get3A_600 : vector<1x128xf32> to vector<128xf32>
    %broadcast_in_dim3A_602 = vector.shape_cast %get3A_601 : vector<128xf32> to vector<1x128xf32>
    %mul3A_603 = vector.broadcast %broadcast_in_dim3A_602 : vector<1x128xf32> to vector<2048x128xf32>
    %mul3A_604 = arith.mulf %tanh3A_597, %mul3A_603 : vector<2048x128xf32>
    %get3A_605 = arith.constant 40 : index
    %get3A_606 = arith.constant 0 : index
    %get3A_607 = vector.load %arg2[%get3A_605, %get3A_606] : memref<50x128xf32, #tpu.memory_space<vmem>>, vector<1x128xf32>
    %get3A_608 = vector.shape_cast %get3A_607 : vector<1x128xf32> to vector<128xf32>
    %broadcast_in_dim3A_609 = vector.shape_cast %get3A_608 : vector<128xf32> to vector<1x128xf32>
    %add3A_610 = vector.broadcast %broadcast_in_dim3A_609 : vector<1x128xf32> to vector<2048x128xf32>
    %add3A_611 = arith.addf %mul3A_604, %add3A_610 : vector<2048x128xf32>
    %tanh3A_612 = math.tanh %add3A_611 : vector<2048x128xf32>
    %get3A_613 = arith.constant 41 : index
    %get3A_614 = arith.constant 0 : index
    %get3A_615 = vector.load %arg1[%get3A_613, %get3A_614] : memref<50x128xf32, #tpu.memory_space<vmem>>, vector<1x128xf32>
    %get3A_616 = vector.shape_cast %get3A_615 : vector<1x128xf32> to vector<128xf32>
    %broadcast_in_dim3A_617 = vector.shape_cast %get3A_616 : vector<128xf32> to vector<1x128xf32>
    %mul3A_618 = vector.broadcast %broadcast_in_dim3A_617 : vector<1x128xf32> to vector<2048x128xf32>
    %mul3A_619 = arith.mulf %tanh3A_612, %mul3A_618 : vector<2048x128xf32>
    %get3A_620 = arith.constant 41 : index
    %get3A_621 = arith.constant 0 : index
    %get3A_622 = vector.load %arg2[%get3A_620, %get3A_621] : memref<50x128xf32, #tpu.memory_space<vmem>>, vector<1x128xf32>
    %get3A_623 = vector.shape_cast %get3A_622 : vector<1x128xf32> to vector<128xf32>
    %broadcast_in_dim3A_624 = vector.shape_cast %get3A_623 : vector<128xf32> to vector<1x128xf32>
    %add3A_625 = vector.broadcast %broadcast_in_dim3A_624 : vector<1x128xf32> to vector<2048x128xf32>
    %add3A_626 = arith.addf %mul3A_619, %add3A_625 : vector<2048x128xf32>
    %tanh3A_627 = math.tanh %add3A_626 : vector<2048x128xf32>
    %get3A_628 = arith.constant 42 : index
    %get3A_629 = arith.constant 0 : index
    %get3A_630 = vector.load %arg1[%get3A_628, %get3A_629] : memref<50x128xf32, #tpu.memory_space<vmem>>, vector<1x128xf32>
    %get3A_631 = vector.shape_cast %get3A_630 : vector<1x128xf32> to vector<128xf32>
    %broadcast_in_dim3A_632 = vector.shape_cast %get3A_631 : vector<128xf32> to vector<1x128xf32>
    %mul3A_633 = vector.broadcast %broadcast_in_dim3A_632 : vector<1x128xf32> to vector<2048x128xf32>
    %mul3A_634 = arith.mulf %tanh3A_627, %mul3A_633 : vector<2048x128xf32>
    %get3A_635 = arith.constant 42 : index
    %get3A_636 = arith.constant 0 : index
    %get3A_637 = vector.load %arg2[%get3A_635, %get3A_636] : memref<50x128xf32, #tpu.memory_space<vmem>>, vector<1x128xf32>
    %get3A_638 = vector.shape_cast %get3A_637 : vector<1x128xf32> to vector<128xf32>
    %broadcast_in_dim3A_639 = vector.shape_cast %get3A_638 : vector<128xf32> to vector<1x128xf32>
    %add3A_640 = vector.broadcast %broadcast_in_dim3A_639 : vector<1x128xf32> to vector<2048x128xf32>
    %add3A_641 = arith.addf %mul3A_634, %add3A_640 : vector<2048x128xf32>
    %tanh3A_642 = math.tanh %add3A_641 : vector<2048x128xf32>
    %get3A_643 = arith.constant 43 : index
    %get3A_644 = arith.constant 0 : index
    %get3A_645 = vector.load %arg1[%get3A_643, %get3A_644] : memref<50x128xf32, #tpu.memory_space<vmem>>, vector<1x128xf32>
    %get3A_646 = vector.shape_cast %get3A_645 : vector<1x128xf32> to vector<128xf32>
    %broadcast_in_dim3A_647 = vector.shape_cast %get3A_646 : vector<128xf32> to vector<1x128xf32>
    %mul3A_648 = vector.broadcast %broadcast_in_dim3A_647 : vector<1x128xf32> to vector<2048x128xf32>
    %mul3A_649 = arith.mulf %tanh3A_642, %mul3A_648 : vector<2048x128xf32>
    %get3A_650 = arith.constant 43 : index
    %get3A_651 = arith.constant 0 : index
    %get3A_652 = vector.load %arg2[%get3A_650, %get3A_651] : memref<50x128xf32, #tpu.memory_space<vmem>>, vector<1x128xf32>
    %get3A_653 = vector.shape_cast %get3A_652 : vector<1x128xf32> to vector<128xf32>
    %broadcast_in_dim3A_654 = vector.shape_cast %get3A_653 : vector<128xf32> to vector<1x128xf32>
    %add3A_655 = vector.broadcast %broadcast_in_dim3A_654 : vector<1x128xf32> to vector<2048x128xf32>
    %add3A_656 = arith.addf %mul3A_649, %add3A_655 : vector<2048x128xf32>
    %tanh3A_657 = math.tanh %add3A_656 : vector<2048x128xf32>
    %get3A_658 = arith.constant 44 : index
    %get3A_659 = arith.constant 0 : index
    %get3A_660 = vector.load %arg1[%get3A_658, %get3A_659] : memref<50x128xf32, #tpu.memory_space<vmem>>, vector<1x128xf32>
    %get3A_661 = vector.shape_cast %get3A_660 : vector<1x128xf32> to vector<128xf32>
    %broadcast_in_dim3A_662 = vector.shape_cast %get3A_661 : vector<128xf32> to vector<1x128xf32>
    %mul3A_663 = vector.broadcast %broadcast_in_dim3A_662 : vector<1x128xf32> to vector<2048x128xf32>
    %mul3A_664 = arith.mulf %tanh3A_657, %mul3A_663 : vector<2048x128xf32>
    %get3A_665 = arith.constant 44 : index
    %get3A_666 = arith.constant 0 : index
    %get3A_667 = vector.load %arg2[%get3A_665, %get3A_666] : memref<50x128xf32, #tpu.memory_space<vmem>>, vector<1x128xf32>
    %get3A_668 = vector.shape_cast %get3A_667 : vector<1x128xf32> to vector<128xf32>
    %broadcast_in_dim3A_669 = vector.shape_cast %get3A_668 : vector<128xf32> to vector<1x128xf32>
    %add3A_670 = vector.broadcast %broadcast_in_dim3A_669 : vector<1x128xf32> to vector<2048x128xf32>
    %add3A_671 = arith.addf %mul3A_664, %add3A_670 : vector<2048x128xf32>
    %tanh3A_672 = math.tanh %add3A_671 : vector<2048x128xf32>
    %get3A_673 = arith.constant 45 : index
    %get3A_674 = arith.constant 0 : index
    %get3A_675 = vector.load %arg1[%get3A_673, %get3A_674] : memref<50x128xf32, #tpu.memory_space<vmem>>, vector<1x128xf32>
    %get3A_676 = vector.shape_cast %get3A_675 : vector<1x128xf32> to vector<128xf32>
    %broadcast_in_dim3A_677 = vector.shape_cast %get3A_676 : vector<128xf32> to vector<1x128xf32>
    %mul3A_678 = vector.broadcast %broadcast_in_dim3A_677 : vector<1x128xf32> to vector<2048x128xf32>
    %mul3A_679 = arith.mulf %tanh3A_672, %mul3A_678 : vector<2048x128xf32>
    %get3A_680 = arith.constant 45 : index
    %get3A_681 = arith.constant 0 : index
    %get3A_682 = vector.load %arg2[%get3A_680, %get3A_681] : memref<50x128xf32, #tpu.memory_space<vmem>>, vector<1x128xf32>
    %get3A_683 = vector.shape_cast %get3A_682 : vector<1x128xf32> to vector<128xf32>
    %broadcast_in_dim3A_684 = vector.shape_cast %get3A_683 : vector<128xf32> to vector<1x128xf32>
    %add3A_685 = vector.broadcast %broadcast_in_dim3A_684 : vector<1x128xf32> to vector<2048x128xf32>
    %add3A_686 = arith.addf %mul3A_679, %add3A_685 : vector<2048x128xf32>
    %tanh3A_687 = math.tanh %add3A_686 : vector<2048x128xf32>
    %get3A_688 = arith.constant 46 : index
    %get3A_689 = arith.constant 0 : index
    %get3A_690 = vector.load %arg1[%get3A_688, %get3A_689] : memref<50x128xf32, #tpu.memory_space<vmem>>, vector<1x128xf32>
    %get3A_691 = vector.shape_cast %get3A_690 : vector<1x128xf32> to vector<128xf32>
    %broadcast_in_dim3A_692 = vector.shape_cast %get3A_691 : vector<128xf32> to vector<1x128xf32>
    %mul3A_693 = vector.broadcast %broadcast_in_dim3A_692 : vector<1x128xf32> to vector<2048x128xf32>
    %mul3A_694 = arith.mulf %tanh3A_687, %mul3A_693 : vector<2048x128xf32>
    %get3A_695 = arith.constant 46 : index
    %get3A_696 = arith.constant 0 : index
    %get3A_697 = vector.load %arg2[%get3A_695, %get3A_696] : memref<50x128xf32, #tpu.memory_space<vmem>>, vector<1x128xf32>
    %get3A_698 = vector.shape_cast %get3A_697 : vector<1x128xf32> to vector<128xf32>
    %broadcast_in_dim3A_699 = vector.shape_cast %get3A_698 : vector<128xf32> to vector<1x128xf32>
    %add3A_700 = vector.broadcast %broadcast_in_dim3A_699 : vector<1x128xf32> to vector<2048x128xf32>
    %add3A_701 = arith.addf %mul3A_694, %add3A_700 : vector<2048x128xf32>
    %tanh3A_702 = math.tanh %add3A_701 : vector<2048x128xf32>
    %get3A_703 = arith.constant 47 : index
    %get3A_704 = arith.constant 0 : index
    %get3A_705 = vector.load %arg1[%get3A_703, %get3A_704] : memref<50x128xf32, #tpu.memory_space<vmem>>, vector<1x128xf32>
    %get3A_706 = vector.shape_cast %get3A_705 : vector<1x128xf32> to vector<128xf32>
    %broadcast_in_dim3A_707 = vector.shape_cast %get3A_706 : vector<128xf32> to vector<1x128xf32>
    %mul3A_708 = vector.broadcast %broadcast_in_dim3A_707 : vector<1x128xf32> to vector<2048x128xf32>
    %mul3A_709 = arith.mulf %tanh3A_702, %mul3A_708 : vector<2048x128xf32>
    %get3A_710 = arith.constant 47 : index
    %get3A_711 = arith.constant 0 : index
    %get3A_712 = vector.load %arg2[%get3A_710, %get3A_711] : memref<50x128xf32, #tpu.memory_space<vmem>>, vector<1x128xf32>
    %get3A_713 = vector.shape_cast %get3A_712 : vector<1x128xf32> to vector<128xf32>
    %broadcast_in_dim3A_714 = vector.shape_cast %get3A_713 : vector<128xf32> to vector<1x128xf32>
    %add3A_715 = vector.broadcast %broadcast_in_dim3A_714 : vector<1x128xf32> to vector<2048x128xf32>
    %add3A_716 = arith.addf %mul3A_709, %add3A_715 : vector<2048x128xf32>
    %tanh3A_717 = math.tanh %add3A_716 : vector<2048x128xf32>
    %get3A_718 = arith.constant 48 : index
    %get3A_719 = arith.constant 0 : index
    %get3A_720 = vector.load %arg1[%get3A_718, %get3A_719] : memref<50x128xf32, #tpu.memory_space<vmem>>, vector<1x128xf32>
    %get3A_721 = vector.shape_cast %get3A_720 : vector<1x128xf32> to vector<128xf32>
    %broadcast_in_dim3A_722 = vector.shape_cast %get3A_721 : vector<128xf32> to vector<1x128xf32>
    %mul3A_723 = vector.broadcast %broadcast_in_dim3A_722 : vector<1x128xf32> to vector<2048x128xf32>
    %mul3A_724 = arith.mulf %tanh3A_717, %mul3A_723 : vector<2048x128xf32>
    %get3A_725 = arith.constant 48 : index
    %get3A_726 = arith.constant 0 : index
    %get3A_727 = vector.load %arg2[%get3A_725, %get3A_726] : memref<50x128xf32, #tpu.memory_space<vmem>>, vector<1x128xf32>
    %get3A_728 = vector.shape_cast %get3A_727 : vector<1x128xf32> to vector<128xf32>
    %broadcast_in_dim3A_729 = vector.shape_cast %get3A_728 : vector<128xf32> to vector<1x128xf32>
    %add3A_730 = vector.broadcast %broadcast_in_dim3A_729 : vector<1x128xf32> to vector<2048x128xf32>
    %add3A_731 = arith.addf %mul3A_724, %add3A_730 : vector<2048x128xf32>
    %tanh3A_732 = math.tanh %add3A_731 : vector<2048x128xf32>
    %get3A_733 = arith.constant 49 : index
    %get3A_734 = arith.constant 0 : index
    %get3A_735 = vector.load %arg1[%get3A_733, %get3A_734] : memref<50x128xf32, #tpu.memory_space<vmem>>, vector<1x128xf32>
    %get3A_736 = vector.shape_cast %get3A_735 : vector<1x128xf32> to vector<128xf32>
    %broadcast_in_dim3A_737 = vector.shape_cast %get3A_736 : vector<128xf32> to vector<1x128xf32>
    %mul3A_738 = vector.broadcast %broadcast_in_dim3A_737 : vector<1x128xf32> to vector<2048x128xf32>
    %mul3A_739 = arith.mulf %tanh3A_732, %mul3A_738 : vector<2048x128xf32>
    %get3A_740 = arith.constant 49 : index
    %get3A_741 = arith.constant 0 : index
    %get3A_742 = vector.load %arg2[%get3A_740, %get3A_741] : memref<50x128xf32, #tpu.memory_space<vmem>>, vector<1x128xf32>
    %get3A_743 = vector.shape_cast %get3A_742 : vector<1x128xf32> to vector<128xf32>
    %broadcast_in_dim3A_744 = vector.shape_cast %get3A_743 : vector<128xf32> to vector<1x128xf32>
    %add3A_745 = vector.broadcast %broadcast_in_dim3A_744 : vector<1x128xf32> to vector<2048x128xf32>
    %add3A_746 = arith.addf %mul3A_739, %add3A_745 : vector<2048x128xf32>
    %tanh3A_747 = math.tanh %add3A_746 : vector<2048x128xf32>
    %swap3A = arith.constant 0 : index
    %swap3A_748 = arith.constant 0 : index
    %swap3A_749 = vector.load %arg4[%swap3A, %swap3A_748] : memref<2048x128xf32, #tpu.memory_space<vmem>>, vector<2048x128xf32>
    tpu.vector_store %arg4[%swap3A, %swap3A_748], %tanh3A_747 {strides = array<i32>} : memref<2048x128xf32, #tpu.memory_space<vmem>>, vector<2048x128xf32>,
    return
  }
  func.func @transform_0(%arg0: i32) -> (i32, i32) {
    %c0_i32 = arith.constant 0 : i32
    %c0_i32_0 = arith.constant 0 : i32
    %c0_i32_1 = arith.constant 0 : i32
    return %c0_i32, %c0_i32_0 : i32, i32
  }
  func.func @transform_1(%arg0: i32) -> (i32, i32) {
    %c0_i32 = arith.constant 0 : i32
    %c0_i32_0 = arith.constant 0 : i32
    %c0_i32_1 = arith.constant 0 : i32
    return %c0_i32, %c0_i32_0 : i32, i32
  }
  func.func @transform_2(%arg0: i32) -> (i32, i32) {
    %c0_i32 = arith.constant 0 : i32
    %c0_i32_0 = arith.constant 0 : i32
    return %arg0, %c0_i32 : i32, i32
  }
  func.func @transform_3(%arg0: i32) -> (i32, i32) {
    %c0_i32 = arith.constant 0 : i32
    %c0_i32_0 = arith.constant 0 : i32
    return %arg0, %c0_i32 : i32, i32
  }
}

</mosaic_0001>

<sc_bundles>
// kernel: kernel.5.cloned.1.call-start
scs
__scs_entry_jumppad:
0x0: {  	(pc) =	sbr.rel $0x88, $3  }
0x1: {  	(tag) =	ssettag $0x0;
	lr =	simm.s32 $0x1  }
0x2: {  	[smem:$0x3F9C] =	sst lr;
	_ =	strace $0xD0000000  }
0x3: {  	_ = 	snop  }
0x4: {  	_ = 	snop  }
0x5: {  	_ = 	snop  }
0x6: {  	_ = 	snop  }
0x7: {  	_ = 	snop  }
__scs_overlays_trampoline_lowered:
0x8: {  	[smem:$0x3FAB] =	sst s0  }
0x9: {  	[smem:$0x3FAC] =	sst s1  }
0xa: {  	[smem:$0x3FAD] =	sst s2  }
0xb: {  	[smem:$0x3FAE] =	sst s3  }
0xc: {  	[smem:$0x3FAF] =	sst s4  }
0xd: {  	[smem:$0x3FB0] =	sst s5  }
0xe: {  	[smem:$0x3FB1] =	sst s6  }
0xf: {  	[smem:$0x3FB2] =	sst s7  }
0x10: {  	[smem:$0x3FB3] =	sst s8  }
0x11: {  	[smem:$0x3FB4] =	sst s9;
	s0 =	simm.s32 @!p0 $0x0  }
0x12: {  	s1 =	sld [smem:$0x3F9A];
	s0 =	simm.s32 @p0 $0x1  }
0x13: {  	[smem:$0x3FB5] =	sst s0;
	s0 =	simm.s32 @!p1 $0x0  }
0x14: {  	s2 =	sld [smem:$0x3F99];
	s0 =	simm.s32 @p1 $0x1  }
0x15: {  	[smem:$0x3FB6] =	sst s0;
	s0 =	simm.s32 @!p2 $0x0  }
0x16: {  	s3 =	sld [smem:$0x3FDB];
	s0 =	simm.s32 @p2 $0x1  }
0x17: {  	s4 =	simm.s32 $0x1BF5;
	[smem:$0x3FB8] =	sst s0  }
0x18: {  	s0 =	sld [smem:$0x3F9B];
	_ =	swait.ge [sflag:s4], $0x0  }
0x19: {  	s7 =	sld [smem:$0x3F9C]  }
0x1a: {  	s8 =	sadd.s32 $0xFFFFE003, lr  }
0x1b: {  	s9 =	sadd.s32 $0xFFFFFEF7, lr;
	s5 =	simm.s32 $0xFFFFFFFF;
	p2 =	slt.u32 s8, $0xFFFFF086  }
0x1c: {  	p1 =	slt.u32 s9, $0xF7A;
	s5 =	simm.s32 @!p2 $0x0  }
0x1d: {  	s5 =	simm.s32 @p1 $0x1;
	p0 =	seq.s32 s7, s2  }
0x1e: {  	s7 =	smul.u32 @!p0 $0xF7A, s2;
	p2 =	seq.s32 @!p0 s5, $0x0  }
0x1f: {  	s9 =	smul.u32 $0xF7A, s1;
	s8 =	simm.s32 @!p0 $0x1BF5;
	p2 =	por !p2, p0  }
0x20: {  	[sflag:s8] =	ssyncset.s32 @!p0 $0xFFFFF086;
	s6 =	sadd.s32 @!p0 s3, s7;
	s7 =	simm.s32 @!p0 $0x108  }
0x21: {  	s3 =	sadd.s32 s3, s9;
	s6 =	sadd.s32 @!p0 $0x88, s6;
	s7 =	simm.s32 @p2 $0x1082  }
0x22: {  	[simem:s7], [sflag:s8] =	dma.local @!p0 [hbm:s6], $0xF7A  }
0x23: {  	s9 =	sor.u32 $0xD0000000, s2;
	s6 =	simm.s32 $0x108;
	_ =	swait.ge @!p0 [sflag:s8], $0x0  }
0x24: {  	s3 =	sadd.s32 $0x88, s3;
	s6 =	simm.s32 @!p1 $0x1082;
	[sflag:s4] =	ssyncset.s32 $0xFFFFF086  }
0x25: {  	[simem:s6], [sflag:s4] =	dma.local [hbm:s3], $0xF7A  }
0x26: {  	[smem:$0x3F9C] =	sst s1;
	(tag) =	ssettag s2;
	_ =	strace s9  }
0x27: {  	s1 =	sld [smem:$0x3FAC]  }
0x28: {  	s2 =	sld [smem:$0x3FAD]  }
0x29: {  	s4 =	sld [smem:$0x3FAF]  }
0x2a: {  	p0 =	seq.s32 s5, $0x0;
	s5 =	sld [smem:$0x3FB0]  }
0x2b: {  	s6 =	sld [smem:$0x3FB1]  }
0x2c: {  	s7 =	sld [smem:$0x3FB2]  }
0x2d: {  	s3 =	simm.s32 $0x108;
	s8 =	sld [smem:$0x3FB3]  }
0x2e: {  	s3 =	simm.s32 @!p0 $0x1082;
	s9 =	sld [smem:$0x3FB4]  }
0x2f: {  	lr =	sadd.s32 s0, s3;
	s0 =	sld [smem:$0x3FAB]  }
0x30: {  	s3 =	sld [smem:$0x3FAE]  }
0x31: {  	[smem:$0x3FB7] =	sst s10  }
0x32: {  	s10 =	sld [smem:$0x3FB5];
	_ =	sdelay $0x3  }
0x33: {  	p0 =	seq.s32 s10, $0x1;
	s10 =	sld [smem:$0x3FB7];
	_ =	sdelay $0x3  }
0x34: {  	[smem:$0x3FB7] =	sst s10  }
0x35: {  	s10 =	sld [smem:$0x3FB6];
	_ =	sdelay $0x3  }
0x36: {  	p1 =	seq.s32 s10, $0x1;
	s10 =	sld [smem:$0x3FB7];
	_ =	sdelay $0x3  }
0x37: {  	[smem:$0x3FB7] =	sst s10  }
0x38: {  	s10 =	sld [smem:$0x3FB8]  }
0x39: {  	_ = 	snop;
	(pc) =	sbr.ind lr, $3  }
0x3a: {  	_ = 	snop  }
0x3b: {  	_ = 	snop  }
0x3c: {  	p2 =	seq.s32 s10, $0x1;
	s10 =	sld [smem:$0x3FB7]  }
0x3d: {  	_ =	shalt  }
0x3e: {  	_ =	shalt  }
0x3f: {  	_ =	shalt  }
0x40: {  	_ =	shalt  }
0x41: {  	_ =	shalt  }
0x42: {  	_ =	shalt  }
0x43: {  	_ =	shalt  }
0x44: {  	_ =	shalt  }
0x45: {  	_ =	shalt  }
0x46: {  	_ =	shalt  }
0x47: {  	_ =	shalt  }
0x48: {  	_ =	shalt  }
0x49: {  	_ =	shalt  }
0x4a: {  	_ =	shalt  }
0x4b: {  	_ =	shalt  }
0x4c: {  	_ =	shalt  }
0x4d: {  	_ =	shalt  }
0x4e: {  	_ =	shalt  }
0x4f: {  	_ =	shalt  }
0x50: {  	_ =	shalt  }
0x51: {  	_ =	shalt  }
0x52: {  	_ =	shalt  }
0x53: {  	_ =	shalt  }
0x54: {  	_ =	shalt  }
0x55: {  	_ =	shalt  }
0x56: {  	_ =	shalt  }
0x57: {  	_ =	shalt  }
0x58: {  	_ =	shalt  }
0x59: {  	_ =	shalt  }
0x5a: {  	_ =	shalt  }
0x5b: {  	_ =	shalt  }
0x5c: {  	_ =	shalt  }
0x5d: {  	_ =	shalt  }
0x5e: {  	_ =	shalt  }
0x5f: {  	_ =	shalt  }
0x60: {  	_ =	shalt  }
0x61: {  	_ =	shalt  }
0x62: {  	_ =	shalt  }
0x63: {  	_ =	shalt  }
0x64: {  	_ =	shalt  }
0x65: {  	_ =	shalt  }
0x66: {  	_ =	shalt  }
0x67: {  	_ =	shalt  }
0x68: {  	_ =	shalt  }
0x69: {  	_ =	shalt  }
0x6a: {  	_ =	shalt  }
0x6b: {  	_ =	shalt  }
0x6c: {  	_ =	shalt  }
0x6d: {  	_ =	shalt  }
0x6e: {  	_ =	shalt  }
0x6f: {  	_ =	shalt  }
0x70: {  	_ =	shalt  }
0x71: {  	_ =	shalt  }
0x72: {  	_ =	shalt  }
0x73: {  	_ =	shalt  }
0x74: {  	_ =	shalt  }
0x75: {  	_ =	shalt  }
0x76: {  	_ =	shalt  }
0x77: {  	_ =	shalt  }
0x78: {  	_ =	shalt  }
0x79: {  	_ =	shalt  }
0x7a: {  	_ =	shalt  }
0x7b: {  	_ =	shalt  }
0x7c: {  	_ =	shalt  }
0x7d: {  	_ =	shalt  }
0x7e: {  	_ =	shalt  }
0x7f: {  	_ =	shalt  }
0x80: {  	_ =	shalt  }
0x81: {  	_ =	shalt  }
0x82: {  	_ =	shalt  }
0x83: {  	_ =	shalt  }
0x84: {  	_ =	shalt  }
0x85: {  	_ =	shalt  }
0x86: {  	_ =	shalt  }
0x87: {  	_ =	shalt  }
.Lfunc_end0:
.L_simem_size_0:
called_computation_lowered:
.L_overlay_start_0:
0x88: {  	s2 =	sld [smem:$0x3FD9]  }
0x89: {  	s3 =	sld [smem:$0x3FFE];
	_ =	sdelay $0x1  }
0x8a: {  	s1 =	srdreg.scid  }
0x8b: {  	s0 =	sand.u32 $0x1, s1  }
0x8c: {  	s14 =	sshll.u32 s0, $0xA;
	s2 =	sadd.s32 s3, s2  }
0x8d: {  	s2 =	sadd.s32 s2, s14  }
0x8e: {  	[smem:$0x3FC3] =	sst s2  }
0x8f: {  	_ = 	snop  }
0x90: {  	s2 =	sld [smem:$0x3FD0];
	_ =	sdelay $0x2  }
0x91: {  	s15 =	simm.s32 $0xA;
	s4 =	simm.s32 $0x10  }
0x92: {  	[smem:s4], [sflag:s15] =	dma.local [hbm:s2], $0x1  }
0x93: {  	_ =	swait.eq [sflag:s15], $0x1  }
0x94: {  	[sflag:s15] =	ssyncset.done $0x0  }
0x95: {  	[sflag:s15] =	ssyncadd.s32 $0xFFFFFFFF  }
0x96: {  	s16 =	sld [smem:$0x10];
	(tm) =	ssettm $0x1  }
0x97: {  	s17 =	sld [smem:$0x3FFB];
	_ =	sdelay $0x3  }
0x98: {  	_ =	strace s17  }
0x99: {  	s3 =	sld [smem:$0x3FFC];
	_ =	sdelay $0x3  }
0x9a: {  	_ =	strace s3  }
0x9b: {  	s3 =	sld [smem:$0x3FFD];
	_ =	sdelay $0x3  }
0x9c: {  	_ =	strace s3  }
0x9d: {  	_ =	strace $0x8FFFFFFF  }
0x9e: {  	s18 =	sld [smem:$0x3FDB];
	_ =	sdelay $0x1  }
0x9f: {  	s19 =	simm.s32 $_scs_section_size  }
0xa0: {  	s5 =	simm.s32 $_size__tile_overlayer_lowered;
	s6 =	simm.s32 $_tile_overlayer_lowered  }
0xa1: {  	s22 =	simm.s32 $0x1BFF;
	s21 =	sshll.u32 s6, $0x1;
	s3 =	sadd.s32 s19, s18  }
0xa2: {  	s7 =	simm.s32 $0x0;
	s20 =	sshll.u32 s5, $0x1;
	s5 =	sadd.s32 s21, s3  }
0xa3: {  	[timem:s7], [sflag:s22] =	dma.local [hbm:s5], s20  }
0xa4: {  	_ =	swait.ge [sflag:s22], s20  }
0xa5: {  	s4 =	ssub.s32 $0x0, s20;
	[sflag:s22] =	ssyncset.done $0x0  }
0xa6: {  	[sflag:s22] =	ssyncadd.s32 s4;
	_ =	sdelay $0x1  }
0xa7: {  	s23 =	simm.s32 $0x1B8B  }
0xa8: {  	_ =	swait.ge [sflag:s23], $0x1  }
0xa9: {  	[sflag:s23] =	ssyncset.done $0x0  }
0xaa: {  	s25 =	simm.s32 $0x1B8E;
	s24 =	sld [smem:$0x3FFE];
	[sflag:s23] =	ssyncadd.s32 $0xFFFFFFFF  }
0xab: {  	s26 =	simm.s32 $execute0_lowered;
	[smem:$0x3FD2] =	sst s25  }
0xac: {  	s5 =	sshll.u32 s26, $0x1;
	_ =	strace $0x80000046;
	[dreg:$0x1] =	wrdreg $0xFFFFFFFF  }
0xad: {  	s28 =	simm.s32 $_size_execute0_lowered;
	s3 =	sadd.s32 s3, s5;
	[dreg:$0x0] =	wrdreg $0x0  }
0xae: {  	s5 =	sshll.u32 s28, $0x1;
	[dreg:$0x2] =	wrdreg s3  }
0xaf: {  	[dreg:$0x3] =	wrdreg s5  }
0xb0: {  	[dreg:$0x4] =	wrdreg $0xC0  }
0xb1: {  	_ =	task [dreg:s7], $0x5FFFF  }
0xb2: {  	[dreg:$0x1] =	wrdreg $0xFFFFFFFF  }
0xb3: {  	[dreg:$0x0] =	wrdreg $0x60  }
0xb4: {  	[dreg:$0x2] =	wrdreg s16  }
0xb5: {  	[dreg:$0x3] =	wrdreg s24  }
0xb6: {  	[dreg:$0x4] =	wrdreg $0x9  }
0xb7: {  	_ =	task.clear_ibuf [dreg:s7], $0x5FFFF;
	_ =	strace $0x90000046  }
0xb8: {  	s29 =	simm.s32 $0x9;
	_ =	strace $0x80000048  }
0xb9: {  	_ =	swait.ge [sflag:s29], $0x1  }
0xba: {  	[sflag:s29] =	ssyncadd.s32 $0xFFFFFFFF  }
0xbb: {  	_ =	strace $0x90000048  }
0xbc: {  	_ =	sfence  }
0xbd: {  	s30 =	sld [smem:$0x0];
	_ =	sdelay $0x2  }
0xbe: {  	s31 =	sshll.u32 s1, $0xD;
	s1 =	sshrl.u32 s1, $0x2  }
0xbf: {  	s3 =	sand.u32 $0x4000, s31;
	s1 =	sadd.s32 s1, s30  }
0xc0: {  	s0 =	sor.u32 s3, s0;
	s1 =	sshll.u32 s1, $0x11  }
0xc1: {  	s0 =	sor.u32 s1, s0  }
0xc2: {  	s0 =	sadd.s32 $0x8F2B, s0  }
0xc3: {  	[sflag:s0] =	ssyncadd.remote.s32 $0x1  }
0xc4: {  	_ =	sfence.sel $0xFFFF  }
0xc5: {  	[dreg:$0x0] =	wrdreg $0xFFFFFFFF;
	(pc) =	sbr.abs _section_cstart, $3  }
0xc6: {  	[dreg:$0x1] =	wrdreg $0xFFFFFFFF  }
0xc7: {  	_ =	task.clear_ibuf [dreg:s7], $0x2FFFF;
	_ =	strace $0x9FFFFFFF  }
0xc8: {  	(tm) =	ssettm $0x7FFFFFFF  }
0xc9: {  	_ =	shalt  }
tec
execute0_lowered:
.L_overlay_start_1:
0x0: {  	(tag) =	ssettag $0x1  }
0x1: {  	s5 =	rddreg [dreg:$0x0]  }
0x2: {  	s6 =	rddreg [dreg:$0x1]  }
0x3: {  	s0 =	rddreg [dreg:$0x2];
	s1 =	simm.s32 $0x0  }
0x4: {  	s4 =	srdreg.scid;
	s2 =	stileid.u32;
	s10 =	simm.s32 $0x3800  }
0x5: {  	s11 =	simm.s32 $0x0;
	[smem:$0x7FF] =	sst s1;
	s4 =	sand.u32 $0x1, s4  }
0x6: {  	s3 =	sadd.s32 $0x1200, s6;
	s7 =	sshll.u32 s2, $0xB;
	s8 =	sshll.u32 s4, $0xA  }
0x7: {  	_ =	strace $0x80000047;
	s9 =	ssub.s32 $0x2, s4;
	s7 =	sor.u32 s8, s7  }
0x8: {  	s4 =	sadd.s32 $0x1600, s6;
	s31 =	sshrl.u32 s9, $0x1;
	s6 =	sadd.s32 s7, s6  }
0x9: {  	s8 =	ssub.s32 s9, s31;
	s5 =	sadd.s32 s5, s7;
	s9 =	simm.s32 $0x1C00  }
0xa: {  	s6 =	sadd.s32 $0x1A00, s6;
	s7 =	smax.u32 s8, $0x1;
	s8 =	simm.s32 $0x1  }
.LBB2_1:
0xb: {  	[tilespmem:s1], [sflag:$0x1] =	stream.linear.gather [hbm4b:s3+s1], $0x1900, $0x38;
	[tilespmem:$0x5800] =	vst v63  }
0xc: {  	_ =	swait.ge [sflag:s8], $0x1900  }
0xd: {  	[sflag:s8] =	ssyncset.done $0x0  }
0xe: {  	[sflag:s8] =	ssyncadd.s32 $0xFFFFE700  }
0xf: {  	[tilespmem:s9], [sflag:$0x1] =	stream.linear.gather [hbm4b:s4+s1], $0x1900, $0x38;
	[tilespmem:$0x5800] =	vst v63  }
0x10: {  	_ =	swait.ge [sflag:s8], $0x1900  }
0x11: {  	[sflag:s8] =	ssyncset.done $0x0  }
0x12: {  	[sflag:s8] =	ssyncadd.s32 $0xFFFFE700  }
0x13: {  	[tilespmem:s10], [sflag:$0x1] =	stream.linear.gather [hbm4b:s5+s1], $0x2000, $0x38;
	[tilespmem:$0x5800] =	vst v63  }
0x14: {  	_ =	swait.ge [sflag:s8], $0x2000  }
0x15: {  	[sflag:s8] =	ssyncset.done $0x0  }
0x16: {  	s12 =	simm.s32 $0x0;
	[sflag:s8] =	ssyncadd.s32 $0xFFFFE000  }
.LBB2_2:
0x17: {  	s13 =	sshll.u32 s12, $0x7  }
0x18: {  	s14 =	simm.s32 $0x3A00;
	v0 =	vld [tilespmem:s13+$0x0]  }
0x19: {  	v2 =	vld [tilespmem:s14+$0xFFFFFF00]  }
0x1a: {  	v1 =	vld [tilespmem:s13+$0x1C00]  }
0x1b: {  	v3 =	vld [tilespmem:s14+$0xFFFFFE00]  }
0x1c: {  	v4 =	vld [tilespmem:s14+$0x180]  }
0x1d: {  	v5 =	vld [tilespmem:s14+$0x100]  }
0x1e: {  	v2 =	vmul.f32 v2, v0;
	_ =	sdelay $0x1  }
0x1f: {  	v6 =	vld [tilespmem:s14+$0x80];
	v3 =	vmul.f32 v3, v0;
	v2 =	vadd.f32 v2, v1  }
0x20: {  	v4 =	vmul.f32 v4, v0  }
0x21: {  	v8 =	vld [tilespmem:s14+$0xFFFFFF80];
	v5 =	vmul.f32 v5, v0;
	v3 =	vadd.f32 v3, v1;
	v2 =	vmul.f32 $1.442695020e+00, v2  }
0x22: {  	v7 =	vld [tilespmem:s14+$0x0];
	v4 =	vadd.f32 v4, v1  }
0x23: {  	(erf) = vpow2.f32 v2;
	v2 =	vmul.f32 $1.442695020e+00, v3;
	v3 =	vadd.f32 v5, v1  }
0x24: {  	v4 =	vmul.f32 $1.442695020e+00, v4;
	v5 =	vmul.f32 v6, v0  }
0x25: {  	v3 =	vmul.f32 $1.442695020e+00, v3;
	(erf) = vpow2.f32 v2  }
0x26: {  	v6 =	vld [tilespmem:s14+$0xFFFFFE80];
	v5 =	vadd.f32 v5, v1;
	(erf) = vpow2.f32 v4;
	v4 =	vmul.f32 v8, v0  }
0x27: {  	v2 =	vmul.f32 v7, v0  }
0x28: {  	(erf) = vpow2.f32 v3;
	v3 =	vadd.f32 v4, v1;
	v4 =	vmul.f32 $1.442695020e+00, v5  }
0x29: {  	v2 =	vadd.f32 v2, v1;
	_ =	sdelay $0x1  }
0x2a: {  	v5 =	vmul.f32 v6, v0;
	v2 =	vmul.f32 $1.442695020e+00, v2  }
0x2b: {  	v3 =	vmul.f32 $1.442695020e+00, v3;
	(erf) = vpow2.f32 v4;
	v4 =	vpop (erf)  }
0x2c: {  	v4 =	vadd.f32 $1.000000000e+00, v4  }
0x2d: {  	(erf) = vpow2.f32 v2;
	v2 =	vadd.f32 v5, v1;
	_ =	sdelay $0x1  }
0x2e: {  	(erf) = vpow2.f32 v3;
	v2 =	vmul.f32 $1.442695020e+00, v2;
	v3 =	vpop (erf)  }
0x2f: {  	(erf) = vrcp.f32 v4;
	v4 =	vpop (erf)  }
0x30: {  	(erf) = vpow2.f32 v2;
	v2 =	vadd.f32 $1.000000000e+00, v4  }
0x31: {  	v3 =	vadd.f32 $1.000000000e+00, v3  }
0x32: {  	v4 =	vpop (erf)  }
0x33: {  	(erf) = vrcp.f32 v3;
	v4 =	vadd.f32 $1.000000000e+00, v4  }
0x34: {  	(erf) = vrcp.f32 v2;
	v2 =	vpop (erf)  }
0x35: {  	v2 =	vadd.f32 $1.000000000e+00, v2  }
0x36: {  	v3 =	vpop (erf)  }
0x37: {  	(erf) = vrcp.f32 v4;
	v4 =	vpop (erf);
	v3 =	vadd.f32 $1.000000000e+00, v3  }
0x38: {  	v5 =	vpop (erf);
	v4 =	vadd.f32 $1.000000000e+00, v4;
	(erf) = vrcp.f32 v2  }
0x39: {  	v2 =	vpop (erf);
	(erf) = vrcp.f32 v3  }
0x3a: {  	(erf) = vrcp.f32 v4;
	_ =	sdelay $0x1  }
0x3b: {  	v5 =	vadd.f32 v5, v5  }
0x3c: {  	v2 =	vadd.f32 $1.000000000e+00, v2  }
0x3d: {  	v5 =	vsub.f32 $1.000000000e+00, v5;
	v3 =	vpop (erf)  }
0x3e: {  	v4 =	vpop (erf);
	v3 =	vadd.f32 v3, v3;
	(erf) = vrcp.f32 v2  }
0x3f: {  	s15 =	simm.s32 $0x0;
	s16 =	simm.s32 $0x3E00;
	[tilespmem:s14+$0xFFFFFF00] =	vst v5;
	v2 =	vadd.f32 v4, v4;
	v4 =	vpop (erf)  }
.LBB2_3:
0x40: {  	v5 =	vld [tilespmem:s16+$0xFFFFFF00];
	s15 =	sadd.s32 $0x8, s15;
	v3 =	vsub.f32 $1.000000000e+00, v3;
	v4 =	vadd.f32 v4, v4;
	v6 =	vpop (erf)  }
0x41: {  	p0 =	slt.u32 s15, $0x38;
	v6 =	vadd.f32 v6, v6;
	v2 =	vsub.f32 $1.000000000e+00, v2;
	v7 =	vpop (erf)  }
0x42: {  	[tilespmem:s14+$0xFFFFFE00] =	vst v3;
	v3 =	vadd.f32 v7, v7;
	v4 =	vsub.f32 $1.000000000e+00, v4;
	v7 =	vpop (erf)  }
0x43: {  	v8 =	vld [tilespmem:s16+$0xFFFFFE00];
	v7 =	vadd.f32 v7, v7;
	v6 =	vsub.f32 $1.000000000e+00, v6;
	[tilespmem:s14+$0x180] =	vst v2  }
0x44: {  	v2 =	vld [tilespmem:s16+$0x180];
	v3 =	vsub.f32 $1.000000000e+00, v3;
	[tilespmem:s14+$0x100] =	vst v4  }
0x45: {  	v4 =	vmul.f32 v5, v0;
	v5 =	vld [tilespmem:s16+$0x100];
	v9 =	vsub.f32 $1.000000000e+00, v7;
	[tilespmem:s14+$0x80] =	vst v6  }
0x46: {  	v6 =	vld [tilespmem:s16+$0x80];
	[tilespmem:s14+$0x0] =	vst v3  }
0x47: {  	v3 =	vadd.f32 v4, v1;
	v4 =	vld [tilespmem:s16+$0x0];
	[tilespmem:s14+$0xFFFFFF80] =	vst v9;
	v7 =	vpop (erf)  }
0x48: {  	v8 =	vmul.f32 v8, v0;
	v9 =	vld [tilespmem:s16+$0xFFFFFF80];
	v7 =	vadd.f32 v7, v7  }
0x49: {  	v3 =	vmul.f32 $1.442695020e+00, v3;
	v2 =	vmul.f32 v2, v0  }
0x4a: {  	v8 =	vadd.f32 v8, v1;
	v5 =	vmul.f32 v5, v0;
	v7 =	vsub.f32 $1.000000000e+00, v7  }
0x4b: {  	v6 =	vmul.f32 v6, v0;
	v2 =	vadd.f32 v2, v1;
	(erf) = vpow2.f32 v3  }
0x4c: {  	v3 =	vmul.f32 $1.442695020e+00, v8;
	v4 =	vmul.f32 v4, v0;
	v5 =	vadd.f32 v5, v1;
	[tilespmem:s14+$0xFFFFFE80] =	vst v7;
	s14 =	smov.u32 s16  }
0x4d: {  	v7 =	vld [tilespmem:s16+$0xFFFFFE80];
	v8 =	vmul.f32 v9, v0;
	v6 =	vadd.f32 v6, v1;
	v2 =	vmul.f32 $1.442695020e+00, v2  }
0x4e: {  	v4 =	vadd.f32 v4, v1;
	v5 =	vmul.f32 $1.442695020e+00, v5;
	(erf) = vpow2.f32 v3  }
0x4f: {  	v3 =	vadd.f32 v8, v1;
	v6 =	vmul.f32 $1.442695020e+00, v6;
	(erf) = vpow2.f32 v2  }
0x50: {  	v2 =	vmul.f32 $1.442695020e+00, v4;
	(erf) = vpow2.f32 v5  }
0x51: {  	v5 =	vmul.f32 $1.442695020e+00, v3;
	(erf) = vpow2.f32 v6  }
0x52: {  	v4 =	vmul.f32 v7, v0;
	(erf) = vpow2.f32 v2  }
0x53: {  	(erf) = vpow2.f32 v5  }
0x54: {  	v2 =	vadd.f32 v4, v1;
	v3 =	vpop (erf)  }
0x55: {  	v3 =	vadd.f32 $1.000000000e+00, v3  }
0x56: {  	v5 =	vmul.f32 $1.442695020e+00, v2  }
0x57: {  	v4 =	vpop (erf);
	(erf) = vrcp.f32 v3  }
0x58: {  	v6 =	vadd.f32 $1.000000000e+00, v4;
	(erf) = vpow2.f32 v5;
	v2 =	vpop (erf)  }
0x59: {  	v2 =	vadd.f32 $1.000000000e+00, v2;
	v4 =	vpop (erf)  }
0x5a: {  	v4 =	vadd.f32 $1.000000000e+00, v4;
	(erf) = vrcp.f32 v6;
	v3 =	vpop (erf)  }
0x5b: {  	v3 =	vadd.f32 $1.000000000e+00, v3;
	v5 =	vpop (erf);
	(erf) = vrcp.f32 v2  }
0x5c: {  	v2 =	vadd.f32 $1.000000000e+00, v5;
	v5 =	vpop (erf);
	(erf) = vrcp.f32 v4  }
0x5d: {  	v4 =	vadd.f32 $1.000000000e+00, v5;
	(erf) = vrcp.f32 v3  }
0x5e: {  	(erf) = vrcp.f32 v2  }
0x5f: {  	(erf) = vrcp.f32 v4  }
0x60: {  	v2 =	vpop (erf)  }
.Ltmp0:
0x61: {  	v2 =	vadd.f32 v2, v2;
	v3 =	vpop (erf);
	(pc) =	sbr.rel @p0 .LBB2_3-.Ltmp0, $4  }
0x62: {  	v5 =	vadd.f32 $1.000000000e+00, v3  }
0x63: {  	v2 =	vsub.f32 $1.000000000e+00, v2;
	v3 =	vpop (erf)  }
0x64: {  	v3 =	vadd.f32 v3, v3;
	(erf) = vrcp.f32 v5;
	v4 =	vpop (erf)  }
0x65: {  	s16 =	sadd.s32 $0x400, s16;
	[tilespmem:s14+$0xFFFFFF00] =	vst v2;
	v2 =	vadd.f32 v4, v4;
	v4 =	vpop (erf)  }
0x66: {  	_ =	sdelay $0x2  }
0x67: {  	v2 =	vsub.f32 $1.000000000e+00, v2  }
0x68: {  	v0 =	vsub.f32 $1.000000000e+00, v3;
	v1 =	vadd.f32 v4, v4;
	v3 =	vpop (erf)  }
0x69: {  	v3 =	vadd.f32 v3, v3;
	v4 =	vpop (erf)  }
0x6a: {  	[tilespmem:s14+$0xFFFFFE00] =	vst v0;
	v0 =	vadd.f32 v4, v4;
	v1 =	vsub.f32 $1.000000000e+00, v1;
	v4 =	vpop (erf)  }
0x6b: {  	v4 =	vadd.f32 v4, v4;
	v3 =	vsub.f32 $1.000000000e+00, v3;
	[tilespmem:s14+$0x180] =	vst v2;
	v2 =	vpop (erf)  }
0x6c: {  	v0 =	vsub.f32 $1.000000000e+00, v0;
	[tilespmem:s14+$0x100] =	vst v1;
	v1 =	vadd.f32 v2, v2  }
0x6d: {  	[tilespmem:s14+$0x80] =	vst v3;
	v2 =	vsub.f32 $1.000000000e+00, v4  }
0x6e: {  	[tilespmem:s14+$0x0] =	vst v0;
	v0 =	vsub.f32 $1.000000000e+00, v1  }
0x6f: {  	[tilespmem:s14+$0xFFFFFF80] =	vst v2  }
0x70: {  	s31 =	sor.u32 $0x10, s13;
	[tilespmem:s14+$0xFFFFFE80] =	vst v0  }
0x71: {  	s14 =	simm.s32 $0x3A10;
	v0 =	vld [tilespmem:s31+$0x0]  }
0x72: {  	v2 =	vld [tilespmem:s14+$0xFFFFFF00]  }
0x73: {  	v1 =	vld [tilespmem:s13+$0x1C10]  }
0x74: {  	v3 =	vld [tilespmem:s14+$0xFFFFFE00]  }
0x75: {  	v4 =	vld [tilespmem:s14+$0x180]  }
0x76: {  	v5 =	vld [tilespmem:s14+$0x100]  }
0x77: {  	v2 =	vmul.f32 v2, v0;
	_ =	sdelay $0x1  }
0x78: {  	v6 =	vld [tilespmem:s14+$0x80];
	v3 =	vmul.f32 v3, v0;
	v2 =	vadd.f32 v2, v1  }
0x79: {  	v4 =	vmul.f32 v4, v0  }
0x7a: {  	v8 =	vld [tilespmem:s14+$0xFFFFFF80];
	v5 =	vmul.f32 v5, v0;
	v3 =	vadd.f32 v3, v1;
	v2 =	vmul.f32 $1.442695020e+00, v2  }
0x7b: {  	v7 =	vld [tilespmem:s14+$0x0];
	v4 =	vadd.f32 v4, v1  }
0x7c: {  	(erf) = vpow2.f32 v2;
	v2 =	vmul.f32 $1.442695020e+00, v3;
	v3 =	vadd.f32 v5, v1  }
0x7d: {  	v4 =	vmul.f32 $1.442695020e+00, v4;
	v5 =	vmul.f32 v6, v0  }
0x7e: {  	v3 =	vmul.f32 $1.442695020e+00, v3;
	(erf) = vpow2.f32 v2  }
0x7f: {  	v6 =	vld [tilespmem:s14+$0xFFFFFE80];
	v5 =	vadd.f32 v5, v1;
	(erf) = vpow2.f32 v4;
	v4 =	vmul.f32 v8, v0  }
0x80: {  	v2 =	vmul.f32 v7, v0  }
0x81: {  	(erf) = vpow2.f32 v3;
	v3 =	vadd.f32 v4, v1;
	v4 =	vmul.f32 $1.442695020e+00, v5  }
0x82: {  	v2 =	vadd.f32 v2, v1;
	_ =	sdelay $0x1  }
0x83: {  	v5 =	vmul.f32 v6, v0;
	v2 =	vmul.f32 $1.442695020e+00, v2  }
0x84: {  	v3 =	vmul.f32 $1.442695020e+00, v3;
	(erf) = vpow2.f32 v4;
	v4 =	vpop (erf)  }
0x85: {  	v4 =	vadd.f32 $1.000000000e+00, v4  }
0x86: {  	(erf) = vpow2.f32 v2;
	v2 =	vadd.f32 v5, v1;
	_ =	sdelay $0x1  }
0x87: {  	(erf) = vpow2.f32 v3;
	v2 =	vmul.f32 $1.442695020e+00, v2;
	v3 =	vpop (erf)  }
0x88: {  	(erf) = vrcp.f32 v4;
	v4 =	vpop (erf)  }
0x89: {  	(erf) = vpow2.f32 v2;
	v2 =	vadd.f32 $1.000000000e+00, v4  }
0x8a: {  	v3 =	vadd.f32 $1.000000000e+00, v3  }
0x8b: {  	v4 =	vpop (erf)  }
0x8c: {  	(erf) = vrcp.f32 v3;
	v4 =	vadd.f32 $1.000000000e+00, v4  }
0x8d: {  	(erf) = vrcp.f32 v2;
	v2 =	vpop (erf)  }
0x8e: {  	v2 =	vadd.f32 $1.000000000e+00, v2  }
0x8f: {  	v3 =	vpop (erf)  }
0x90: {  	(erf) = vrcp.f32 v4;
	v4 =	vpop (erf);
	v3 =	vadd.f32 $1.000000000e+00, v3  }
0x91: {  	v5 =	vpop (erf);
	v4 =	vadd.f32 $1.000000000e+00, v4;
	(erf) = vrcp.f32 v2  }
0x92: {  	v2 =	vpop (erf);
	(erf) = vrcp.f32 v3  }
0x93: {  	(erf) = vrcp.f32 v4;
	_ =	sdelay $0x1  }
0x94: {  	v5 =	vadd.f32 v5, v5  }
0x95: {  	v2 =	vadd.f32 $1.000000000e+00, v2  }
0x96: {  	v5 =	vsub.f32 $1.000000000e+00, v5;
	v3 =	vpop (erf)  }
0x97: {  	v4 =	vpop (erf);
	v3 =	vadd.f32 v3, v3;
	(erf) = vrcp.f32 v2  }
0x98: {  	s15 =	simm.s32 $0x0;
	s16 =	simm.s32 $0x3E10;
	[tilespmem:s14+$0xFFFFFF00] =	vst v5;
	v2 =	vadd.f32 v4, v4;
	v4 =	vpop (erf)  }
.LBB2_5:
0x99: {  	v5 =	vld [tilespmem:s16+$0xFFFFFF00];
	s15 =	sadd.s32 $0x8, s15;
	v3 =	vsub.f32 $1.000000000e+00, v3;
	v4 =	vadd.f32 v4, v4;
	v6 =	vpop (erf)  }
0x9a: {  	p0 =	slt.u32 s15, $0x38;
	v6 =	vadd.f32 v6, v6;
	v2 =	vsub.f32 $1.000000000e+00, v2;
	v7 =	vpop (erf)  }
0x9b: {  	[tilespmem:s14+$0xFFFFFE00] =	vst v3;
	v3 =	vadd.f32 v7, v7;
	v4 =	vsub.f32 $1.000000000e+00, v4;
	v7 =	vpop (erf)  }
0x9c: {  	v8 =	vld [tilespmem:s16+$0xFFFFFE00];
	v7 =	vadd.f32 v7, v7;
	v6 =	vsub.f32 $1.000000000e+00, v6;
	[tilespmem:s14+$0x180] =	vst v2  }
0x9d: {  	v2 =	vld [tilespmem:s16+$0x180];
	v3 =	vsub.f32 $1.000000000e+00, v3;
	[tilespmem:s14+$0x100] =	vst v4  }
0x9e: {  	v4 =	vmul.f32 v5, v0;
	v5 =	vld [tilespmem:s16+$0x100];
	v9 =	vsub.f32 $1.000000000e+00, v7;
	[tilespmem:s14+$0x80] =	vst v6  }
0x9f: {  	v6 =	vld [tilespmem:s16+$0x80];
	[tilespmem:s14+$0x0] =	vst v3  }
0xa0: {  	v3 =	vadd.f32 v4, v1;
	v4 =	vld [tilespmem:s16+$0x0];
	[tilespmem:s14+$0xFFFFFF80] =	vst v9;
	v7 =	vpop (erf)  }
0xa1: {  	v8 =	vmul.f32 v8, v0;
	v9 =	vld [tilespmem:s16+$0xFFFFFF80];
	v7 =	vadd.f32 v7, v7  }
0xa2: {  	v3 =	vmul.f32 $1.442695020e+00, v3;
	v2 =	vmul.f32 v2, v0  }
0xa3: {  	v8 =	vadd.f32 v8, v1;
	v5 =	vmul.f32 v5, v0;
	v7 =	vsub.f32 $1.000000000e+00, v7  }
0xa4: {  	v6 =	vmul.f32 v6, v0;
	v2 =	vadd.f32 v2, v1;
	(erf) = vpow2.f32 v3  }
0xa5: {  	v3 =	vmul.f32 $1.442695020e+00, v8;
	v4 =	vmul.f32 v4, v0;
	v5 =	vadd.f32 v5, v1;
	[tilespmem:s14+$0xFFFFFE80] =	vst v7;
	s14 =	smov.u32 s16  }
0xa6: {  	v7 =	vld [tilespmem:s16+$0xFFFFFE80];
	v8 =	vmul.f32 v9, v0;
	v6 =	vadd.f32 v6, v1;
	v2 =	vmul.f32 $1.442695020e+00, v2  }
0xa7: {  	v4 =	vadd.f32 v4, v1;
	v5 =	vmul.f32 $1.442695020e+00, v5;
	(erf) = vpow2.f32 v3  }
0xa8: {  	v3 =	vadd.f32 v8, v1;
	v6 =	vmul.f32 $1.442695020e+00, v6;
	(erf) = vpow2.f32 v2  }
0xa9: {  	v2 =	vmul.f32 $1.442695020e+00, v4;
	(erf) = vpow2.f32 v5  }
0xaa: {  	v5 =	vmul.f32 $1.442695020e+00, v3;
	(erf) = vpow2.f32 v6  }
0xab: {  	v4 =	vmul.f32 v7, v0;
	(erf) = vpow2.f32 v2  }
0xac: {  	(erf) = vpow2.f32 v5  }
0xad: {  	v2 =	vadd.f32 v4, v1;
	v3 =	vpop (erf)  }
0xae: {  	v3 =	vadd.f32 $1.000000000e+00, v3  }
0xaf: {  	v5 =	vmul.f32 $1.442695020e+00, v2  }
0xb0: {  	v4 =	vpop (erf);
	(erf) = vrcp.f32 v3  }
0xb1: {  	v6 =	vadd.f32 $1.000000000e+00, v4;
	(erf) = vpow2.f32 v5;
	v2 =	vpop (erf)  }
0xb2: {  	v2 =	vadd.f32 $1.000000000e+00, v2;
	v4 =	vpop (erf)  }
0xb3: {  	v4 =	vadd.f32 $1.000000000e+00, v4;
	(erf) = vrcp.f32 v6;
	v3 =	vpop (erf)  }
0xb4: {  	v3 =	vadd.f32 $1.000000000e+00, v3;
	v5 =	vpop (erf);
	(erf) = vrcp.f32 v2  }
0xb5: {  	v2 =	vadd.f32 $1.000000000e+00, v5;
	v5 =	vpop (erf);
	(erf) = vrcp.f32 v4  }
0xb6: {  	v4 =	vadd.f32 $1.000000000e+00, v5;
	(erf) = vrcp.f32 v3  }
0xb7: {  	(erf) = vrcp.f32 v2  }
0xb8: {  	(erf) = vrcp.f32 v4  }
0xb9: {  	v2 =	vpop (erf)  }
.Ltmp1:
0xba: {  	v2 =	vadd.f32 v2, v2;
	v3 =	vpop (erf);
	(pc) =	sbr.rel @p0 .LBB2_5-.Ltmp1, $4  }
0xbb: {  	v5 =	vadd.f32 $1.000000000e+00, v3  }
0xbc: {  	v2 =	vsub.f32 $1.000000000e+00, v2;
	v3 =	vpop (erf)  }
0xbd: {  	v3 =	vadd.f32 v3, v3;
	(erf) = vrcp.f32 v5;
	v4 =	vpop (erf)  }
0xbe: {  	s16 =	sadd.s32 $0x400, s16;
	[tilespmem:s14+$0xFFFFFF00] =	vst v2;
	v2 =	vadd.f32 v4, v4;
	v4 =	vpop (erf)  }
0xbf: {  	_ =	sdelay $0x2  }
0xc0: {  	v2 =	vsub.f32 $1.000000000e+00, v2  }
0xc1: {  	v0 =	vsub.f32 $1.000000000e+00, v3;
	v1 =	vadd.f32 v4, v4;
	v3 =	vpop (erf)  }
0xc2: {  	v3 =	vadd.f32 v3, v3;
	v4 =	vpop (erf)  }
0xc3: {  	[tilespmem:s14+$0xFFFFFE00] =	vst v0;
	v0 =	vadd.f32 v4, v4;
	v1 =	vsub.f32 $1.000000000e+00, v1;
	v4 =	vpop (erf)  }
0xc4: {  	v4 =	vadd.f32 v4, v4;
	v3 =	vsub.f32 $1.000000000e+00, v3;
	[tilespmem:s14+$0x180] =	vst v2;
	v2 =	vpop (erf)  }
0xc5: {  	v0 =	vsub.f32 $1.000000000e+00, v0;
	[tilespmem:s14+$0x100] =	vst v1;
	v1 =	vadd.f32 v2, v2  }
0xc6: {  	[tilespmem:s14+$0x80] =	vst v3;
	v2 =	vsub.f32 $1.000000000e+00, v4  }
0xc7: {  	[tilespmem:s14+$0x0] =	vst v0;
	v0 =	vsub.f32 $1.000000000e+00, v1  }
0xc8: {  	[tilespmem:s14+$0xFFFFFF80] =	vst v2  }
0xc9: {  	s31 =	sor.u32 $0x20, s13;
	[tilespmem:s14+$0xFFFFFE80] =	vst v0  }
0xca: {  	s14 =	simm.s32 $0x3A20;
	v0 =	vld [tilespmem:s31+$0x0]  }
0xcb: {  	v2 =	vld [tilespmem:s14+$0xFFFFFF00]  }
0xcc: {  	v1 =	vld [tilespmem:s13+$0x1C20]  }
0xcd: {  	v3 =	vld [tilespmem:s14+$0xFFFFFE00]  }
0xce: {  	v4 =	vld [tilespmem:s14+$0x180]  }
0xcf: {  	v5 =	vld [tilespmem:s14+$0x100]  }
0xd0: {  	v2 =	vmul.f32 v2, v0;
	_ =	sdelay $0x1  }
0xd1: {  	v6 =	vld [tilespmem:s14+$0x80];
	v3 =	vmul.f32 v3, v0;
	v2 =	vadd.f32 v2, v1  }
0xd2: {  	v4 =	vmul.f32 v4, v0  }
0xd3: {  	v8 =	vld [tilespmem:s14+$0xFFFFFF80];
	v5 =	vmul.f32 v5, v0;
	v3 =	vadd.f32 v3, v1;
	v2 =	vmul.f32 $1.442695020e+00, v2  }
0xd4: {  	v7 =	vld [tilespmem:s14+$0x0];
	v4 =	vadd.f32 v4, v1  }
0xd5: {  	(erf) = vpow2.f32 v2;
	v2 =	vmul.f32 $1.442695020e+00, v3;
	v3 =	vadd.f32 v5, v1  }
0xd6: {  	v4 =	vmul.f32 $1.442695020e+00, v4;
	v5 =	vmul.f32 v6, v0  }
0xd7: {  	v3 =	vmul.f32 $1.442695020e+00, v3;
	(erf) = vpow2.f32 v2  }
0xd8: {  	v6 =	vld [tilespmem:s14+$0xFFFFFE80];
	v5 =	vadd.f32 v5, v1;
	(erf) = vpow2.f32 v4;
	v4 =	vmul.f32 v8, v0  }
0xd9: {  	v2 =	vmul.f32 v7, v0  }
0xda: {  	(erf) = vpow2.f32 v3;
	v3 =	vadd.f32 v4, v1;
	v4 =	vmul.f32 $1.442695020e+00, v5  }
0xdb: {  	v2 =	vadd.f32 v2, v1;
	_ =	sdelay $0x1  }
0xdc: {  	v5 =	vmul.f32 v6, v0;
	v2 =	vmul.f32 $1.442695020e+00, v2  }
0xdd: {  	v3 =	vmul.f32 $1.442695020e+00, v3;
	(erf) = vpow2.f32 v4;
	v4 =	vpop (erf)  }
0xde: {  	v4 =	vadd.f32 $1.000000000e+00, v4  }
0xdf: {  	(erf) = vpow2.f32 v2;
	v2 =	vadd.f32 v5, v1;
	_ =	sdelay $0x1  }
0xe0: {  	(erf) = vpow2.f32 v3;
	v2 =	vmul.f32 $1.442695020e+00, v2;
	v3 =	vpop (erf)  }
0xe1: {  	(erf) = vrcp.f32 v4;
	v4 =	vpop (erf)  }
0xe2: {  	(erf) = vpow2.f32 v2;
	v2 =	vadd.f32 $1.000000000e+00, v4  }
0xe3: {  	v3 =	vadd.f32 $1.000000000e+00, v3  }
0xe4: {  	v4 =	vpop (erf)  }
0xe5: {  	(erf) = vrcp.f32 v3;
	v4 =	vadd.f32 $1.000000000e+00, v4  }
0xe6: {  	(erf) = vrcp.f32 v2;
	v2 =	vpop (erf)  }
0xe7: {  	v2 =	vadd.f32 $1.000000000e+00, v2  }
0xe8: {  	v3 =	vpop (erf)  }
0xe9: {  	(erf) = vrcp.f32 v4;
	v4 =	vpop (erf);
	v3 =	vadd.f32 $1.000000000e+00, v3  }
0xea: {  	v5 =	vpop (erf);
	v4 =	vadd.f32 $1.000000000e+00, v4;
	(erf) = vrcp.f32 v2  }
0xeb: {  	v2 =	vpop (erf);
	(erf) = vrcp.f32 v3  }
0xec: {  	(erf) = vrcp.f32 v4;
	_ =	sdelay $0x1  }
0xed: {  	v5 =	vadd.f32 v5, v5  }
0xee: {  	v2 =	vadd.f32 $1.000000000e+00, v2  }
0xef: {  	v5 =	vsub.f32 $1.000000000e+00, v5;
	v3 =	vpop (erf)  }
0xf0: {  	v4 =	vpop (erf);
	v3 =	vadd.f32 v3, v3;
	(erf) = vrcp.f32 v2  }
0xf1: {  	s15 =	simm.s32 $0x0;
	s16 =	simm.s32 $0x3E20;
	[tilespmem:s14+$0xFFFFFF00] =	vst v5;
	v2 =	vadd.f32 v4, v4;
	v4 =	vpop (erf)  }
.LBB2_7:
0xf2: {  	v5 =	vld [tilespmem:s16+$0xFFFFFF00];
	s15 =	sadd.s32 $0x8, s15;
	v3 =	vsub.f32 $1.000000000e+00, v3;
	v4 =	vadd.f32 v4, v4;
	v6 =	vpop (erf)  }
0xf3: {  	p0 =	slt.u32 s15, $0x38;
	v6 =	vadd.f32 v6, v6;
	v2 =	vsub.f32 $1.000000000e+00, v2;
	v7 =	vpop (erf)  }
0xf4: {  	[tilespmem:s14+$0xFFFFFE00] =	vst v3;
	v3 =	vadd.f32 v7, v7;
	v4 =	vsub.f32 $1.000000000e+00, v4;
	v7 =	vpop (erf)  }
0xf5: {  	v8 =	vld [tilespmem:s16+$0xFFFFFE00];
	v7 =	vadd.f32 v7, v7;
	v6 =	vsub.f32 $1.000000000e+00, v6;
	[tilespmem:s14+$0x180] =	vst v2  }
0xf6: {  	v2 =	vld [tilespmem:s16+$0x180];
	v3 =	vsub.f32 $1.000000000e+00, v3;
	[tilespmem:s14+$0x100] =	vst v4  }
0xf7: {  	v4 =	vmul.f32 v5, v0;
	v5 =	vld [tilespmem:s16+$0x100];
	v9 =	vsub.f32 $1.000000000e+00, v7;
	[tilespmem:s14+$0x80] =	vst v6  }
0xf8: {  	v6 =	vld [tilespmem:s16+$0x80];
	[tilespmem:s14+$0x0] =	vst v3  }
0xf9: {  	v3 =	vadd.f32 v4, v1;
	v4 =	vld [tilespmem:s16+$0x0];
	[tilespmem:s14+$0xFFFFFF80] =	vst v9;
	v7 =	vpop (erf)  }
0xfa: {  	v8 =	vmul.f32 v8, v0;
	v9 =	vld [tilespmem:s16+$0xFFFFFF80];
	v7 =	vadd.f32 v7, v7  }
0xfb: {  	v3 =	vmul.f32 $1.442695020e+00, v3;
	v2 =	vmul.f32 v2, v0  }
0xfc: {  	v8 =	vadd.f32 v8, v1;
	v5 =	vmul.f32 v5, v0;
	v7 =	vsub.f32 $1.000000000e+00, v7  }
0xfd: {  	v6 =	vmul.f32 v6, v0;
	v2 =	vadd.f32 v2, v1;
	(erf) = vpow2.f32 v3  }
0xfe: {  	v3 =	vmul.f32 $1.442695020e+00, v8;
	v4 =	vmul.f32 v4, v0;
	v5 =	vadd.f32 v5, v1;
	[tilespmem:s14+$0xFFFFFE80] =	vst v7;
	s14 =	smov.u32 s16  }
0xff: {  	v7 =	vld [tilespmem:s16+$0xFFFFFE80];
	v8 =	vmul.f32 v9, v0;
	v6 =	vadd.f32 v6, v1;
	v2 =	vmul.f32 $1.442695020e+00, v2  }
0x100: {  	v4 =	vadd.f32 v4, v1;
	v5 =	vmul.f32 $1.442695020e+00, v5;
	(erf) = vpow2.f32 v3  }
0x101: {  	v3 =	vadd.f32 v8, v1;
	v6 =	vmul.f32 $1.442695020e+00, v6;
	(erf) = vpow2.f32 v2  }
0x102: {  	v2 =	vmul.f32 $1.442695020e+00, v4;
	(erf) = vpow2.f32 v5  }
0x103: {  	v5 =	vmul.f32 $1.442695020e+00, v3;
	(erf) = vpow2.f32 v6  }
0x104: {  	v4 =	vmul.f32 v7, v0;
	(erf) = vpow2.f32 v2  }
0x105: {  	(erf) = vpow2.f32 v5  }
0x106: {  	v2 =	vadd.f32 v4, v1;
	v3 =	vpop (erf)  }
0x107: {  	v3 =	vadd.f32 $1.000000000e+00, v3  }
0x108: {  	v5 =	vmul.f32 $1.442695020e+00, v2  }
0x109: {  	v4 =	vpop (erf);
	(erf) = vrcp.f32 v3  }
0x10a: {  	v6 =	vadd.f32 $1.000000000e+00, v4;
	(erf) = vpow2.f32 v5;
	v2 =	vpop (erf)  }
0x10b: {  	v2 =	vadd.f32 $1.000000000e+00, v2;
	v4 =	vpop (erf)  }
0x10c: {  	v4 =	vadd.f32 $1.000000000e+00, v4;
	(erf) = vrcp.f32 v6;
	v3 =	vpop (erf)  }
0x10d: {  	v3 =	vadd.f32 $1.000000000e+00, v3;
	v5 =	vpop (erf);
	(erf) = vrcp.f32 v2  }
0x10e: {  	v2 =	vadd.f32 $1.000000000e+00, v5;
	v5 =	vpop (erf);
	(erf) = vrcp.f32 v4  }
0x10f: {  	v4 =	vadd.f32 $1.000000000e+00, v5;
	(erf) = vrcp.f32 v3  }
0x110: {  	(erf) = vrcp.f32 v2  }
0x111: {  	(erf) = vrcp.f32 v4  }
0x112: {  	v2 =	vpop (erf)  }
.Ltmp2:
0x113: {  	v2 =	vadd.f32 v2, v2;
	v3 =	vpop (erf);
	(pc) =	sbr.rel @p0 .LBB2_7-.Ltmp2, $4  }
0x114: {  	v5 =	vadd.f32 $1.000000000e+00, v3  }
0x115: {  	v2 =	vsub.f32 $1.000000000e+00, v2;
	v3 =	vpop (erf)  }
0x116: {  	v3 =	vadd.f32 v3, v3;
	(erf) = vrcp.f32 v5;
	v4 =	vpop (erf)  }
0x117: {  	s16 =	sadd.s32 $0x400, s16;
	[tilespmem:s14+$0xFFFFFF00] =	vst v2;
	v2 =	vadd.f32 v4, v4;
	v4 =	vpop (erf)  }
0x118: {  	_ =	sdelay $0x2  }
0x119: {  	v2 =	vsub.f32 $1.000000000e+00, v2  }
0x11a: {  	v0 =	vsub.f32 $1.000000000e+00, v3;
	v1 =	vadd.f32 v4, v4;
	v3 =	vpop (erf)  }
0x11b: {  	v3 =	vadd.f32 v3, v3;
	v4 =	vpop (erf)  }
0x11c: {  	[tilespmem:s14+$0xFFFFFE00] =	vst v0;
	v0 =	vadd.f32 v4, v4;
	v1 =	vsub.f32 $1.000000000e+00, v1;
	v4 =	vpop (erf)  }
0x11d: {  	v4 =	vadd.f32 v4, v4;
	v3 =	vsub.f32 $1.000000000e+00, v3;
	[tilespmem:s14+$0x180] =	vst v2;
	v2 =	vpop (erf)  }
0x11e: {  	v0 =	vsub.f32 $1.000000000e+00, v0;
	[tilespmem:s14+$0x100] =	vst v1;
	v1 =	vadd.f32 v2, v2  }
0x11f: {  	[tilespmem:s14+$0x80] =	vst v3;
	v2 =	vsub.f32 $1.000000000e+00, v4  }
0x120: {  	[tilespmem:s14+$0x0] =	vst v0;
	v0 =	vsub.f32 $1.000000000e+00, v1  }
0x121: {  	[tilespmem:s14+$0xFFFFFF80] =	vst v2  }
0x122: {  	s31 =	sor.u32 $0x30, s13;
	[tilespmem:s14+$0xFFFFFE80] =	vst v0  }
0x123: {  	s14 =	simm.s32 $0x3A30;
	v0 =	vld [tilespmem:s31+$0x0]  }
0x124: {  	v2 =	vld [tilespmem:s14+$0xFFFFFF00]  }
0x125: {  	v1 =	vld [tilespmem:s13+$0x1C30]  }
0x126: {  	v3 =	vld [tilespmem:s14+$0xFFFFFE00]  }
0x127: {  	v4 =	vld [tilespmem:s14+$0x180]  }
0x128: {  	v5 =	vld [tilespmem:s14+$0x100]  }
0x129: {  	v2 =	vmul.f32 v2, v0;
	_ =	sdelay $0x1  }
0x12a: {  	v6 =	vld [tilespmem:s14+$0x80];
	v3 =	vmul.f32 v3, v0;
	v2 =	vadd.f32 v2, v1  }
0x12b: {  	v4 =	vmul.f32 v4, v0  }
0x12c: {  	v8 =	vld [tilespmem:s14+$0xFFFFFF80];
	v5 =	vmul.f32 v5, v0;
	v3 =	vadd.f32 v3, v1;
	v2 =	vmul.f32 $1.442695020e+00, v2  }
0x12d: {  	v7 =	vld [tilespmem:s14+$0x0];
	v4 =	vadd.f32 v4, v1  }
0x12e: {  	(erf) = vpow2.f32 v2;
	v2 =	vmul.f32 $1.442695020e+00, v3;
	v3 =	vadd.f32 v5, v1  }
0x12f: {  	v4 =	vmul.f32 $1.442695020e+00, v4;
	v5 =	vmul.f32 v6, v0  }
0x130: {  	v3 =	vmul.f32 $1.442695020e+00, v3;
	(erf) = vpow2.f32 v2  }
0x131: {  	v6 =	vld [tilespmem:s14+$0xFFFFFE80];
	v5 =	vadd.f32 v5, v1;
	(erf) = vpow2.f32 v4;
	v4 =	vmul.f32 v8, v0  }
0x132: {  	v2 =	vmul.f32 v7, v0  }
0x133: {  	(erf) = vpow2.f32 v3;
	v3 =	vadd.f32 v4, v1;
	v4 =	vmul.f32 $1.442695020e+00, v5  }
0x134: {  	v2 =	vadd.f32 v2, v1;
	_ =	sdelay $0x1  }
0x135: {  	v5 =	vmul.f32 v6, v0;
	v2 =	vmul.f32 $1.442695020e+00, v2  }
0x136: {  	v3 =	vmul.f32 $1.442695020e+00, v3;
	(erf) = vpow2.f32 v4;
	v4 =	vpop (erf)  }
0x137: {  	v4 =	vadd.f32 $1.000000000e+00, v4  }
0x138: {  	(erf) = vpow2.f32 v2;
	v2 =	vadd.f32 v5, v1;
	_ =	sdelay $0x1  }
0x139: {  	(erf) = vpow2.f32 v3;
	v2 =	vmul.f32 $1.442695020e+00, v2;
	v3 =	vpop (erf)  }
0x13a: {  	(erf) = vrcp.f32 v4;
	v4 =	vpop (erf)  }
0x13b: {  	(erf) = vpow2.f32 v2;
	v2 =	vadd.f32 $1.000000000e+00, v4  }
0x13c: {  	v3 =	vadd.f32 $1.000000000e+00, v3  }
0x13d: {  	v4 =	vpop (erf)  }
0x13e: {  	(erf) = vrcp.f32 v3;
	v4 =	vadd.f32 $1.000000000e+00, v4  }
0x13f: {  	(erf) = vrcp.f32 v2;
	v2 =	vpop (erf)  }
0x140: {  	v2 =	vadd.f32 $1.000000000e+00, v2  }
0x141: {  	v3 =	vpop (erf)  }
0x142: {  	(erf) = vrcp.f32 v4;
	v4 =	vpop (erf);
	v3 =	vadd.f32 $1.000000000e+00, v3  }
0x143: {  	v5 =	vpop (erf);
	v4 =	vadd.f32 $1.000000000e+00, v4;
	(erf) = vrcp.f32 v2  }
0x144: {  	v2 =	vpop (erf);
	(erf) = vrcp.f32 v3  }
0x145: {  	(erf) = vrcp.f32 v4;
	_ =	sdelay $0x1  }
0x146: {  	v5 =	vadd.f32 v5, v5  }
0x147: {  	v2 =	vadd.f32 $1.000000000e+00, v2  }
0x148: {  	v5 =	vsub.f32 $1.000000000e+00, v5;
	v3 =	vpop (erf)  }
0x149: {  	v4 =	vpop (erf);
	v3 =	vadd.f32 v3, v3;
	(erf) = vrcp.f32 v2  }
0x14a: {  	s15 =	simm.s32 $0x0;
	s16 =	simm.s32 $0x3E30;
	[tilespmem:s14+$0xFFFFFF00] =	vst v5;
	v2 =	vadd.f32 v4, v4;
	v4 =	vpop (erf)  }
.LBB2_9:
0x14b: {  	v5 =	vld [tilespmem:s16+$0xFFFFFF00];
	s15 =	sadd.s32 $0x8, s15;
	v3 =	vsub.f32 $1.000000000e+00, v3;
	v4 =	vadd.f32 v4, v4;
	v6 =	vpop (erf)  }
0x14c: {  	p0 =	slt.u32 s15, $0x38;
	v6 =	vadd.f32 v6, v6;
	v2 =	vsub.f32 $1.000000000e+00, v2;
	v7 =	vpop (erf)  }
0x14d: {  	[tilespmem:s14+$0xFFFFFE00] =	vst v3;
	v3 =	vadd.f32 v7, v7;
	v4 =	vsub.f32 $1.000000000e+00, v4;
	v7 =	vpop (erf)  }
0x14e: {  	v8 =	vld [tilespmem:s16+$0xFFFFFE00];
	v7 =	vadd.f32 v7, v7;
	v6 =	vsub.f32 $1.000000000e+00, v6;
	[tilespmem:s14+$0x180] =	vst v2  }
0x14f: {  	v2 =	vld [tilespmem:s16+$0x180];
	v3 =	vsub.f32 $1.000000000e+00, v3;
	[tilespmem:s14+$0x100] =	vst v4  }
0x150: {  	v4 =	vmul.f32 v5, v0;
	v5 =	vld [tilespmem:s16+$0x100];
	v9 =	vsub.f32 $1.000000000e+00, v7;
	[tilespmem:s14+$0x80] =	vst v6  }
0x151: {  	v6 =	vld [tilespmem:s16+$0x80];
	[tilespmem:s14+$0x0] =	vst v3  }
0x152: {  	v3 =	vadd.f32 v4, v1;
	v4 =	vld [tilespmem:s16+$0x0];
	[tilespmem:s14+$0xFFFFFF80] =	vst v9;
	v7 =	vpop (erf)  }
0x153: {  	v8 =	vmul.f32 v8, v0;
	v9 =	vld [tilespmem:s16+$0xFFFFFF80];
	v7 =	vadd.f32 v7, v7  }
0x154: {  	v3 =	vmul.f32 $1.442695020e+00, v3;
	v2 =	vmul.f32 v2, v0  }
0x155: {  	v8 =	vadd.f32 v8, v1;
	v5 =	vmul.f32 v5, v0;
	v7 =	vsub.f32 $1.000000000e+00, v7  }
0x156: {  	v6 =	vmul.f32 v6, v0;
	v2 =	vadd.f32 v2, v1;
	(erf) = vpow2.f32 v3  }
0x157: {  	v3 =	vmul.f32 $1.442695020e+00, v8;
	v4 =	vmul.f32 v4, v0;
	v5 =	vadd.f32 v5, v1;
	[tilespmem:s14+$0xFFFFFE80] =	vst v7;
	s14 =	smov.u32 s16  }
0x158: {  	v7 =	vld [tilespmem:s16+$0xFFFFFE80];
	v8 =	vmul.f32 v9, v0;
	v6 =	vadd.f32 v6, v1;
	v2 =	vmul.f32 $1.442695020e+00, v2  }
0x159: {  	v4 =	vadd.f32 v4, v1;
	v5 =	vmul.f32 $1.442695020e+00, v5;
	(erf) = vpow2.f32 v3  }
0x15a: {  	v3 =	vadd.f32 v8, v1;
	v6 =	vmul.f32 $1.442695020e+00, v6;
	(erf) = vpow2.f32 v2  }
0x15b: {  	v2 =	vmul.f32 $1.442695020e+00, v4;
	(erf) = vpow2.f32 v5  }
0x15c: {  	v5 =	vmul.f32 $1.442695020e+00, v3;
	(erf) = vpow2.f32 v6  }
0x15d: {  	v4 =	vmul.f32 v7, v0;
	(erf) = vpow2.f32 v2  }
0x15e: {  	(erf) = vpow2.f32 v5  }
0x15f: {  	v2 =	vadd.f32 v4, v1;
	v3 =	vpop (erf)  }
0x160: {  	v3 =	vadd.f32 $1.000000000e+00, v3  }
0x161: {  	v5 =	vmul.f32 $1.442695020e+00, v2  }
0x162: {  	v4 =	vpop (erf);
	(erf) = vrcp.f32 v3  }
0x163: {  	v6 =	vadd.f32 $1.000000000e+00, v4;
	(erf) = vpow2.f32 v5;
	v2 =	vpop (erf)  }
0x164: {  	v2 =	vadd.f32 $1.000000000e+00, v2;
	v4 =	vpop (erf)  }
0x165: {  	v4 =	vadd.f32 $1.000000000e+00, v4;
	(erf) = vrcp.f32 v6;
	v3 =	vpop (erf)  }
0x166: {  	v3 =	vadd.f32 $1.000000000e+00, v3;
	v5 =	vpop (erf);
	(erf) = vrcp.f32 v2  }
0x167: {  	v2 =	vadd.f32 $1.000000000e+00, v5;
	v5 =	vpop (erf);
	(erf) = vrcp.f32 v4  }
0x168: {  	v4 =	vadd.f32 $1.000000000e+00, v5;
	(erf) = vrcp.f32 v3  }
0x169: {  	(erf) = vrcp.f32 v2  }
0x16a: {  	(erf) = vrcp.f32 v4  }
0x16b: {  	v2 =	vpop (erf)  }
.Ltmp3:
0x16c: {  	v2 =	vadd.f32 v2, v2;
	v3 =	vpop (erf);
	(pc) =	sbr.rel @p0 .LBB2_9-.Ltmp3, $4  }
0x16d: {  	v5 =	vadd.f32 $1.000000000e+00, v3  }
0x16e: {  	v2 =	vsub.f32 $1.000000000e+00, v2;
	v3 =	vpop (erf)  }
0x16f: {  	v3 =	vadd.f32 v3, v3;
	(erf) = vrcp.f32 v5;
	v4 =	vpop (erf)  }
0x170: {  	s16 =	sadd.s32 $0x400, s16;
	[tilespmem:s14+$0xFFFFFF00] =	vst v2;
	v2 =	vadd.f32 v4, v4;
	v4 =	vpop (erf)  }
0x171: {  	_ =	sdelay $0x2  }
0x172: {  	v2 =	vsub.f32 $1.000000000e+00, v2  }
0x173: {  	v0 =	vsub.f32 $1.000000000e+00, v3;
	v1 =	vadd.f32 v4, v4;
	v3 =	vpop (erf)  }
0x174: {  	v3 =	vadd.f32 v3, v3;
	v4 =	vpop (erf)  }
0x175: {  	[tilespmem:s14+$0xFFFFFE00] =	vst v0;
	v0 =	vadd.f32 v4, v4;
	v1 =	vsub.f32 $1.000000000e+00, v1;
	v4 =	vpop (erf)  }
0x176: {  	v4 =	vadd.f32 v4, v4;
	v3 =	vsub.f32 $1.000000000e+00, v3;
	[tilespmem:s14+$0x180] =	vst v2;
	v2 =	vpop (erf)  }
0x177: {  	v0 =	vsub.f32 $1.000000000e+00, v0;
	[tilespmem:s14+$0x100] =	vst v1;
	v1 =	vadd.f32 v2, v2  }
0x178: {  	[tilespmem:s14+$0x80] =	vst v3;
	v2 =	vsub.f32 $1.000000000e+00, v4  }
0x179: {  	[tilespmem:s14+$0x0] =	vst v0;
	v0 =	vsub.f32 $1.000000000e+00, v1  }
0x17a: {  	[tilespmem:s14+$0xFFFFFF80] =	vst v2  }
0x17b: {  	s31 =	sor.u32 $0x40, s13;
	[tilespmem:s14+$0xFFFFFE80] =	vst v0  }
0x17c: {  	s14 =	simm.s32 $0x3A40;
	v0 =	vld [tilespmem:s31+$0x0]  }
0x17d: {  	v2 =	vld [tilespmem:s14+$0xFFFFFF00]  }
0x17e: {  	v1 =	vld [tilespmem:s13+$0x1C40]  }
0x17f: {  	v3 =	vld [tilespmem:s14+$0xFFFFFE00]  }
0x180: {  	v4 =	vld [tilespmem:s14+$0x180]  }
0x181: {  	v5 =	vld [tilespmem:s14+$0x100]  }
0x182: {  	v2 =	vmul.f32 v2, v0;
	_ =	sdelay $0x1  }
0x183: {  	v6 =	vld [tilespmem:s14+$0x80];
	v3 =	vmul.f32 v3, v0;
	v2 =	vadd.f32 v2, v1  }
0x184: {  	v4 =	vmul.f32 v4, v0  }
0x185: {  	v8 =	vld [tilespmem:s14+$0xFFFFFF80];
	v5 =	vmul.f32 v5, v0;
	v3 =	vadd.f32 v3, v1;
	v2 =	vmul.f32 $1.442695020e+00, v2  }
0x186: {  	v7 =	vld [tilespmem:s14+$0x0];
	v4 =	vadd.f32 v4, v1  }
0x187: {  	(erf) = vpow2.f32 v2;
	v2 =	vmul.f32 $1.442695020e+00, v3;
	v3 =	vadd.f32 v5, v1  }
0x188: {  	v4 =	vmul.f32 $1.442695020e+00, v4;
	v5 =	vmul.f32 v6, v0  }
0x189: {  	v3 =	vmul.f32 $1.442695020e+00, v3;
	(erf) = vpow2.f32 v2  }
0x18a: {  	v6 =	vld [tilespmem:s14+$0xFFFFFE80];
	v5 =	vadd.f32 v5, v1;
	(erf) = vpow2.f32 v4;
	v4 =	vmul.f32 v8, v0  }
0x18b: {  	v2 =	vmul.f32 v7, v0  }
0x18c: {  	(erf) = vpow2.f32 v3;
	v3 =	vadd.f32 v4, v1;
	v4 =	vmul.f32 $1.442695020e+00, v5  }
0x18d: {  	v2 =	vadd.f32 v2, v1;
	_ =	sdelay $0x1  }
0x18e: {  	v5 =	vmul.f32 v6, v0;
	v2 =	vmul.f32 $1.442695020e+00, v2  }
0x18f: {  	v3 =	vmul.f32 $1.442695020e+00, v3;
	(erf) = vpow2.f32 v4;
	v4 =	vpop (erf)  }
0x190: {  	v4 =	vadd.f32 $1.000000000e+00, v4  }
0x191: {  	(erf) = vpow2.f32 v2;
	v2 =	vadd.f32 v5, v1;
	_ =	sdelay $0x1  }
0x192: {  	(erf) = vpow2.f32 v3;
	v2 =	vmul.f32 $1.442695020e+00, v2;
	v3 =	vpop (erf)  }
0x193: {  	(erf) = vrcp.f32 v4;
	v4 =	vpop (erf)  }
0x194: {  	(erf) = vpow2.f32 v2;
	v2 =	vadd.f32 $1.000000000e+00, v4  }
0x195: {  	v3 =	vadd.f32 $1.000000000e+00, v3  }
0x196: {  	v4 =	vpop (erf)  }
0x197: {  	(erf) = vrcp.f32 v3;
	v4 =	vadd.f32 $1.000000000e+00, v4  }
0x198: {  	(erf) = vrcp.f32 v2;
	v2 =	vpop (erf)  }
0x199: {  	v2 =	vadd.f32 $1.000000000e+00, v2  }
0x19a: {  	v3 =	vpop (erf)  }
0x19b: {  	(erf) = vrcp.f32 v4;
	v4 =	vpop (erf);
	v3 =	vadd.f32 $1.000000000e+00, v3  }
0x19c: {  	v5 =	vpop (erf);
	v4 =	vadd.f32 $1.000000000e+00, v4;
	(erf) = vrcp.f32 v2  }
0x19d: {  	v2 =	vpop (erf);
	(erf) = vrcp.f32 v3  }
0x19e: {  	(erf) = vrcp.f32 v4;
	_ =	sdelay $0x1  }
0x19f: {  	v5 =	vadd.f32 v5, v5  }
0x1a0: {  	v2 =	vadd.f32 $1.000000000e+00, v2  }
0x1a1: {  	v5 =	vsub.f32 $1.000000000e+00, v5;
	v3 =	vpop (erf)  }
0x1a2: {  	v4 =	vpop (erf);
	v3 =	vadd.f32 v3, v3;
	(erf) = vrcp.f32 v2  }
0x1a3: {  	s15 =	simm.s32 $0x0;
	s16 =	simm.s32 $0x3E40;
	[tilespmem:s14+$0xFFFFFF00] =	vst v5;
	v2 =	vadd.f32 v4, v4;
	v4 =	vpop (erf)  }
.LBB2_11:
0x1a4: {  	v5 =	vld [tilespmem:s16+$0xFFFFFF00];
	s15 =	sadd.s32 $0x8, s15;
	v3 =	vsub.f32 $1.000000000e+00, v3;
	v4 =	vadd.f32 v4, v4;
	v6 =	vpop (erf)  }
0x1a5: {  	p0 =	slt.u32 s15, $0x38;
	v6 =	vadd.f32 v6, v6;
	v2 =	vsub.f32 $1.000000000e+00, v2;
	v7 =	vpop (erf)  }
0x1a6: {  	[tilespmem:s14+$0xFFFFFE00] =	vst v3;
	v3 =	vadd.f32 v7, v7;
	v4 =	vsub.f32 $1.000000000e+00, v4;
	v7 =	vpop (erf)  }
0x1a7: {  	v8 =	vld [tilespmem:s16+$0xFFFFFE00];
	v7 =	vadd.f32 v7, v7;
	v6 =	vsub.f32 $1.000000000e+00, v6;
	[tilespmem:s14+$0x180] =	vst v2  }
0x1a8: {  	v2 =	vld [tilespmem:s16+$0x180];
	v3 =	vsub.f32 $1.000000000e+00, v3;
	[tilespmem:s14+$0x100] =	vst v4  }
0x1a9: {  	v4 =	vmul.f32 v5, v0;
	v5 =	vld [tilespmem:s16+$0x100];
	v9 =	vsub.f32 $1.000000000e+00, v7;
	[tilespmem:s14+$0x80] =	vst v6  }
0x1aa: {  	v6 =	vld [tilespmem:s16+$0x80];
	[tilespmem:s14+$0x0] =	vst v3  }
0x1ab: {  	v3 =	vadd.f32 v4, v1;
	v4 =	vld [tilespmem:s16+$0x0];
	[tilespmem:s14+$0xFFFFFF80] =	vst v9;
	v7 =	vpop (erf)  }
0x1ac: {  	v8 =	vmul.f32 v8, v0;
	v9 =	vld [tilespmem:s16+$0xFFFFFF80];
	v7 =	vadd.f32 v7, v7  }
0x1ad: {  	v3 =	vmul.f32 $1.442695020e+00, v3;
	v2 =	vmul.f32 v2, v0  }
0x1ae: {  	v8 =	vadd.f32 v8, v1;
	v5 =	vmul.f32 v5, v0;
	v7 =	vsub.f32 $1.000000000e+00, v7  }
0x1af: {  	v6 =	vmul.f32 v6, v0;
	v2 =	vadd.f32 v2, v1;
	(erf) = vpow2.f32 v3  }
0x1b0: {  	v3 =	vmul.f32 $1.442695020e+00, v8;
	v4 =	vmul.f32 v4, v0;
	v5 =	vadd.f32 v5, v1;
	[tilespmem:s14+$0xFFFFFE80] =	vst v7;
	s14 =	smov.u32 s16  }
0x1b1: {  	v7 =	vld [tilespmem:s16+$0xFFFFFE80];
	v8 =	vmul.f32 v9, v0;
	v6 =	vadd.f32 v6, v1;
	v2 =	vmul.f32 $1.442695020e+00, v2  }
0x1b2: {  	v4 =	vadd.f32 v4, v1;
	v5 =	vmul.f32 $1.442695020e+00, v5;
	(erf) = vpow2.f32 v3  }
0x1b3: {  	v3 =	vadd.f32 v8, v1;
	v6 =	vmul.f32 $1.442695020e+00, v6;
	(erf) = vpow2.f32 v2  }
0x1b4: {  	v2 =	vmul.f32 $1.442695020e+00, v4;
	(erf) = vpow2.f32 v5  }
0x1b5: {  	v5 =	vmul.f32 $1.442695020e+00, v3;
	(erf) = vpow2.f32 v6  }
0x1b6: {  	v4 =	vmul.f32 v7, v0;
	(erf) = vpow2.f32 v2  }
0x1b7: {  	(erf) = vpow2.f32 v5  }
0x1b8: {  	v2 =	vadd.f32 v4, v1;
	v3 =	vpop (erf)  }
0x1b9: {  	v3 =	vadd.f32 $1.000000000e+00, v3  }
0x1ba: {  	v5 =	vmul.f32 $1.442695020e+00, v2  }
0x1bb: {  	v4 =	vpop (erf);
	(erf) = vrcp.f32 v3  }
0x1bc: {  	v6 =	vadd.f32 $1.000000000e+00, v4;
	(erf) = vpow2.f32 v5;
	v2 =	vpop (erf)  }
0x1bd: {  	v2 =	vadd.f32 $1.000000000e+00, v2;
	v4 =	vpop (erf)  }
0x1be: {  	v4 =	vadd.f32 $1.000000000e+00, v4;
	(erf) = vrcp.f32 v6;
	v3 =	vpop (erf)  }
0x1bf: {  	v3 =	vadd.f32 $1.000000000e+00, v3;
	v5 =	vpop (erf);
	(erf) = vrcp.f32 v2  }
0x1c0: {  	v2 =	vadd.f32 $1.000000000e+00, v5;
	v5 =	vpop (erf);
	(erf) = vrcp.f32 v4  }
0x1c1: {  	v4 =	vadd.f32 $1.000000000e+00, v5;
	(erf) = vrcp.f32 v3  }
0x1c2: {  	(erf) = vrcp.f32 v2  }
0x1c3: {  	(erf) = vrcp.f32 v4  }
0x1c4: {  	v2 =	vpop (erf)  }
.Ltmp4:
0x1c5: {  	v2 =	vadd.f32 v2, v2;
	v3 =	vpop (erf);
	(pc) =	sbr.rel @p0 .LBB2_11-.Ltmp4, $4  }
0x1c6: {  	v5 =	vadd.f32 $1.000000000e+00, v3  }
0x1c7: {  	v2 =	vsub.f32 $1.000000000e+00, v2;
	v3 =	vpop (erf)  }
0x1c8: {  	v3 =	vadd.f32 v3, v3;
	(erf) = vrcp.f32 v5;
	v4 =	vpop (erf)  }
0x1c9: {  	s16 =	sadd.s32 $0x400, s16;
	[tilespmem:s14+$0xFFFFFF00] =	vst v2;
	v2 =	vadd.f32 v4, v4;
	v4 =	vpop (erf)  }
0x1ca: {  	_ =	sdelay $0x2  }
0x1cb: {  	v2 =	vsub.f32 $1.000000000e+00, v2  }
0x1cc: {  	v0 =	vsub.f32 $1.000000000e+00, v3;
	v1 =	vadd.f32 v4, v4;
	v3 =	vpop (erf)  }
0x1cd: {  	v3 =	vadd.f32 v3, v3;
	v4 =	vpop (erf)  }
0x1ce: {  	[tilespmem:s14+$0xFFFFFE00] =	vst v0;
	v0 =	vadd.f32 v4, v4;
	v1 =	vsub.f32 $1.000000000e+00, v1;
	v4 =	vpop (erf)  }
0x1cf: {  	v4 =	vadd.f32 v4, v4;
	v3 =	vsub.f32 $1.000000000e+00, v3;
	[tilespmem:s14+$0x180] =	vst v2;
	v2 =	vpop (erf)  }
0x1d0: {  	v0 =	vsub.f32 $1.000000000e+00, v0;
	[tilespmem:s14+$0x100] =	vst v1;
	v1 =	vadd.f32 v2, v2  }
0x1d1: {  	[tilespmem:s14+$0x80] =	vst v3;
	v2 =	vsub.f32 $1.000000000e+00, v4  }
0x1d2: {  	[tilespmem:s14+$0x0] =	vst v0;
	v0 =	vsub.f32 $1.000000000e+00, v1  }
0x1d3: {  	[tilespmem:s14+$0xFFFFFF80] =	vst v2  }
0x1d4: {  	s31 =	sor.u32 $0x50, s13;
	[tilespmem:s14+$0xFFFFFE80] =	vst v0  }
0x1d5: {  	s14 =	simm.s32 $0x3A50;
	v0 =	vld [tilespmem:s31+$0x0]  }
0x1d6: {  	v2 =	vld [tilespmem:s14+$0xFFFFFF00]  }
0x1d7: {  	v1 =	vld [tilespmem:s13+$0x1C50]  }
0x1d8: {  	v3 =	vld [tilespmem:s14+$0xFFFFFE00]  }
0x1d9: {  	v4 =	vld [tilespmem:s14+$0x180]  }
0x1da: {  	v5 =	vld [tilespmem:s14+$0x100]  }
0x1db: {  	v2 =	vmul.f32 v2, v0;
	_ =	sdelay $0x1  }
0x1dc: {  	v6 =	vld [tilespmem:s14+$0x80];
	v3 =	vmul.f32 v3, v0;
	v2 =	vadd.f32 v2, v1  }
0x1dd: {  	v4 =	vmul.f32 v4, v0  }
0x1de: {  	v8 =	vld [tilespmem:s14+$0xFFFFFF80];
	v5 =	vmul.f32 v5, v0;
	v3 =	vadd.f32 v3, v1;
	v2 =	vmul.f32 $1.442695020e+00, v2  }
0x1df: {  	v7 =	vld [tilespmem:s14+$0x0];
	v4 =	vadd.f32 v4, v1  }
0x1e0: {  	(erf) = vpow2.f32 v2;
	v2 =	vmul.f32 $1.442695020e+00, v3;
	v3 =	vadd.f32 v5, v1  }
0x1e1: {  	v4 =	vmul.f32 $1.442695020e+00, v4;
	v5 =	vmul.f32 v6, v0  }
0x1e2: {  	v3 =	vmul.f32 $1.442695020e+00, v3;
	(erf) = vpow2.f32 v2  }
0x1e3: {  	v6 =	vld [tilespmem:s14+$0xFFFFFE80];
	v5 =	vadd.f32 v5, v1;
	(erf) = vpow2.f32 v4;
	v4 =	vmul.f32 v8, v0  }
0x1e4: {  	v2 =	vmul.f32 v7, v0  }
0x1e5: {  	(erf) = vpow2.f32 v3;
	v3 =	vadd.f32 v4, v1;
	v4 =	vmul.f32 $1.442695020e+00, v5  }
0x1e6: {  	v2 =	vadd.f32 v2, v1;
	_ =	sdelay $0x1  }
0x1e7: {  	v5 =	vmul.f32 v6, v0;
	v2 =	vmul.f32 $1.442695020e+00, v2  }
0x1e8: {  	v3 =	vmul.f32 $1.442695020e+00, v3;
	(erf) = vpow2.f32 v4;
	v4 =	vpop (erf)  }
0x1e9: {  	v4 =	vadd.f32 $1.000000000e+00, v4  }
0x1ea: {  	(erf) = vpow2.f32 v2;
	v2 =	vadd.f32 v5, v1;
	_ =	sdelay $0x1  }
0x1eb: {  	(erf) = vpow2.f32 v3;
	v2 =	vmul.f32 $1.442695020e+00, v2;
	v3 =	vpop (erf)  }
0x1ec: {  	(erf) = vrcp.f32 v4;
	v4 =	vpop (erf)  }
0x1ed: {  	(erf) = vpow2.f32 v2;
	v2 =	vadd.f32 $1.000000000e+00, v4  }
0x1ee: {  	v3 =	vadd.f32 $1.000000000e+00, v3  }
0x1ef: {  	v4 =	vpop (erf)  }
0x1f0: {  	(erf) = vrcp.f32 v3;
	v4 =	vadd.f32 $1.000000000e+00, v4  }
0x1f1: {  	(erf) = vrcp.f32 v2;
	v2 =	vpop (erf)  }
0x1f2: {  	v2 =	vadd.f32 $1.000000000e+00, v2  }
0x1f3: {  	v3 =	vpop (erf)  }
0x1f4: {  	(erf) = vrcp.f32 v4;
	v4 =	vpop (erf);
	v3 =	vadd.f32 $1.000000000e+00, v3  }
0x1f5: {  	v5 =	vpop (erf);
	v4 =	vadd.f32 $1.000000000e+00, v4;
	(erf) = vrcp.f32 v2  }
0x1f6: {  	v2 =	vpop (erf);
	(erf) = vrcp.f32 v3  }
0x1f7: {  	(erf) = vrcp.f32 v4;
	_ =	sdelay $0x1  }
0x1f8: {  	v5 =	vadd.f32 v5, v5  }
0x1f9: {  	v2 =	vadd.f32 $1.000000000e+00, v2  }
0x1fa: {  	v5 =	vsub.f32 $1.000000000e+00, v5;
	v3 =	vpop (erf)  }
0x1fb: {  	v4 =	vpop (erf);
	v3 =	vadd.f32 v3, v3;
	(erf) = vrcp.f32 v2  }
0x1fc: {  	s15 =	simm.s32 $0x0;
	s16 =	simm.s32 $0x3E50;
	[tilespmem:s14+$0xFFFFFF00] =	vst v5;
	v2 =	vadd.f32 v4, v4;
	v4 =	vpop (erf)  }
.LBB2_13:
0x1fd: {  	v5 =	vld [tilespmem:s16+$0xFFFFFF00];
	s15 =	sadd.s32 $0x8, s15;
	v3 =	vsub.f32 $1.000000000e+00, v3;
	v4 =	vadd.f32 v4, v4;
	v6 =	vpop (erf)  }
0x1fe: {  	p0 =	slt.u32 s15, $0x38;
	v6 =	vadd.f32 v6, v6;
	v2 =	vsub.f32 $1.000000000e+00, v2;
	v7 =	vpop (erf)  }
0x1ff: {  	[tilespmem:s14+$0xFFFFFE00] =	vst v3;
	v3 =	vadd.f32 v7, v7;
	v4 =	vsub.f32 $1.000000000e+00, v4;
	v7 =	vpop (erf)  }
0x200: {  	v8 =	vld [tilespmem:s16+$0xFFFFFE00];
	v7 =	vadd.f32 v7, v7;
	v6 =	vsub.f32 $1.000000000e+00, v6;
	[tilespmem:s14+$0x180] =	vst v2  }
0x201: {  	v2 =	vld [tilespmem:s16+$0x180];
	v3 =	vsub.f32 $1.000000000e+00, v3;
	[tilespmem:s14+$0x100] =	vst v4  }
0x202: {  	v4 =	vmul.f32 v5, v0;
	v5 =	vld [tilespmem:s16+$0x100];
	v9 =	vsub.f32 $1.000000000e+00, v7;
	[tilespmem:s14+$0x80] =	vst v6  }
0x203: {  	v6 =	vld [tilespmem:s16+$0x80];
	[tilespmem:s14+$0x0] =	vst v3  }
0x204: {  	v3 =	vadd.f32 v4, v1;
	v4 =	vld [tilespmem:s16+$0x0];
	[tilespmem:s14+$0xFFFFFF80] =	vst v9;
	v7 =	vpop (erf)  }
0x205: {  	v8 =	vmul.f32 v8, v0;
	v9 =	vld [tilespmem:s16+$0xFFFFFF80];
	v7 =	vadd.f32 v7, v7  }
0x206: {  	v3 =	vmul.f32 $1.442695020e+00, v3;
	v2 =	vmul.f32 v2, v0  }
0x207: {  	v8 =	vadd.f32 v8, v1;
	v5 =	vmul.f32 v5, v0;
	v7 =	vsub.f32 $1.000000000e+00, v7  }
0x208: {  	v6 =	vmul.f32 v6, v0;
	v2 =	vadd.f32 v2, v1;
	(erf) = vpow2.f32 v3  }
0x209: {  	v3 =	vmul.f32 $1.442695020e+00, v8;
	v4 =	vmul.f32 v4, v0;
	v5 =	vadd.f32 v5, v1;
	[tilespmem:s14+$0xFFFFFE80] =	vst v7;
	s14 =	smov.u32 s16  }
0x20a: {  	v7 =	vld [tilespmem:s16+$0xFFFFFE80];
	v8 =	vmul.f32 v9, v0;
	v6 =	vadd.f32 v6, v1;
	v2 =	vmul.f32 $1.442695020e+00, v2  }
0x20b: {  	v4 =	vadd.f32 v4, v1;
	v5 =	vmul.f32 $1.442695020e+00, v5;
	(erf) = vpow2.f32 v3  }
0x20c: {  	v3 =	vadd.f32 v8, v1;
	v6 =	vmul.f32 $1.442695020e+00, v6;
	(erf) = vpow2.f32 v2  }
0x20d: {  	v2 =	vmul.f32 $1.442695020e+00, v4;
	(erf) = vpow2.f32 v5  }
0x20e: {  	v5 =	vmul.f32 $1.442695020e+00, v3;
	(erf) = vpow2.f32 v6  }
0x20f: {  	v4 =	vmul.f32 v7, v0;
	(erf) = vpow2.f32 v2  }
0x210: {  	(erf) = vpow2.f32 v5  }
0x211: {  	v2 =	vadd.f32 v4, v1;
	v3 =	vpop (erf)  }
0x212: {  	v3 =	vadd.f32 $1.000000000e+00, v3  }
0x213: {  	v5 =	vmul.f32 $1.442695020e+00, v2  }
0x214: {  	v4 =	vpop (erf);
	(erf) = vrcp.f32 v3  }
0x215: {  	v6 =	vadd.f32 $1.000000000e+00, v4;
	(erf) = vpow2.f32 v5;
	v2 =	vpop (erf)  }
0x216: {  	v2 =	vadd.f32 $1.000000000e+00, v2;
	v4 =	vpop (erf)  }
0x217: {  	v4 =	vadd.f32 $1.000000000e+00, v4;
	(erf) = vrcp.f32 v6;
	v3 =	vpop (erf)  }
0x218: {  	v3 =	vadd.f32 $1.000000000e+00, v3;
	v5 =	vpop (erf);
	(erf) = vrcp.f32 v2  }
0x219: {  	v2 =	vadd.f32 $1.000000000e+00, v5;
	v5 =	vpop (erf);
	(erf) = vrcp.f32 v4  }
0x21a: {  	v4 =	vadd.f32 $1.000000000e+00, v5;
	(erf) = vrcp.f32 v3  }
0x21b: {  	(erf) = vrcp.f32 v2  }
0x21c: {  	(erf) = vrcp.f32 v4  }
0x21d: {  	v2 =	vpop (erf)  }
.Ltmp5:
0x21e: {  	v2 =	vadd.f32 v2, v2;
	v3 =	vpop (erf);
	(pc) =	sbr.rel @p0 .LBB2_13-.Ltmp5, $4  }
0x21f: {  	v5 =	vadd.f32 $1.000000000e+00, v3  }
0x220: {  	v2 =	vsub.f32 $1.000000000e+00, v2;
	v3 =	vpop (erf)  }
0x221: {  	v3 =	vadd.f32 v3, v3;
	(erf) = vrcp.f32 v5;
	v4 =	vpop (erf)  }
0x222: {  	s16 =	sadd.s32 $0x400, s16;
	[tilespmem:s14+$0xFFFFFF00] =	vst v2;
	v2 =	vadd.f32 v4, v4;
	v4 =	vpop (erf)  }
0x223: {  	_ =	sdelay $0x2  }
0x224: {  	v2 =	vsub.f32 $1.000000000e+00, v2  }
0x225: {  	v0 =	vsub.f32 $1.000000000e+00, v3;
	v1 =	vadd.f32 v4, v4;
	v3 =	vpop (erf)  }
0x226: {  	v3 =	vadd.f32 v3, v3;
	v4 =	vpop (erf)  }
0x227: {  	[tilespmem:s14+$0xFFFFFE00] =	vst v0;
	v0 =	vadd.f32 v4, v4;
	v1 =	vsub.f32 $1.000000000e+00, v1;
	v4 =	vpop (erf)  }
0x228: {  	v4 =	vadd.f32 v4, v4;
	v3 =	vsub.f32 $1.000000000e+00, v3;
	[tilespmem:s14+$0x180] =	vst v2;
	v2 =	vpop (erf)  }
0x229: {  	v0 =	vsub.f32 $1.000000000e+00, v0;
	[tilespmem:s14+$0x100] =	vst v1;
	v1 =	vadd.f32 v2, v2  }
0x22a: {  	[tilespmem:s14+$0x80] =	vst v3;
	v2 =	vsub.f32 $1.000000000e+00, v4  }
0x22b: {  	[tilespmem:s14+$0x0] =	vst v0;
	v0 =	vsub.f32 $1.000000000e+00, v1  }
0x22c: {  	[tilespmem:s14+$0xFFFFFF80] =	vst v2  }
0x22d: {  	s31 =	sor.u32 $0x60, s13;
	[tilespmem:s14+$0xFFFFFE80] =	vst v0  }
0x22e: {  	s14 =	simm.s32 $0x3A60;
	v0 =	vld [tilespmem:s31+$0x0]  }
0x22f: {  	v2 =	vld [tilespmem:s14+$0xFFFFFF00]  }
0x230: {  	v1 =	vld [tilespmem:s13+$0x1C60]  }
0x231: {  	v3 =	vld [tilespmem:s14+$0xFFFFFE00]  }
0x232: {  	v4 =	vld [tilespmem:s14+$0x180]  }
0x233: {  	v5 =	vld [tilespmem:s14+$0x100]  }
0x234: {  	v2 =	vmul.f32 v2, v0;
	_ =	sdelay $0x1  }
0x235: {  	v6 =	vld [tilespmem:s14+$0x80];
	v3 =	vmul.f32 v3, v0;
	v2 =	vadd.f32 v2, v1  }
0x236: {  	v4 =	vmul.f32 v4, v0  }
0x237: {  	v8 =	vld [tilespmem:s14+$0xFFFFFF80];
	v5 =	vmul.f32 v5, v0;
	v3 =	vadd.f32 v3, v1;
	v2 =	vmul.f32 $1.442695020e+00, v2  }
0x238: {  	v7 =	vld [tilespmem:s14+$0x0];
	v4 =	vadd.f32 v4, v1  }
0x239: {  	(erf) = vpow2.f32 v2;
	v2 =	vmul.f32 $1.442695020e+00, v3;
	v3 =	vadd.f32 v5, v1  }
0x23a: {  	v4 =	vmul.f32 $1.442695020e+00, v4;
	v5 =	vmul.f32 v6, v0  }
0x23b: {  	v3 =	vmul.f32 $1.442695020e+00, v3;
	(erf) = vpow2.f32 v2  }
0x23c: {  	v6 =	vld [tilespmem:s14+$0xFFFFFE80];
	v5 =	vadd.f32 v5, v1;
	(erf) = vpow2.f32 v4;
	v4 =	vmul.f32 v8, v0  }
0x23d: {  	v2 =	vmul.f32 v7, v0  }
0x23e: {  	(erf) = vpow2.f32 v3;
	v3 =	vadd.f32 v4, v1;
	v4 =	vmul.f32 $1.442695020e+00, v5  }
0x23f: {  	v2 =	vadd.f32 v2, v1;
	_ =	sdelay $0x1  }
0x240: {  	v5 =	vmul.f32 v6, v0;
	v2 =	vmul.f32 $1.442695020e+00, v2  }
0x241: {  	v3 =	vmul.f32 $1.442695020e+00, v3;
	(erf) = vpow2.f32 v4;
	v4 =	vpop (erf)  }
0x242: {  	v4 =	vadd.f32 $1.000000000e+00, v4  }
0x243: {  	(erf) = vpow2.f32 v2;
	v2 =	vadd.f32 v5, v1;
	_ =	sdelay $0x1  }
0x244: {  	(erf) = vpow2.f32 v3;
	v2 =	vmul.f32 $1.442695020e+00, v2;
	v3 =	vpop (erf)  }
0x245: {  	(erf) = vrcp.f32 v4;
	v4 =	vpop (erf)  }
0x246: {  	(erf) = vpow2.f32 v2;
	v2 =	vadd.f32 $1.000000000e+00, v4  }
0x247: {  	v3 =	vadd.f32 $1.000000000e+00, v3  }
0x248: {  	v4 =	vpop (erf)  }
0x249: {  	(erf) = vrcp.f32 v3;
	v4 =	vadd.f32 $1.000000000e+00, v4  }
0x24a: {  	(erf) = vrcp.f32 v2;
	v2 =	vpop (erf)  }
0x24b: {  	v2 =	vadd.f32 $1.000000000e+00, v2  }
0x24c: {  	v3 =	vpop (erf)  }
0x24d: {  	(erf) = vrcp.f32 v4;
	v4 =	vpop (erf);
	v3 =	vadd.f32 $1.000000000e+00, v3  }
0x24e: {  	v5 =	vpop (erf);
	v4 =	vadd.f32 $1.000000000e+00, v4;
	(erf) = vrcp.f32 v2  }
0x24f: {  	v2 =	vpop (erf);
	(erf) = vrcp.f32 v3  }
0x250: {  	(erf) = vrcp.f32 v4;
	_ =	sdelay $0x1  }
0x251: {  	v5 =	vadd.f32 v5, v5  }
0x252: {  	v2 =	vadd.f32 $1.000000000e+00, v2  }
0x253: {  	v5 =	vsub.f32 $1.000000000e+00, v5;
	v3 =	vpop (erf)  }
0x254: {  	v4 =	vpop (erf);
	v3 =	vadd.f32 v3, v3;
	(erf) = vrcp.f32 v2  }
0x255: {  	s15 =	simm.s32 $0x0;
	s16 =	simm.s32 $0x3E60;
	[tilespmem:s14+$0xFFFFFF00] =	vst v5;
	v2 =	vadd.f32 v4, v4;
	v4 =	vpop (erf)  }
.LBB2_15:
0x256: {  	v5 =	vld [tilespmem:s16+$0xFFFFFF00];
	s15 =	sadd.s32 $0x8, s15;
	v3 =	vsub.f32 $1.000000000e+00, v3;
	v4 =	vadd.f32 v4, v4;
	v6 =	vpop (erf)  }
0x257: {  	p0 =	slt.u32 s15, $0x38;
	v6 =	vadd.f32 v6, v6;
	v2 =	vsub.f32 $1.000000000e+00, v2;
	v7 =	vpop (erf)  }
0x258: {  	[tilespmem:s14+$0xFFFFFE00] =	vst v3;
	v3 =	vadd.f32 v7, v7;
	v4 =	vsub.f32 $1.000000000e+00, v4;
	v7 =	vpop (erf)  }
0x259: {  	v8 =	vld [tilespmem:s16+$0xFFFFFE00];
	v7 =	vadd.f32 v7, v7;
	v6 =	vsub.f32 $1.000000000e+00, v6;
	[tilespmem:s14+$0x180] =	vst v2  }
0x25a: {  	v2 =	vld [tilespmem:s16+$0x180];
	v3 =	vsub.f32 $1.000000000e+00, v3;
	[tilespmem:s14+$0x100] =	vst v4  }
0x25b: {  	v4 =	vmul.f32 v5, v0;
	v5 =	vld [tilespmem:s16+$0x100];
	v9 =	vsub.f32 $1.000000000e+00, v7;
	[tilespmem:s14+$0x80] =	vst v6  }
0x25c: {  	v6 =	vld [tilespmem:s16+$0x80];
	[tilespmem:s14+$0x0] =	vst v3  }
0x25d: {  	v3 =	vadd.f32 v4, v1;
	v4 =	vld [tilespmem:s16+$0x0];
	[tilespmem:s14+$0xFFFFFF80] =	vst v9;
	v7 =	vpop (erf)  }
0x25e: {  	v8 =	vmul.f32 v8, v0;
	v9 =	vld [tilespmem:s16+$0xFFFFFF80];
	v7 =	vadd.f32 v7, v7  }
0x25f: {  	v3 =	vmul.f32 $1.442695020e+00, v3;
	v2 =	vmul.f32 v2, v0  }
0x260: {  	v8 =	vadd.f32 v8, v1;
	v5 =	vmul.f32 v5, v0;
	v7 =	vsub.f32 $1.000000000e+00, v7  }
0x261: {  	v6 =	vmul.f32 v6, v0;
	v2 =	vadd.f32 v2, v1;
	(erf) = vpow2.f32 v3  }
0x262: {  	v3 =	vmul.f32 $1.442695020e+00, v8;
	v4 =	vmul.f32 v4, v0;
	v5 =	vadd.f32 v5, v1;
	[tilespmem:s14+$0xFFFFFE80] =	vst v7;
	s14 =	smov.u32 s16  }
0x263: {  	v7 =	vld [tilespmem:s16+$0xFFFFFE80];
	v8 =	vmul.f32 v9, v0;
	v6 =	vadd.f32 v6, v1;
	v2 =	vmul.f32 $1.442695020e+00, v2  }
0x264: {  	v4 =	vadd.f32 v4, v1;
	v5 =	vmul.f32 $1.442695020e+00, v5;
	(erf) = vpow2.f32 v3  }
0x265: {  	v3 =	vadd.f32 v8, v1;
	v6 =	vmul.f32 $1.442695020e+00, v6;
	(erf) = vpow2.f32 v2  }
0x266: {  	v2 =	vmul.f32 $1.442695020e+00, v4;
	(erf) = vpow2.f32 v5  }
0x267: {  	v5 =	vmul.f32 $1.442695020e+00, v3;
	(erf) = vpow2.f32 v6  }
0x268: {  	v4 =	vmul.f32 v7, v0;
	(erf) = vpow2.f32 v2  }
0x269: {  	(erf) = vpow2.f32 v5  }
0x26a: {  	v2 =	vadd.f32 v4, v1;
	v3 =	vpop (erf)  }
0x26b: {  	v3 =	vadd.f32 $1.000000000e+00, v3  }
0x26c: {  	v5 =	vmul.f32 $1.442695020e+00, v2  }
0x26d: {  	v4 =	vpop (erf);
	(erf) = vrcp.f32 v3  }
0x26e: {  	v6 =	vadd.f32 $1.000000000e+00, v4;
	(erf) = vpow2.f32 v5;
	v2 =	vpop (erf)  }
0x26f: {  	v2 =	vadd.f32 $1.000000000e+00, v2;
	v4 =	vpop (erf)  }
0x270: {  	v4 =	vadd.f32 $1.000000000e+00, v4;
	(erf) = vrcp.f32 v6;
	v3 =	vpop (erf)  }
0x271: {  	v3 =	vadd.f32 $1.000000000e+00, v3;
	v5 =	vpop (erf);
	(erf) = vrcp.f32 v2  }
0x272: {  	v2 =	vadd.f32 $1.000000000e+00, v5;
	v5 =	vpop (erf);
	(erf) = vrcp.f32 v4  }
0x273: {  	v4 =	vadd.f32 $1.000000000e+00, v5;
	(erf) = vrcp.f32 v3  }
0x274: {  	(erf) = vrcp.f32 v2  }
0x275: {  	(erf) = vrcp.f32 v4  }
0x276: {  	v2 =	vpop (erf)  }
.Ltmp6:
0x277: {  	v2 =	vadd.f32 v2, v2;
	v3 =	vpop (erf);
	(pc) =	sbr.rel @p0 .LBB2_15-.Ltmp6, $4  }
0x278: {  	v5 =	vadd.f32 $1.000000000e+00, v3  }
0x279: {  	v2 =	vsub.f32 $1.000000000e+00, v2;
	v3 =	vpop (erf)  }
0x27a: {  	v3 =	vadd.f32 v3, v3;
	(erf) = vrcp.f32 v5;
	v4 =	vpop (erf)  }
0x27b: {  	s16 =	sadd.s32 $0x400, s16;
	[tilespmem:s14+$0xFFFFFF00] =	vst v2;
	v2 =	vadd.f32 v4, v4;
	v4 =	vpop (erf)  }
0x27c: {  	_ =	sdelay $0x2  }
0x27d: {  	v2 =	vsub.f32 $1.000000000e+00, v2  }
0x27e: {  	v0 =	vsub.f32 $1.000000000e+00, v3;
	v1 =	vadd.f32 v4, v4;
	v3 =	vpop (erf)  }
0x27f: {  	v3 =	vadd.f32 v3, v3;
	v4 =	vpop (erf)  }
0x280: {  	[tilespmem:s14+$0xFFFFFE00] =	vst v0;
	v0 =	vadd.f32 v4, v4;
	v1 =	vsub.f32 $1.000000000e+00, v1;
	v4 =	vpop (erf)  }
0x281: {  	v4 =	vadd.f32 v4, v4;
	v3 =	vsub.f32 $1.000000000e+00, v3;
	[tilespmem:s14+$0x180] =	vst v2;
	v2 =	vpop (erf)  }
0x282: {  	v0 =	vsub.f32 $1.000000000e+00, v0;
	[tilespmem:s14+$0x100] =	vst v1;
	v1 =	vadd.f32 v2, v2  }
0x283: {  	[tilespmem:s14+$0x80] =	vst v3;
	v2 =	vsub.f32 $1.000000000e+00, v4  }
0x284: {  	[tilespmem:s14+$0x0] =	vst v0;
	v0 =	vsub.f32 $1.000000000e+00, v1  }
0x285: {  	[tilespmem:s14+$0xFFFFFF80] =	vst v2  }
0x286: {  	s31 =	sor.u32 $0x70, s13;
	[tilespmem:s14+$0xFFFFFE80] =	vst v0  }
0x287: {  	s14 =	simm.s32 $0x3A70;
	v0 =	vld [tilespmem:s31+$0x0]  }
0x288: {  	v2 =	vld [tilespmem:s14+$0xFFFFFF00]  }
0x289: {  	v1 =	vld [tilespmem:s13+$0x1C70]  }
0x28a: {  	v3 =	vld [tilespmem:s14+$0xFFFFFE00]  }
0x28b: {  	v4 =	vld [tilespmem:s14+$0x180]  }
0x28c: {  	v5 =	vld [tilespmem:s14+$0x100]  }
0x28d: {  	v2 =	vmul.f32 v2, v0;
	_ =	sdelay $0x1  }
0x28e: {  	v6 =	vld [tilespmem:s14+$0x80];
	v3 =	vmul.f32 v3, v0;
	v2 =	vadd.f32 v2, v1  }
0x28f: {  	v4 =	vmul.f32 v4, v0  }
0x290: {  	v8 =	vld [tilespmem:s14+$0xFFFFFF80];
	v5 =	vmul.f32 v5, v0;
	v3 =	vadd.f32 v3, v1;
	v2 =	vmul.f32 $1.442695020e+00, v2  }
0x291: {  	v7 =	vld [tilespmem:s14+$0x0];
	v4 =	vadd.f32 v4, v1  }
0x292: {  	(erf) = vpow2.f32 v2;
	v2 =	vmul.f32 $1.442695020e+00, v3;
	v3 =	vadd.f32 v5, v1  }
0x293: {  	v4 =	vmul.f32 $1.442695020e+00, v4;
	v5 =	vmul.f32 v6, v0  }
0x294: {  	v3 =	vmul.f32 $1.442695020e+00, v3;
	(erf) = vpow2.f32 v2  }
0x295: {  	v6 =	vld [tilespmem:s14+$0xFFFFFE80];
	v5 =	vadd.f32 v5, v1;
	(erf) = vpow2.f32 v4;
	v4 =	vmul.f32 v8, v0  }
0x296: {  	v2 =	vmul.f32 v7, v0  }
0x297: {  	(erf) = vpow2.f32 v3;
	v3 =	vadd.f32 v4, v1;
	v4 =	vmul.f32 $1.442695020e+00, v5  }
0x298: {  	v2 =	vadd.f32 v2, v1;
	_ =	sdelay $0x1  }
0x299: {  	v5 =	vmul.f32 v6, v0;
	v2 =	vmul.f32 $1.442695020e+00, v2  }
0x29a: {  	v3 =	vmul.f32 $1.442695020e+00, v3;
	(erf) = vpow2.f32 v4;
	v4 =	vpop (erf)  }
0x29b: {  	v4 =	vadd.f32 $1.000000000e+00, v4  }
0x29c: {  	(erf) = vpow2.f32 v2;
	v2 =	vadd.f32 v5, v1;
	_ =	sdelay $0x1  }
0x29d: {  	(erf) = vpow2.f32 v3;
	v2 =	vmul.f32 $1.442695020e+00, v2;
	v3 =	vpop (erf)  }
0x29e: {  	(erf) = vrcp.f32 v4;
	v4 =	vpop (erf)  }
0x29f: {  	(erf) = vpow2.f32 v2;
	v2 =	vadd.f32 $1.000000000e+00, v4  }
0x2a0: {  	v3 =	vadd.f32 $1.000000000e+00, v3  }
0x2a1: {  	v4 =	vpop (erf)  }
0x2a2: {  	(erf) = vrcp.f32 v3;
	v4 =	vadd.f32 $1.000000000e+00, v4  }
0x2a3: {  	(erf) = vrcp.f32 v2;
	v2 =	vpop (erf)  }
0x2a4: {  	v2 =	vadd.f32 $1.000000000e+00, v2  }
0x2a5: {  	v3 =	vpop (erf)  }
0x2a6: {  	(erf) = vrcp.f32 v4;
	v4 =	vpop (erf);
	v3 =	vadd.f32 $1.000000000e+00, v3  }
0x2a7: {  	v5 =	vpop (erf);
	v4 =	vadd.f32 $1.000000000e+00, v4;
	(erf) = vrcp.f32 v2  }
0x2a8: {  	v2 =	vpop (erf);
	(erf) = vrcp.f32 v3  }
0x2a9: {  	(erf) = vrcp.f32 v4;
	_ =	sdelay $0x1  }
0x2aa: {  	v5 =	vadd.f32 v5, v5  }
0x2ab: {  	v2 =	vadd.f32 $1.000000000e+00, v2  }
0x2ac: {  	v5 =	vsub.f32 $1.000000000e+00, v5;
	v3 =	vpop (erf)  }
0x2ad: {  	v4 =	vpop (erf);
	v3 =	vadd.f32 v3, v3;
	(erf) = vrcp.f32 v2  }
0x2ae: {  	s15 =	simm.s32 $0x3E70;
	s13 =	simm.s32 $0x0;
	[tilespmem:s14+$0xFFFFFF00] =	vst v5;
	v2 =	vadd.f32 v4, v4;
	v4 =	vpop (erf)  }
.LBB2_17:
0x2af: {  	v5 =	vld [tilespmem:s15+$0xFFFFFF00];
	s13 =	sadd.s32 $0x8, s13;
	v3 =	vsub.f32 $1.000000000e+00, v3;
	v4 =	vadd.f32 v4, v4;
	v6 =	vpop (erf)  }
0x2b0: {  	p0 =	slt.u32 s13, $0x38;
	v6 =	vadd.f32 v6, v6;
	v2 =	vsub.f32 $1.000000000e+00, v2;
	v7 =	vpop (erf)  }
0x2b1: {  	[tilespmem:s14+$0xFFFFFE00] =	vst v3;
	v3 =	vadd.f32 v7, v7;
	v4 =	vsub.f32 $1.000000000e+00, v4;
	v7 =	vpop (erf)  }
0x2b2: {  	v8 =	vld [tilespmem:s15+$0xFFFFFE00];
	v7 =	vadd.f32 v7, v7;
	v6 =	vsub.f32 $1.000000000e+00, v6;
	[tilespmem:s14+$0x180] =	vst v2  }
0x2b3: {  	v2 =	vld [tilespmem:s15+$0x180];
	v3 =	vsub.f32 $1.000000000e+00, v3;
	[tilespmem:s14+$0x100] =	vst v4  }
0x2b4: {  	v4 =	vmul.f32 v5, v0;
	v5 =	vld [tilespmem:s15+$0x100];
	v9 =	vsub.f32 $1.000000000e+00, v7;
	[tilespmem:s14+$0x80] =	vst v6  }
0x2b5: {  	v6 =	vld [tilespmem:s15+$0x80];
	[tilespmem:s14+$0x0] =	vst v3  }
0x2b6: {  	v3 =	vadd.f32 v4, v1;
	v4 =	vld [tilespmem:s15+$0x0];
	[tilespmem:s14+$0xFFFFFF80] =	vst v9;
	v7 =	vpop (erf)  }
0x2b7: {  	v8 =	vmul.f32 v8, v0;
	v9 =	vld [tilespmem:s15+$0xFFFFFF80];
	v7 =	vadd.f32 v7, v7  }
0x2b8: {  	v3 =	vmul.f32 $1.442695020e+00, v3;
	v2 =	vmul.f32 v2, v0  }
0x2b9: {  	v8 =	vadd.f32 v8, v1;
	v5 =	vmul.f32 v5, v0;
	v7 =	vsub.f32 $1.000000000e+00, v7  }
0x2ba: {  	v6 =	vmul.f32 v6, v0;
	v2 =	vadd.f32 v2, v1;
	(erf) = vpow2.f32 v3  }
0x2bb: {  	v3 =	vmul.f32 $1.442695020e+00, v8;
	v4 =	vmul.f32 v4, v0;
	v5 =	vadd.f32 v5, v1;
	[tilespmem:s14+$0xFFFFFE80] =	vst v7;
	s14 =	smov.u32 s15  }
0x2bc: {  	v7 =	vld [tilespmem:s15+$0xFFFFFE80];
	v8 =	vmul.f32 v9, v0;
	v6 =	vadd.f32 v6, v1;
	v2 =	vmul.f32 $1.442695020e+00, v2  }
0x2bd: {  	v4 =	vadd.f32 v4, v1;
	v5 =	vmul.f32 $1.442695020e+00, v5;
	(erf) = vpow2.f32 v3  }
0x2be: {  	v3 =	vadd.f32 v8, v1;
	v6 =	vmul.f32 $1.442695020e+00, v6;
	(erf) = vpow2.f32 v2  }
0x2bf: {  	v2 =	vmul.f32 $1.442695020e+00, v4;
	(erf) = vpow2.f32 v5  }
0x2c0: {  	v5 =	vmul.f32 $1.442695020e+00, v3;
	(erf) = vpow2.f32 v6  }
0x2c1: {  	v4 =	vmul.f32 v7, v0;
	(erf) = vpow2.f32 v2  }
0x2c2: {  	(erf) = vpow2.f32 v5  }
0x2c3: {  	v2 =	vadd.f32 v4, v1;
	v3 =	vpop (erf)  }
0x2c4: {  	v3 =	vadd.f32 $1.000000000e+00, v3  }
0x2c5: {  	v5 =	vmul.f32 $1.442695020e+00, v2  }
0x2c6: {  	v4 =	vpop (erf);
	(erf) = vrcp.f32 v3  }
0x2c7: {  	v6 =	vadd.f32 $1.000000000e+00, v4;
	(erf) = vpow2.f32 v5;
	v2 =	vpop (erf)  }
0x2c8: {  	v2 =	vadd.f32 $1.000000000e+00, v2;
	v4 =	vpop (erf)  }
0x2c9: {  	v4 =	vadd.f32 $1.000000000e+00, v4;
	(erf) = vrcp.f32 v6;
	v3 =	vpop (erf)  }
0x2ca: {  	v3 =	vadd.f32 $1.000000000e+00, v3;
	v5 =	vpop (erf);
	(erf) = vrcp.f32 v2  }
0x2cb: {  	v2 =	vadd.f32 $1.000000000e+00, v5;
	v5 =	vpop (erf);
	(erf) = vrcp.f32 v4  }
0x2cc: {  	v4 =	vadd.f32 $1.000000000e+00, v5;
	(erf) = vrcp.f32 v3  }
0x2cd: {  	(erf) = vrcp.f32 v2  }
0x2ce: {  	(erf) = vrcp.f32 v4  }
0x2cf: {  	v2 =	vpop (erf)  }
.Ltmp7:
0x2d0: {  	v2 =	vadd.f32 v2, v2;
	v3 =	vpop (erf);
	(pc) =	sbr.rel @p0 .LBB2_17-.Ltmp7, $4  }
0x2d1: {  	v5 =	vadd.f32 $1.000000000e+00, v3  }
0x2d2: {  	v2 =	vsub.f32 $1.000000000e+00, v2;
	v3 =	vpop (erf)  }
0x2d3: {  	v3 =	vadd.f32 v3, v3;
	(erf) = vrcp.f32 v5;
	v4 =	vpop (erf)  }
0x2d4: {  	s15 =	sadd.s32 $0x400, s15;
	[tilespmem:s14+$0xFFFFFF00] =	vst v2;
	v2 =	vadd.f32 v4, v4;
	v4 =	vpop (erf)  }
0x2d5: {  	_ =	sdelay $0x3  }
0x2d6: {  	v0 =	vsub.f32 $1.000000000e+00, v3;
	v1 =	vadd.f32 v4, v4;
	v56 =	vpop (erf)  }
0x2d7: {  	v3 =	vadd.f32 v56, v56;
	v2 =	vsub.f32 $1.000000000e+00, v2;
	v57 =	vpop (erf)  }
0x2d8: {  	s12 =	sadd.s32 $0x1, s12;
	[tilespmem:s14+$0xFFFFFE00] =	vst v0;
	v58 =	vadd.f32 v57, v57;
	v1 =	vsub.f32 $1.000000000e+00, v1;
	v59 =	vpop (erf)  }
0x2d9: {  	p0 =	sne.s32 s12, $0x32;
	v4 =	vadd.f32 v59, v59;
	v3 =	vsub.f32 $1.000000000e+00, v3;
	[tilespmem:s14+$0x180] =	vst v2;
	v60 =	vpop (erf)  }
.Ltmp8:
0x2da: {  	v0 =	vsub.f32 $1.000000000e+00, v58;
	[tilespmem:s14+$0x100] =	vst v1;
	v61 =	vadd.f32 v60, v60;
	(pc) =	sbr.rel @p0 .LBB2_2-.Ltmp8, $4  }
0x2db: {  	v62 =	vsub.f32 $1.000000000e+00, v4;
	[tilespmem:s14+$0x80] =	vst v3  }
0x2dc: {  	[tilespmem:s14+$0x0] =	vst v0;
	v63 =	vsub.f32 $1.000000000e+00, v61  }
0x2dd: {  	[tilespmem:s14+$0xFFFFFF80] =	vst v62  }
0x2de: {  	[tilespmem:s14+$0xFFFFFE80] =	vst v63  }
0x2df: {  	s11 =	sadd.s32 $0x1, s11  }
0x2e0: {  	p0 =	sne.s32 s11, s7  }
.Ltmp9:
0x2e1: {  	_ = 	snop;
	(pc) =	sbr.rel @p0 .LBB2_1-.Ltmp9, $4  }
0x2e2: {  	[hbm4b:s6+s1] =	stream.linear.scatter [tilespmem:s10], [sflag:$0x1], $0x2000, $0x38;
	[tilespmem:$0x5800] =	vst v63  }
0x2e3: {  	_ =	swait.ge [sflag:s8], $0x2000  }
0x2e4: {  	[sflag:s8] =	ssyncset.done $0x0  }
0x2e5: {  	[sflag:s8] =	ssyncadd.s32 $0xFFFFE000  }
0x2e6: {  	_ =	sfence.sel $0x180000  }
0x2e7: {  	[bflag:$0x0] =	sbarrier.arrive $0xFFFF  }
0x2e8: {  	p0 =	sne.s32 s2, $0x0;
	_ =	strace $0x90000047  }
0x2e9: {  	s0 =	sadd.s32 @!p0 $0x100000, s0;
	[bflag:$0x2] =	sbarrier.arrive $0xFFFF  }
0x2ea: {  	[sflag:s0] =	ssyncadd.tile.s32 @!p0 $0x1;
	_ =	shalt  }
.Lfunc_end2:
_tile_overlayer_lowered:
.L_overlay_start_2:
0x2eb: {  	(tag) =	ssettag $0x2  }
0x2ec: {  	s0 =	rddreg [dreg:$0x0];
	s2 =	stileid.u32  }
0x2ed: {  	s1 =	rddreg [dreg:$0x1];
	p0 =	sne.s32 s2, $0x0  }
0x2ee: {  	s3 =	rddreg [dreg:$0x2];
	[bflag:$0x3] =	sbarrier.arrive $0xFFFF;
	s2 =	simm.s32 @!p0 $0x1C01  }
0x2ef: {  	[timem:s3], [sflag:s2] =	dma.local @!p0 [hbm:s0], s1  }
0x2f0: {  	s0 =	simm.s32 @!p0 $0x1  }
0x2f1: {  	_ =	swait.ge @!p0 [sflag:s0], s1  }
0x2f2: {  	s1 =	ssub.s32 @!p0 $0x0, s1;
	[sflag:s0] =	ssyncset.done @!p0 $0x0  }
0x2f3: {  	[sflag:s0] =	ssyncadd.s32 @!p0 s1  }
0x2f4: {  	[bflag:$0x3] =	sbarrier.arrive $0xFFFF  }
0x2f5: {  	_ =	shalt  }

</sc_bundles>
